<compile_context>
chip_gen: v7x
topology: tpu7x:2x2x1
jax: 0.10.2.dev20260603
libtpu: 0.0.44.dev20260713+nightly
codegen_flags: <defaults>
</compile_context>

<pallas_src>
import functools

import jax
import jax.numpy as jnp
from jax import lax
from jax.experimental import pallas as pl
from jax.experimental.pallas import tpu as pltpu
from jax.experimental.pallas import tpu_sc as plsc

N = 10000
D = 256
E = 160000
NPAD = 10240
EPAD = 163840
NC = 2
NS = 16
HALF = NPAD // NC
TRASH = 64
RPT = HALF // NS
ZPAD = NPAD - N

_MESH = plsc.VectorSubcoreMesh(core_axis_name="c", subcore_axis_name="s")


def _k1_body(dst2d_hbm, out_hbm, didx, ones_v, zbuf, degsp):
    c = lax.axis_index("c")
    s = lax.axis_index("s")
    wid = c * NS + s

    def _zero(i, carry):
        zbuf[pl.ds(i * 16, 16)] = jnp.zeros((16,), jnp.float32)
        return carry

    lax.fori_loop(0, (NPAD // NS) // 16, _zero, 0)
    pltpu.sync_copy(zbuf, degsp.at[pl.ds(s * (NPAD // NS), NPAD // NS)])
    for k in range(8):
        ones_v[pl.ds(k * 16, 16)] = jnp.ones((16,), jnp.float32)
    pltpu.sync_copy(dst2d_hbm.at[pl.ds(wid * 40, 40)], didx)
    plsc.subcore_barrier()

    def _scat(j, carry):
        pltpu.sync_copy(ones_v, degsp.at[didx.at[j]], add=True)
        return carry

    lax.fori_loop(0, 40, _scat, 0)
    plsc.subcore_barrier()
    pltpu.sync_copy(degsp.at[pl.ds(s * (NPAD // NS), NPAD // NS)], zbuf)
    pltpu.sync_copy(zbuf, out_hbm.at[pl.ds(c * NPAD + s * (NPAD // NS), NPAD // NS)])


_k1 = pl.kernel(
    _k1_body,
    out_type=jax.ShapeDtypeStruct((NC * NPAD,), jnp.float32),
    mesh=_MESH,
    scratch_types=[
        pltpu.VMEM((40, 128), jnp.int32),
        pltpu.VMEM((128,), jnp.float32),
        pltpu.VMEM((NPAD // NS,), jnp.float32),
        pltpu.VMEM_SHARED((NPAD,), jnp.float32),
    ],
)


def _k2_body(hn_ref, w_ref, degp_ref, z_ref):
    i = pl.program_id(0)
    dd = degp_ref[...]
    deg = dd[0] + dd[1] + 1.0
    dis = lax.rsqrt(deg)
    y = jnp.dot(hn_ref[...], w_ref[...], preferred_element_type=jnp.float32)
    row = i * 512 + lax.broadcasted_iota(jnp.int32, (512, 1), 0)
    z_ref[...] = jnp.where(row < N, y * dis[:, None], 0.0)


def _k2(hn, W, degp):
    nblk = NPAD // 512
    return pl.pallas_call(
        _k2_body,
        grid=(nblk, 2),
        in_specs=[
            pl.BlockSpec((512, D), lambda i, j: (i, 0)),
            pl.BlockSpec((D, DH), lambda i, j: (0, j)),
            pl.BlockSpec((NC, 512), lambda i, j: (0, i)),
        ],
        out_specs=pl.BlockSpec((512, DH), lambda i, j: (j * nblk + i, 0)),
        out_shape=jax.ShapeDtypeStruct((2 * NPAD, DH), jnp.float32),
    )(hn, W, degp)


DH = 128
GE = 64
EPT = EPAD // NS
NB = EPT // GE
NRING = 4


def _k3_body(z2_hbm, combo_hbm, out_hbm, *scr):
    cbuf = scr[0]
    sstage = scr[1:1 + NRING]
    dstage = scr[1 + NRING:1 + 2 * NRING]
    gbuf = scr[1 + 2 * NRING:1 + 3 * NRING]
    gsem = scr[1 + 3 * NRING:1 + 4 * NRING]
    acc_ref = scr[1 + 4 * NRING]
    c = lax.axis_index("c")
    s = lax.axis_index("s")
    zoff = c * NPAD

    npt = NPAD // NS
    for k in range(npt // GE):
        rb = s * npt + k * GE
        pltpu.sync_copy(z2_hbm.at[pl.ds(zoff + rb, GE)], gbuf[0])
        pltpu.sync_copy(gbuf[0], acc_ref.at[pl.ds(rb, GE)])

    pltpu.sync_copy(combo_hbm.at[pl.ds(s * EPT, EPT)], cbuf)
    plsc.subcore_barrier()

    def _fill(stage_s, stage_d, bn):
        for k in range(GE // 16):
            combo = cbuf[pl.ds(bn * GE + k * 16, 16)]
            stage_s[pl.ds(k * 16, 16)] = zoff + lax.bitwise_and(combo, 0x3FFF)
            stage_d[pl.ds(k * 16, 16)] = lax.shift_right_logical(combo, 14)

    for q in range(NRING):
        _fill(sstage[q], dstage[q], jnp.int32(q))
        pltpu.async_copy(z2_hbm.at[sstage[q]], gbuf[q], gsem[q])

    def _quad(j, carry):
        for q in range(NRING):
            b = NRING * j + q
            pltpu.make_async_copy(z2_hbm.at[sstage[q]], gbuf[q], gsem[q]).wait()
            pltpu.sync_copy(gbuf[q], acc_ref.at[dstage[q]], add=True)
            _fill(sstage[q], dstage[q], jnp.minimum(b + NRING, NB - 1))
            pltpu.async_copy(z2_hbm.at[sstage[q]], gbuf[q], gsem[q])
        return carry

    lax.fori_loop(0, NB // NRING - 1, _quad, 0)
    for q in range(NRING):
        pltpu.make_async_copy(z2_hbm.at[sstage[q]], gbuf[q], gsem[q]).wait()
        pltpu.sync_copy(gbuf[q], acc_ref.at[dstage[q]], add=True)
        _fill(sstage[q], dstage[q], jnp.int32(NB - 1))
        pltpu.async_copy(z2_hbm.at[sstage[q]], gbuf[q], gsem[q])
    for q in range(NRING):
        pltpu.make_async_copy(z2_hbm.at[sstage[q]], gbuf[q], gsem[q]).wait()

    plsc.subcore_barrier()
    for k in range(npt // (2 * GE)):    plsc.subcore_barrier()
    coff = c * DH
    for k in range(npt // (2 * GE)):
        rb = s * npt + k * 2 * GE
        pltpu.sync_copy(acc_ref.at[pl.ds(rb, GE)], gbuf[0])
        pltpu.sync_copy(acc_ref.at[pl.ds(rb + GE, GE)], gbuf[1])
        pltpu.sync_copy(gbuf[0], out_hbm.at[pl.ds(rb, GE), pl.ds(coff, DH)])
        pltpu.sync_copy(gbuf[1], out_hbm.at[pl.ds(rb + GE, GE), pl.ds(coff, DH)])


_k3 = pl.kernel(
    _k3_body,
    out_type=jax.ShapeDtypeStruct((NPAD, D), jnp.float32),
    mesh=_MESH,
    scratch_types=(
        [pltpu.VMEM((EPT,), jnp.int32)]
        + [pltpu.VMEM((GE,), jnp.int32) for _ in range(2 * NRING)]
        + [pltpu.VMEM((GE, DH), jnp.float32) for _ in range(NRING)]
        + [pltpu.SemaphoreType.DMA for _ in range(NRING)]
        + [pltpu.VMEM_SHARED((NPAD, DH), jnp.float32)]
    ),
)


def _k4_body(agg_ref, degt_ref, b_ref, o_ref):
    dd = degt_ref[...]
    deg = dd[:, 0] + dd[:, 1] + 1.0
    dis = lax.rsqrt(deg)[:, None]
    o_ref[...] = jnp.tanh(agg_ref[...] * dis + b_ref[...])


def _k4(agg, degt, b2d):
    return pl.pallas_call(
        _k4_body,
        grid=(N // 1000,),
        in_specs=[
            pl.BlockSpec((1000, D), lambda i: (i, 0)),
            pl.BlockSpec((1000, NC), lambda i: (i, 0)),
            pl.BlockSpec((1, D), lambda i: (0, 0)),
        ],
        out_specs=pl.BlockSpec((1000, D), lambda i: (i, 0)),
        out_shape=jax.ShapeDtypeStruct((N, D), jnp.float32),
    )(agg, degt, b2d)


def kernel(hn, edge_index, he, W, b):
    del he
    ei = edge_index.astype(jnp.int32)
    src, dst = ei[0], ei[1]
    npd = EPAD - E
    ar = jnp.arange(npd, dtype=jnp.int32)
    srcp = jnp.concatenate([src, N + ar % ZPAD])
    dstp = jnp.concatenate([dst, N + (ar * 7 + 13) % ZPAD])
    combo = srcp | (dstp << 14)
    dst2d = dstp.reshape(EPAD // 128, 128)
    degp = _k1(dst2d).reshape(NC, NPAD)
    z2 = _k2(hn, W, degp)
    degt = degp.T
    agg = _k3(z2, combo)
    return _k4(agg[:N], degt[:N], b.reshape(1, D))

# --- scband reference (transcript-rebuilt; emitter-appended) ---
"""Pipeline reference for scband-gcn-60653528154712 (READ-ONLY COPY).

The authoritative reference and input builder live on the scoring server;
editing this copy changes nothing except your own understanding.
"""

import jax, jax.numpy as jnp
import numpy as np

N_NODES = 10000
N_EDGES = 160000
D_IN = 256
D_OUT = 256
D_EDGE = 16


def gcn_conv(x, edge_index, W, b):
    # Faithful PyG GCNConv: symmetric normalization with self-loops.
    n = x.shape[0]
    x = x @ W
    src = edge_index[0]
    dst = edge_index[1]
    loop = jnp.arange(n, dtype=edge_index.dtype)
    src = jnp.concatenate([src, loop])
    dst = jnp.concatenate([dst, loop])
    deg = jnp.zeros((n,), dtype=x.dtype).at[dst].add(1.0)
    dis = jax.lax.rsqrt(deg)  # deg >= 1 because of self-loops
    norm = dis[src] * dis[dst]
    msgs = x[src] * norm[:, None]
    out = jnp.zeros((n, x.shape[1]), dtype=x.dtype).at[dst].add(msgs)
    return out + b


def setup_inputs(seed: int = 0) -> dict:
    key = jax.random.key(seed)
    k1, k2, k3, k4, k5 = jax.random.split(key, 5)
    hn = jax.random.normal(k1, (N_NODES, D_IN), dtype=jnp.float32)
    edge_index = jax.random.randint(k2, (2, N_EDGES), 0, N_NODES, dtype=jnp.int64)
    he = jax.random.normal(k3, (N_EDGES, D_EDGE), dtype=jnp.float32)
    # Glorot init for GCNConv weight, zeros bias (PyG default)
    limit = float(np.sqrt(6.0 / (D_IN + D_OUT)))
    W = jax.random.uniform(k4, (D_IN, D_OUT), dtype=jnp.float32, minval=-limit, maxval=limit)
    b = jnp.zeros((D_OUT,), dtype=jnp.float32)
    return {"hn": hn, "edge_index": edge_index, "he": he, "W": W, "b": b}


def reference(hn, edge_index, he, W, b):
    # data.hn = tanh(GCNConv(hn, edge_index)) + 0 * he.mean()
    out = jnp.tanh(gcn_conv(hn, edge_index, W, b)) + 0.0 * jnp.mean(he)
    return out

if __name__ == "__main__":
    import jax
    _d = setup_inputs()
    print(jax.jit(kernel)(*tuple(_d.values())))

</pallas_src>

<mosaic_0001>
#map = affine_map<(d0, d1) -> (0, 0)>
#map1 = affine_map<(d0, d1) -> (0)>
module attributes {stable_mosaic.version = 14 : i64} {
  func.func @_k1_body(%arg0: i32, %arg1: i32, %arg2: memref<1280x128xi32, #tpu.memory_space<hbm>>, %arg3: memref<20480xf32, #tpu.memory_space<hbm>>, %arg4: memref<40x128xi32, #tpu.memory_space<vmem>>, %arg5: memref<128xf32, #tpu.memory_space<vmem>>, %arg6: memref<640xf32, #tpu.memory_space<vmem>>, %arg7: memref<10240xf32, #tpu.memory_space<vmem_shared>>) attributes {dimension_semantics = [#tpu.dimension_semantics<core_parallel>, #tpu.dimension_semantics<subcore_parallel>], iteration_bounds = array<i64: 2, 16>, scalar_prefetch = 0 : i64, scratch_operands = 4 : i64, tpu.core_type = #tpu.core_type<sc_vector_subcore>, window_params = [{transform_indices = #map}, {transform_indices = #map1}]} {
    %mul3A = arith.constant 16 : i32
    %mul3A_0 = arith.muli %arg0, %mul3A : i32
    %add3A = arith.addi %mul3A_0, %arg1 : i32
    %scan3A = arith.constant 0 : i32
    %scan3A_1 = arith.constant 0 : i32
    %scan3A_2 = arith.constant 40 : i32
    %scan3A_3 = arith.addi %scan3A_1, %scan3A_2 : i32
    %scan3A_4 = arith.constant 1 : i32
    scf.for %scan3A_70 = %scan3A_1 to %scan3A_3 step %scan3A_4  : i32 {
      %broadcast_in_dim3A_71 = arith.constant 0.000000e+00 : f32
      %broadcast_in_dim3A_72 = vector.broadcast %broadcast_in_dim3A_71 : f32 to vector<16xf32>
      %mul3A_73 = arith.constant 16 : i32
      %mul3A_74 = arith.muli %scan3A_70, %mul3A_73 : i32
      %swap3A_75 = arith.index_cast %mul3A_74 : i32 to index
      %swap3A_76 = tpu.vector_load %arg6[%swap3A_75] {strides = array<i32>} : memref<640xf32, #tpu.memory_space<vmem>>, vector<16xf32>,
      %swap3A_77 = vector.shape_cast %swap3A_76 : vector<16xf32> to vector<16xf32>
      %swap3A_78 = vector.shape_cast %broadcast_in_dim3A_72 : vector<16xf32> to vector<16xf32>
      tpu.vector_store %arg6[%swap3A_75], %swap3A_78 {strides = array<i32>} : memref<640xf32, #tpu.memory_space<vmem>>, vector<16xf32>,
    }
    %scan3A_5 = arith.constant 40 : i32
    %mul3A_6 = arith.constant 640 : i32
    %mul3A_7 = arith.muli %arg1, %mul3A_6 : i32
    "tpu.region"() ({
      %run_scoped3A = tpu.sem_alloc : memref<!tpu.dma_semaphore, #tpu.memory_space<semaphore_mem>>
      %dma_start3A = tpu.memref_slice %arg7[%mul3A_7] : memref<10240xf32, #tpu.memory_space<vmem_shared>> -> memref<640xf32, #tpu.memory_space<vmem_shared>>
      %dma_start3A_70 = tpu.memref_slice %arg7[%mul3A_7] : memref<10240xf32, #tpu.memory_space<vmem_shared>> -> memref<640xf32, #tpu.memory_space<vmem_shared>>
      tpu.enqueue_dma source(%arg6 : memref<640xf32, #tpu.memory_space<vmem>>) target(%dma_start3A_70 : memref<640xf32, #tpu.memory_space<vmem_shared>>) target_semaphore(%run_scoped3A : memref<!tpu.dma_semaphore, #tpu.memory_space<semaphore_mem>>)
      %dma_wait3A = tpu.memref_slice %arg7[%mul3A_7] : memref<10240xf32, #tpu.memory_space<vmem_shared>> -> memref<640xf32, #tpu.memory_space<vmem_shared>>
      %dma_wait3A_71 = tpu.memref_slice %arg7[%mul3A_7] : memref<10240xf32, #tpu.memory_space<vmem_shared>> -> memref<640xf32, #tpu.memory_space<vmem_shared>>
      tpu.wait_dma2 semaphore(%run_scoped3A : memref<!tpu.dma_semaphore, #tpu.memory_space<semaphore_mem>>) src(%arg6 : memref<640xf32, #tpu.memory_space<vmem>>) dst(%dma_wait3A_71 : memref<640xf32, #tpu.memory_space<vmem_shared>>)
      tpu.yield
    }) : () -> ()
    %broadcast_in_dim3A = arith.constant 1.000000e+00 : f32
    %broadcast_in_dim3A_8 = vector.broadcast %broadcast_in_dim3A : f32 to vector<16xf32>
    %swap3A = arith.constant 0 : index
    %swap3A_9 = tpu.vector_load %arg5[%swap3A] {strides = array<i32>} : memref<128xf32, #tpu.memory_space<vmem>>, vector<16xf32>,
    %swap3A_10 = vector.shape_cast %swap3A_9 : vector<16xf32> to vector<16xf32>
    %swap3A_11 = vector.shape_cast %broadcast_in_dim3A_8 : vector<16xf32> to vector<16xf32>
    tpu.vector_store %arg5[%swap3A], %swap3A_11 {strides = array<i32>} : memref<128xf32, #tpu.memory_space<vmem>>, vector<16xf32>,
    %broadcast_in_dim3A_12 = arith.constant 1.000000e+00 : f32
    %broadcast_in_dim3A_13 = vector.broadcast %broadcast_in_dim3A_12 : f32 to vector<16xf32>
    %swap3A_14 = arith.constant 16 : index
    %swap3A_15 = tpu.vector_load %arg5[%swap3A_14] {strides = array<i32>} : memref<128xf32, #tpu.memory_space<vmem>>, vector<16xf32>,
    %swap3A_16 = vector.shape_cast %swap3A_15 : vector<16xf32> to vector<16xf32>
    %swap3A_17 = vector.shape_cast %broadcast_in_dim3A_13 : vector<16xf32> to vector<16xf32>
    tpu.vector_store %arg5[%swap3A_14], %swap3A_17 {strides = array<i32>} : memref<128xf32, #tpu.memory_space<vmem>>, vector<16xf32>,
    %broadcast_in_dim3A_18 = arith.constant 1.000000e+00 : f32
    %broadcast_in_dim3A_19 = vector.broadcast %broadcast_in_dim3A_18 : f32 to vector<16xf32>
    %swap3A_20 = arith.constant 32 : index
    %swap3A_21 = tpu.vector_load %arg5[%swap3A_20] {strides = array<i32>} : memref<128xf32, #tpu.memory_space<vmem>>, vector<16xf32>,
    %swap3A_22 = vector.shape_cast %swap3A_21 : vector<16xf32> to vector<16xf32>
    %swap3A_23 = vector.shape_cast %broadcast_in_dim3A_19 : vector<16xf32> to vector<16xf32>
    tpu.vector_store %arg5[%swap3A_20], %swap3A_23 {strides = array<i32>} : memref<128xf32, #tpu.memory_space<vmem>>, vector<16xf32>,
    %broadcast_in_dim3A_24 = arith.constant 1.000000e+00 : f32
    %broadcast_in_dim3A_25 = vector.broadcast %broadcast_in_dim3A_24 : f32 to vector<16xf32>
    %swap3A_26 = arith.constant 48 : index
    %swap3A_27 = tpu.vector_load %arg5[%swap3A_26] {strides = array<i32>} : memref<128xf32, #tpu.memory_space<vmem>>, vector<16xf32>,
    %swap3A_28 = vector.shape_cast %swap3A_27 : vector<16xf32> to vector<16xf32>
    %swap3A_29 = vector.shape_cast %broadcast_in_dim3A_25 : vector<16xf32> to vector<16xf32>
    tpu.vector_store %arg5[%swap3A_26], %swap3A_29 {strides = array<i32>} : memref<128xf32, #tpu.memory_space<vmem>>, vector<16xf32>,
    %broadcast_in_dim3A_30 = arith.constant 1.000000e+00 : f32
    %broadcast_in_dim3A_31 = vector.broadcast %broadcast_in_dim3A_30 : f32 to vector<16xf32>
    %swap3A_32 = arith.constant 64 : index
    %swap3A_33 = tpu.vector_load %arg5[%swap3A_32] {strides = array<i32>} : memref<128xf32, #tpu.memory_space<vmem>>, vector<16xf32>,
    %swap3A_34 = vector.shape_cast %swap3A_33 : vector<16xf32> to vector<16xf32>
    %swap3A_35 = vector.shape_cast %broadcast_in_dim3A_31 : vector<16xf32> to vector<16xf32>
    tpu.vector_store %arg5[%swap3A_32], %swap3A_35 {strides = array<i32>} : memref<128xf32, #tpu.memory_space<vmem>>, vector<16xf32>,
    %broadcast_in_dim3A_36 = arith.constant 1.000000e+00 : f32
    %broadcast_in_dim3A_37 = vector.broadcast %broadcast_in_dim3A_36 : f32 to vector<16xf32>
    %swap3A_38 = arith.constant 80 : index
    %swap3A_39 = tpu.vector_load %arg5[%swap3A_38] {strides = array<i32>} : memref<128xf32, #tpu.memory_space<vmem>>, vector<16xf32>,
    %swap3A_40 = vector.shape_cast %swap3A_39 : vector<16xf32> to vector<16xf32>
    %swap3A_41 = vector.shape_cast %broadcast_in_dim3A_37 : vector<16xf32> to vector<16xf32>
    tpu.vector_store %arg5[%swap3A_38], %swap3A_41 {strides = array<i32>} : memref<128xf32, #tpu.memory_space<vmem>>, vector<16xf32>,
    %broadcast_in_dim3A_42 = arith.constant 1.000000e+00 : f32
    %broadcast_in_dim3A_43 = vector.broadcast %broadcast_in_dim3A_42 : f32 to vector<16xf32>
    %swap3A_44 = arith.constant 96 : index
    %swap3A_45 = tpu.vector_load %arg5[%swap3A_44] {strides = array<i32>} : memref<128xf32, #tpu.memory_space<vmem>>, vector<16xf32>,
    %swap3A_46 = vector.shape_cast %swap3A_45 : vector<16xf32> to vector<16xf32>
    %swap3A_47 = vector.shape_cast %broadcast_in_dim3A_43 : vector<16xf32> to vector<16xf32>
    tpu.vector_store %arg5[%swap3A_44], %swap3A_47 {strides = array<i32>} : memref<128xf32, #tpu.memory_space<vmem>>, vector<16xf32>,
    %broadcast_in_dim3A_48 = arith.constant 1.000000e+00 : f32
    %broadcast_in_dim3A_49 = vector.broadcast %broadcast_in_dim3A_48 : f32 to vector<16xf32>
    %swap3A_50 = arith.constant 112 : index
    %swap3A_51 = tpu.vector_load %arg5[%swap3A_50] {strides = array<i32>} : memref<128xf32, #tpu.memory_space<vmem>>, vector<16xf32>,
    %swap3A_52 = vector.shape_cast %swap3A_51 : vector<16xf32> to vector<16xf32>
    %swap3A_53 = vector.shape_cast %broadcast_in_dim3A_49 : vector<16xf32> to vector<16xf32>
    tpu.vector_store %arg5[%swap3A_50], %swap3A_53 {strides = array<i32>} : memref<128xf32, #tpu.memory_space<vmem>>, vector<16xf32>,
    %mul3A_54 = arith.constant 40 : i32
    %mul3A_55 = arith.muli %add3A, %mul3A_54 : i32
    "tpu.region"() ({
      %run_scoped3A = tpu.sem_alloc : memref<!tpu.dma_semaphore, #tpu.memory_space<semaphore_mem>>
      %dma_start3A = arith.constant 0 : i32
      %dma_start3A_70 = tpu.memref_slice %arg2[%mul3A_55, %dma_start3A] : memref<1280x128xi32, #tpu.memory_space<hbm>> -> memref<40x128xi32, #tpu.memory_space<hbm>>
      %dma_start3A_71 = arith.constant 0 : i32
      %dma_start3A_72 = tpu.memref_slice %arg2[%mul3A_55, %dma_start3A_71] : memref<1280x128xi32, #tpu.memory_space<hbm>> -> memref<40x128xi32, #tpu.memory_space<hbm>>
      tpu.enqueue_dma source(%dma_start3A_72 : memref<40x128xi32, #tpu.memory_space<hbm>>) target(%arg4 : memref<40x128xi32, #tpu.memory_space<vmem>>) target_semaphore(%run_scoped3A : memref<!tpu.dma_semaphore, #tpu.memory_space<semaphore_mem>>)
      %dma_wait3A = arith.constant 0 : i32
      %dma_wait3A_73 = tpu.memref_slice %arg2[%mul3A_55, %dma_wait3A] : memref<1280x128xi32, #tpu.memory_space<hbm>> -> memref<40x128xi32, #tpu.memory_space<hbm>>
      %dma_wait3A_74 = arith.constant 0 : i32
      %dma_wait3A_75 = tpu.memref_slice %arg2[%mul3A_55, %dma_wait3A_74] : memref<1280x128xi32, #tpu.memory_space<hbm>> -> memref<40x128xi32, #tpu.memory_space<hbm>>
      tpu.wait_dma2 semaphore(%run_scoped3A : memref<!tpu.dma_semaphore, #tpu.memory_space<semaphore_mem>>) src(%dma_wait3A_75 : memref<40x128xi32, #tpu.memory_space<hbm>>) dst(%arg4 : memref<40x128xi32, #tpu.memory_space<vmem>>)
      tpu.yield
    }) : () -> ()
    %barrier3A = arith.constant 0 : index
    tpu.barrier barrier_id(%barrier3A)
    %scan3A_56 = arith.constant 0 : i32
    %scan3A_57 = arith.constant 0 : i32
    %scan3A_58 = arith.constant 40 : i32
    %scan3A_59 = arith.addi %scan3A_57, %scan3A_58 : i32
    %scan3A_60 = arith.constant 1 : i32
    scf.for %scan3A_70 = %scan3A_57 to %scan3A_59 step %scan3A_60  : i32 {
      "tpu.region"() ({
        %run_scoped3A = tpu.sem_alloc : memref<!tpu.dma_semaphore, #tpu.memory_space<semaphore_mem>>
        %dma_start3A = arith.constant 0 : i32
        %dma_start3A_71 = tpu.memref_slice %arg4[%scan3A_70, %dma_start3A] : memref<40x128xi32, #tpu.memory_space<vmem>> -> memref<1x128xi32, #tpu.memory_space<vmem>>
        %dma_start3A_72 = tpu.memref_squeeze %dma_start3A_71 : memref<1x128xi32, #tpu.memory_space<vmem>> -> memref<128xi32, #tpu.memory_space<vmem>>
        %dma_start3A_73 = arith.constant 0 : i32
        %dma_start3A_74 = tpu.memref_slice %arg7[%dma_start3A_73] : memref<10240xf32, #tpu.memory_space<vmem_shared>> -> memref<10240xf32, #tpu.memory_space<vmem_shared>>
        tpu.enqueue_indirect_dma source(%arg5 : memref<128xf32, #tpu.memory_space<vmem>>) target(%dma_start3A_74 : memref<10240xf32, #tpu.memory_space<vmem_shared>>) offsets(%dma_start3A_72 : memref<128xi32, #tpu.memory_space<vmem>>) semaphore(%run_scoped3A : memref<!tpu.dma_semaphore, #tpu.memory_space<semaphore_mem>>) {add = true}
        %dma_wait3A = arith.constant 0 : i32
        %dma_wait3A_75 = tpu.memref_slice %arg4[%scan3A_70, %dma_wait3A] : memref<40x128xi32, #tpu.memory_space<vmem>> -> memref<1x128xi32, #tpu.memory_space<vmem>>
        %dma_wait3A_76 = tpu.memref_squeeze %dma_wait3A_75 : memref<1x128xi32, #tpu.memory_space<vmem>> -> memref<128xi32, #tpu.memory_space<vmem>>
        %dma_wait3A_77 = arith.constant 0 : i32
        %dma_wait3A_78 = tpu.memref_slice %arg7[%dma_wait3A_77] : memref<10240xf32, #tpu.memory_space<vmem_shared>> -> memref<10240xf32, #tpu.memory_space<vmem_shared>>
        tpu.wait_indirect_dma semaphore(%run_scoped3A : memref<!tpu.dma_semaphore, #tpu.memory_space<semaphore_mem>>) src(%arg5 : memref<128xf32, #tpu.memory_space<vmem>>) dst(%dma_wait3A_78 : memref<10240xf32, #tpu.memory_space<vmem_shared>>)
        tpu.yield
      }) : () -> ()
    }
    %scan3A_61 = arith.constant 40 : i32
    %barrier3A_62 = arith.constant 0 : index
    tpu.barrier barrier_id(%barrier3A_62)
    %mul3A_63 = arith.constant 640 : i32
    %mul3A_64 = arith.muli %arg1, %mul3A_63 : i32
    "tpu.region"() ({
      %run_scoped3A = tpu.sem_alloc : memref<!tpu.dma_semaphore, #tpu.memory_space<semaphore_mem>>
      %dma_start3A = tpu.memref_slice %arg7[%mul3A_64] : memref<10240xf32, #tpu.memory_space<vmem_shared>> -> memref<640xf32, #tpu.memory_space<vmem_shared>>
      %dma_start3A_70 = tpu.memref_slice %arg7[%mul3A_64] : memref<10240xf32, #tpu.memory_space<vmem_shared>> -> memref<640xf32, #tpu.memory_space<vmem_shared>>
      tpu.enqueue_dma source(%dma_start3A_70 : memref<640xf32, #tpu.memory_space<vmem_shared>>) target(%arg6 : memref<640xf32, #tpu.memory_space<vmem>>) target_semaphore(%run_scoped3A : memref<!tpu.dma_semaphore, #tpu.memory_space<semaphore_mem>>)
      %dma_wait3A = tpu.memref_slice %arg7[%mul3A_64] : memref<10240xf32, #tpu.memory_space<vmem_shared>> -> memref<640xf32, #tpu.memory_space<vmem_shared>>
      %dma_wait3A_71 = tpu.memref_slice %arg7[%mul3A_64] : memref<10240xf32, #tpu.memory_space<vmem_shared>> -> memref<640xf32, #tpu.memory_space<vmem_shared>>
      tpu.wait_dma2 semaphore(%run_scoped3A : memref<!tpu.dma_semaphore, #tpu.memory_space<semaphore_mem>>) src(%dma_wait3A_71 : memref<640xf32, #tpu.memory_space<vmem_shared>>) dst(%arg6 : memref<640xf32, #tpu.memory_space<vmem>>)
      tpu.yield
    }) : () -> ()
    %mul3A_65 = arith.constant 10240 : i32
    %mul3A_66 = arith.muli %arg0, %mul3A_65 : i32
    %mul3A_67 = arith.constant 640 : i32
    %mul3A_68 = arith.muli %arg1, %mul3A_67 : i32
    %add3A_69 = arith.addi %mul3A_66, %mul3A_68 : i32
    "tpu.region"() ({
      %run_scoped3A = tpu.sem_alloc : memref<!tpu.dma_semaphore, #tpu.memory_space<semaphore_mem>>
      %dma_start3A = tpu.memref_slice %arg3[%add3A_69] : memref<20480xf32, #tpu.memory_space<hbm>> -> memref<640xf32, #tpu.memory_space<hbm>>
      %dma_start3A_70 = tpu.memref_slice %arg3[%add3A_69] : memref<20480xf32, #tpu.memory_space<hbm>> -> memref<640xf32, #tpu.memory_space<hbm>>
      tpu.enqueue_dma source(%arg6 : memref<640xf32, #tpu.memory_space<vmem>>) target(%dma_start3A_70 : memref<640xf32, #tpu.memory_space<hbm>>) target_semaphore(%run_scoped3A : memref<!tpu.dma_semaphore, #tpu.memory_space<semaphore_mem>>)
      %dma_wait3A = tpu.memref_slice %arg3[%add3A_69] : memref<20480xf32, #tpu.memory_space<hbm>> -> memref<640xf32, #tpu.memory_space<hbm>>
      %dma_wait3A_71 = tpu.memref_slice %arg3[%add3A_69] : memref<20480xf32, #tpu.memory_space<hbm>> -> memref<640xf32, #tpu.memory_space<hbm>>
      tpu.wait_dma2 semaphore(%run_scoped3A : memref<!tpu.dma_semaphore, #tpu.memory_space<semaphore_mem>>) src(%arg6 : memref<640xf32, #tpu.memory_space<vmem>>) dst(%dma_wait3A_71 : memref<640xf32, #tpu.memory_space<hbm>>)
      tpu.yield
    }) : () -> ()
    return
  }
}

#map = affine_map<(d0, d1) -> (0, 0)>
#map1 = affine_map<(d0, d1) -> (0)>
module attributes {stable_mosaic.version = 14 : i64} {
  func.func @_k3_body(%arg0: i32, %arg1: i32, %arg2: memref<20480x128xf32, #tpu.memory_space<hbm>>, %arg3: memref<163840xi32, #tpu.memory_space<hbm>>, %arg4: memref<10240x256xf32, #tpu.memory_space<hbm>>, %arg5: memref<10240xi32, #tpu.memory_space<vmem>>, %arg6: memref<64xi32, #tpu.memory_space<vmem>>, %arg7: memref<64xi32, #tpu.memory_space<vmem>>, %arg8: memref<64xi32, #tpu.memory_space<vmem>>, %arg9: memref<64xi32, #tpu.memory_space<vmem>>, %arg10: memref<64xi32, #tpu.memory_space<vmem>>, %arg11: memref<64xi32, #tpu.memory_space<vmem>>, %arg12: memref<64xi32, #tpu.memory_space<vmem>>, %arg13: memref<64xi32, #tpu.memory_space<vmem>>, %arg14: memref<64x128xf32, #tpu.memory_space<vmem>>, %arg15: memref<64x128xf32, #tpu.memory_space<vmem>>, %arg16: memref<64x128xf32, #tpu.memory_space<vmem>>, %arg17: memref<64x128xf32, #tpu.memory_space<vmem>>, %arg18: memref<!tpu.dma_semaphore, #tpu.memory_space<semaphore_mem>>, %arg19: memref<!tpu.dma_semaphore, #tpu.memory_space<semaphore_mem>>, %arg20: memref<!tpu.dma_semaphore, #tpu.memory_space<semaphore_mem>>, %arg21: memref<!tpu.dma_semaphore, #tpu.memory_space<semaphore_mem>>, %arg22: memref<10240x128xf32, #tpu.memory_space<vmem_shared>>) attributes {dimension_semantics = [#tpu.dimension_semantics<core_parallel>, #tpu.dimension_semantics<subcore_parallel>], iteration_bounds = array<i64: 2, 16>, scalar_prefetch = 0 : i64, scratch_operands = 18 : i64, tpu.core_type = #tpu.core_type<sc_vector_subcore>, window_params = [{transform_indices = #map}, {transform_indices = #map1}, {transform_indices = #map}]} {
    %mul3A = arith.constant 10240 : i32
    %mul3A_0 = arith.muli %arg0, %mul3A : i32
    %mul3A_1 = arith.constant 640 : i32
    %mul3A_2 = arith.muli %arg1, %mul3A_1 : i32
    %add3A = arith.constant 0 : i32
    %add3A_3 = arith.addi %mul3A_2, %add3A : i32
    %add3A_4 = arith.addi %mul3A_0, %add3A_3 : i32
    "tpu.region"() ({
      %run_scoped3A = tpu.sem_alloc : memref<!tpu.dma_semaphore, #tpu.memory_space<semaphore_mem>>
      %dma_start3A_915 = arith.constant 0 : i32
      %dma_start3A_916 = tpu.memref_slice %arg2[%add3A_4, %dma_start3A_915] : memref<20480x128xf32, #tpu.memory_space<hbm>> -> memref<64x128xf32, #tpu.memory_space<hbm>>
      %dma_start3A_917 = arith.constant 0 : i32
      %dma_start3A_918 = tpu.memref_slice %arg2[%add3A_4, %dma_start3A_917] : memref<20480x128xf32, #tpu.memory_space<hbm>> -> memref<64x128xf32, #tpu.memory_space<hbm>>
      tpu.enqueue_dma source(%dma_start3A_918 : memref<64x128xf32, #tpu.memory_space<hbm>>) target(%arg14 : memref<64x128xf32, #tpu.memory_space<vmem>>) target_semaphore(%run_scoped3A : memref<!tpu.dma_semaphore, #tpu.memory_space<semaphore_mem>>)
      %dma_wait3A_919 = arith.constant 0 : i32
      %dma_wait3A_920 = tpu.memref_slice %arg2[%add3A_4, %dma_wait3A_919] : memref<20480x128xf32, #tpu.memory_space<hbm>> -> memref<64x128xf32, #tpu.memory_space<hbm>>
      %dma_wait3A_921 = arith.constant 0 : i32
      %dma_wait3A_922 = tpu.memref_slice %arg2[%add3A_4, %dma_wait3A_921] : memref<20480x128xf32, #tpu.memory_space<hbm>> -> memref<64x128xf32, #tpu.memory_space<hbm>>
      tpu.wait_dma2 semaphore(%run_scoped3A : memref<!tpu.dma_semaphore, #tpu.memory_space<semaphore_mem>>) src(%dma_wait3A_922 : memref<64x128xf32, #tpu.memory_space<hbm>>) dst(%arg14 : memref<64x128xf32, #tpu.memory_space<vmem>>)
      tpu.yield
    }) : () -> ()
    "tpu.region"() ({
      %run_scoped3A = tpu.sem_alloc : memref<!tpu.dma_semaphore, #tpu.memory_space<semaphore_mem>>
      %dma_start3A_915 = arith.constant 0 : i32
      %dma_start3A_916 = tpu.memref_slice %arg22[%add3A_3, %dma_start3A_915] : memref<10240x128xf32, #tpu.memory_space<vmem_shared>> -> memref<64x128xf32, #tpu.memory_space<vmem_shared>>
      %dma_start3A_917 = arith.constant 0 : i32
      %dma_start3A_918 = tpu.memref_slice %arg22[%add3A_3, %dma_start3A_917] : memref<10240x128xf32, #tpu.memory_space<vmem_shared>> -> memref<64x128xf32, #tpu.memory_space<vmem_shared>>
      tpu.enqueue_dma source(%arg14 : memref<64x128xf32, #tpu.memory_space<vmem>>) target(%dma_start3A_918 : memref<64x128xf32, #tpu.memory_space<vmem_shared>>) target_semaphore(%run_scoped3A : memref<!tpu.dma_semaphore, #tpu.memory_space<semaphore_mem>>)
      %dma_wait3A_919 = arith.constant 0 : i32
      %dma_wait3A_920 = tpu.memref_slice %arg22[%add3A_3, %dma_wait3A_919] : memref<10240x128xf32, #tpu.memory_space<vmem_shared>> -> memref<64x128xf32, #tpu.memory_space<vmem_shared>>
      %dma_wait3A_921 = arith.constant 0 : i32
      %dma_wait3A_922 = tpu.memref_slice %arg22[%add3A_3, %dma_wait3A_921] : memref<10240x128xf32, #tpu.memory_space<vmem_shared>> -> memref<64x128xf32, #tpu.memory_space<vmem_shared>>
      tpu.wait_dma2 semaphore(%run_scoped3A : memref<!tpu.dma_semaphore, #tpu.memory_space<semaphore_mem>>) src(%arg14 : memref<64x128xf32, #tpu.memory_space<vmem>>) dst(%dma_wait3A_922 : memref<64x128xf32, #tpu.memory_space<vmem_shared>>)
      tpu.yield
    }) : () -> ()
    %mul3A_5 = arith.constant 640 : i32
    %mul3A_6 = arith.muli %arg1, %mul3A_5 : i32
    %add3A_7 = arith.constant 64 : i32
    %add3A_8 = arith.addi %mul3A_6, %add3A_7 : i32
    %add3A_9 = arith.addi %mul3A_0, %add3A_8 : i32
    "tpu.region"() ({
      %run_scoped3A = tpu.sem_alloc : memref<!tpu.dma_semaphore, #tpu.memory_space<semaphore_mem>>
      %dma_start3A_915 = arith.constant 0 : i32
      %dma_start3A_916 = tpu.memref_slice %arg2[%add3A_9, %dma_start3A_915] : memref<20480x128xf32, #tpu.memory_space<hbm>> -> memref<64x128xf32, #tpu.memory_space<hbm>>
      %dma_start3A_917 = arith.constant 0 : i32
      %dma_start3A_918 = tpu.memref_slice %arg2[%add3A_9, %dma_start3A_917] : memref<20480x128xf32, #tpu.memory_space<hbm>> -> memref<64x128xf32, #tpu.memory_space<hbm>>
      tpu.enqueue_dma source(%dma_start3A_918 : memref<64x128xf32, #tpu.memory_space<hbm>>) target(%arg14 : memref<64x128xf32, #tpu.memory_space<vmem>>) target_semaphore(%run_scoped3A : memref<!tpu.dma_semaphore, #tpu.memory_space<semaphore_mem>>)
      %dma_wait3A_919 = arith.constant 0 : i32
      %dma_wait3A_920 = tpu.memref_slice %arg2[%add3A_9, %dma_wait3A_919] : memref<20480x128xf32, #tpu.memory_space<hbm>> -> memref<64x128xf32, #tpu.memory_space<hbm>>
      %dma_wait3A_921 = arith.constant 0 : i32
      %dma_wait3A_922 = tpu.memref_slice %arg2[%add3A_9, %dma_wait3A_921] : memref<20480x128xf32, #tpu.memory_space<hbm>> -> memref<64x128xf32, #tpu.memory_space<hbm>>
      tpu.wait_dma2 semaphore(%run_scoped3A : memref<!tpu.dma_semaphore, #tpu.memory_space<semaphore_mem>>) src(%dma_wait3A_922 : memref<64x128xf32, #tpu.memory_space<hbm>>) dst(%arg14 : memref<64x128xf32, #tpu.memory_space<vmem>>)
      tpu.yield
    }) : () -> ()
    "tpu.region"() ({
      %run_scoped3A = tpu.sem_alloc : memref<!tpu.dma_semaphore, #tpu.memory_space<semaphore_mem>>
      %dma_start3A_915 = arith.constant 0 : i32
      %dma_start3A_916 = tpu.memref_slice %arg22[%add3A_8, %dma_start3A_915] : memref<10240x128xf32, #tpu.memory_space<vmem_shared>> -> memref<64x128xf32, #tpu.memory_space<vmem_shared>>
      %dma_start3A_917 = arith.constant 0 : i32
      %dma_start3A_918 = tpu.memref_slice %arg22[%add3A_8, %dma_start3A_917] : memref<10240x128xf32, #tpu.memory_space<vmem_shared>> -> memref<64x128xf32, #tpu.memory_space<vmem_shared>>
      tpu.enqueue_dma source(%arg14 : memref<64x128xf32, #tpu.memory_space<vmem>>) target(%dma_start3A_918 : memref<64x128xf32, #tpu.memory_space<vmem_shared>>) target_semaphore(%run_scoped3A : memref<!tpu.dma_semaphore, #tpu.memory_space<semaphore_mem>>)
      %dma_wait3A_919 = arith.constant 0 : i32
      %dma_wait3A_920 = tpu.memref_slice %arg22[%add3A_8, %dma_wait3A_919] : memref<10240x128xf32, #tpu.memory_space<vmem_shared>> -> memref<64x128xf32, #tpu.memory_space<vmem_shared>>
      %dma_wait3A_921 = arith.constant 0 : i32
      %dma_wait3A_922 = tpu.memref_slice %arg22[%add3A_8, %dma_wait3A_921] : memref<10240x128xf32, #tpu.memory_space<vmem_shared>> -> memref<64x128xf32, #tpu.memory_space<vmem_shared>>
      tpu.wait_dma2 semaphore(%run_scoped3A : memref<!tpu.dma_semaphore, #tpu.memory_space<semaphore_mem>>) src(%arg14 : memref<64x128xf32, #tpu.memory_space<vmem>>) dst(%dma_wait3A_922 : memref<64x128xf32, #tpu.memory_space<vmem_shared>>)
      tpu.yield
    }) : () -> ()
    %mul3A_10 = arith.constant 640 : i32
    %mul3A_11 = arith.muli %arg1, %mul3A_10 : i32
    %add3A_12 = arith.constant 128 : i32
    %add3A_13 = arith.addi %mul3A_11, %add3A_12 : i32
    %add3A_14 = arith.addi %mul3A_0, %add3A_13 : i32
    "tpu.region"() ({
      %run_scoped3A = tpu.sem_alloc : memref<!tpu.dma_semaphore, #tpu.memory_space<semaphore_mem>>
      %dma_start3A_915 = arith.constant 0 : i32
      %dma_start3A_916 = tpu.memref_slice %arg2[%add3A_14, %dma_start3A_915] : memref<20480x128xf32, #tpu.memory_space<hbm>> -> memref<64x128xf32, #tpu.memory_space<hbm>>
      %dma_start3A_917 = arith.constant 0 : i32
      %dma_start3A_918 = tpu.memref_slice %arg2[%add3A_14, %dma_start3A_917] : memref<20480x128xf32, #tpu.memory_space<hbm>> -> memref<64x128xf32, #tpu.memory_space<hbm>>
      tpu.enqueue_dma source(%dma_start3A_918 : memref<64x128xf32, #tpu.memory_space<hbm>>) target(%arg14 : memref<64x128xf32, #tpu.memory_space<vmem>>) target_semaphore(%run_scoped3A : memref<!tpu.dma_semaphore, #tpu.memory_space<semaphore_mem>>)
      %dma_wait3A_919 = arith.constant 0 : i32
      %dma_wait3A_920 = tpu.memref_slice %arg2[%add3A_14, %dma_wait3A_919] : memref<20480x128xf32, #tpu.memory_space<hbm>> -> memref<64x128xf32, #tpu.memory_space<hbm>>
      %dma_wait3A_921 = arith.constant 0 : i32
      %dma_wait3A_922 = tpu.memref_slice %arg2[%add3A_14, %dma_wait3A_921] : memref<20480x128xf32, #tpu.memory_space<hbm>> -> memref<64x128xf32, #tpu.memory_space<hbm>>
      tpu.wait_dma2 semaphore(%run_scoped3A : memref<!tpu.dma_semaphore, #tpu.memory_space<semaphore_mem>>) src(%dma_wait3A_922 : memref<64x128xf32, #tpu.memory_space<hbm>>) dst(%arg14 : memref<64x128xf32, #tpu.memory_space<vmem>>)
      tpu.yield
    }) : () -> ()
    "tpu.region"() ({
      %run_scoped3A = tpu.sem_alloc : memref<!tpu.dma_semaphore, #tpu.memory_space<semaphore_mem>>
      %dma_start3A_915 = arith.constant 0 : i32
      %dma_start3A_916 = tpu.memref_slice %arg22[%add3A_13, %dma_start3A_915] : memref<10240x128xf32, #tpu.memory_space<vmem_shared>> -> memref<64x128xf32, #tpu.memory_space<vmem_shared>>
      %dma_start3A_917 = arith.constant 0 : i32
      %dma_start3A_918 = tpu.memref_slice %arg22[%add3A_13, %dma_start3A_917] : memref<10240x128xf32, #tpu.memory_space<vmem_shared>> -> memref<64x128xf32, #tpu.memory_space<vmem_shared>>
      tpu.enqueue_dma source(%arg14 : memref<64x128xf32, #tpu.memory_space<vmem>>) target(%dma_start3A_918 : memref<64x128xf32, #tpu.memory_space<vmem_shared>>) target_semaphore(%run_scoped3A : memref<!tpu.dma_semaphore, #tpu.memory_space<semaphore_mem>>)
      %dma_wait3A_919 = arith.constant 0 : i32
      %dma_wait3A_920 = tpu.memref_slice %arg22[%add3A_13, %dma_wait3A_919] : memref<10240x128xf32, #tpu.memory_space<vmem_shared>> -> memref<64x128xf32, #tpu.memory_space<vmem_shared>>
      %dma_wait3A_921 = arith.constant 0 : i32
      %dma_wait3A_922 = tpu.memref_slice %arg22[%add3A_13, %dma_wait3A_921] : memref<10240x128xf32, #tpu.memory_space<vmem_shared>> -> memref<64x128xf32, #tpu.memory_space<vmem_shared>>
      tpu.wait_dma2 semaphore(%run_scoped3A : memref<!tpu.dma_semaphore, #tpu.memory_space<semaphore_mem>>) src(%arg14 : memref<64x128xf32, #tpu.memory_space<vmem>>) dst(%dma_wait3A_922 : memref<64x128xf32, #tpu.memory_space<vmem_shared>>)
      tpu.yield
    }) : () -> ()
    %mul3A_15 = arith.constant 640 : i32
    %mul3A_16 = arith.muli %arg1, %mul3A_15 : i32
    %add3A_17 = arith.constant 192 : i32
    %add3A_18 = arith.addi %mul3A_16, %add3A_17 : i32
    %add3A_19 = arith.addi %mul3A_0, %add3A_18 : i32
    "tpu.region"() ({
      %run_scoped3A = tpu.sem_alloc : memref<!tpu.dma_semaphore, #tpu.memory_space<semaphore_mem>>
      %dma_start3A_915 = arith.constant 0 : i32
      %dma_start3A_916 = tpu.memref_slice %arg2[%add3A_19, %dma_start3A_915] : memref<20480x128xf32, #tpu.memory_space<hbm>> -> memref<64x128xf32, #tpu.memory_space<hbm>>
      %dma_start3A_917 = arith.constant 0 : i32
      %dma_start3A_918 = tpu.memref_slice %arg2[%add3A_19, %dma_start3A_917] : memref<20480x128xf32, #tpu.memory_space<hbm>> -> memref<64x128xf32, #tpu.memory_space<hbm>>
      tpu.enqueue_dma source(%dma_start3A_918 : memref<64x128xf32, #tpu.memory_space<hbm>>) target(%arg14 : memref<64x128xf32, #tpu.memory_space<vmem>>) target_semaphore(%run_scoped3A : memref<!tpu.dma_semaphore, #tpu.memory_space<semaphore_mem>>)
      %dma_wait3A_919 = arith.constant 0 : i32
      %dma_wait3A_920 = tpu.memref_slice %arg2[%add3A_19, %dma_wait3A_919] : memref<20480x128xf32, #tpu.memory_space<hbm>> -> memref<64x128xf32, #tpu.memory_space<hbm>>
      %dma_wait3A_921 = arith.constant 0 : i32
      %dma_wait3A_922 = tpu.memref_slice %arg2[%add3A_19, %dma_wait3A_921] : memref<20480x128xf32, #tpu.memory_space<hbm>> -> memref<64x128xf32, #tpu.memory_space<hbm>>
      tpu.wait_dma2 semaphore(%run_scoped3A : memref<!tpu.dma_semaphore, #tpu.memory_space<semaphore_mem>>) src(%dma_wait3A_922 : memref<64x128xf32, #tpu.memory_space<hbm>>) dst(%arg14 : memref<64x128xf32, #tpu.memory_space<vmem>>)
      tpu.yield
    }) : () -> ()
    "tpu.region"() ({
      %run_scoped3A = tpu.sem_alloc : memref<!tpu.dma_semaphore, #tpu.memory_space<semaphore_mem>>
      %dma_start3A_915 = arith.constant 0 : i32
      %dma_start3A_916 = tpu.memref_slice %arg22[%add3A_18, %dma_start3A_915] : memref<10240x128xf32, #tpu.memory_space<vmem_shared>> -> memref<64x128xf32, #tpu.memory_space<vmem_shared>>
      %dma_start3A_917 = arith.constant 0 : i32
      %dma_start3A_918 = tpu.memref_slice %arg22[%add3A_18, %dma_start3A_917] : memref<10240x128xf32, #tpu.memory_space<vmem_shared>> -> memref<64x128xf32, #tpu.memory_space<vmem_shared>>
      tpu.enqueue_dma source(%arg14 : memref<64x128xf32, #tpu.memory_space<vmem>>) target(%dma_start3A_918 : memref<64x128xf32, #tpu.memory_space<vmem_shared>>) target_semaphore(%run_scoped3A : memref<!tpu.dma_semaphore, #tpu.memory_space<semaphore_mem>>)
      %dma_wait3A_919 = arith.constant 0 : i32
      %dma_wait3A_920 = tpu.memref_slice %arg22[%add3A_18, %dma_wait3A_919] : memref<10240x128xf32, #tpu.memory_space<vmem_shared>> -> memref<64x128xf32, #tpu.memory_space<vmem_shared>>
      %dma_wait3A_921 = arith.constant 0 : i32
      %dma_wait3A_922 = tpu.memref_slice %arg22[%add3A_18, %dma_wait3A_921] : memref<10240x128xf32, #tpu.memory_space<vmem_shared>> -> memref<64x128xf32, #tpu.memory_space<vmem_shared>>
      tpu.wait_dma2 semaphore(%run_scoped3A : memref<!tpu.dma_semaphore, #tpu.memory_space<semaphore_mem>>) src(%arg14 : memref<64x128xf32, #tpu.memory_space<vmem>>) dst(%dma_wait3A_922 : memref<64x128xf32, #tpu.memory_space<vmem_shared>>)
      tpu.yield
    }) : () -> ()
    %mul3A_20 = arith.constant 640 : i32
    %mul3A_21 = arith.muli %arg1, %mul3A_20 : i32
    %add3A_22 = arith.constant 256 : i32
    %add3A_23 = arith.addi %mul3A_21, %add3A_22 : i32
    %add3A_24 = arith.addi %mul3A_0, %add3A_23 : i32
    "tpu.region"() ({
      %run_scoped3A = tpu.sem_alloc : memref<!tpu.dma_semaphore, #tpu.memory_space<semaphore_mem>>
      %dma_start3A_915 = arith.constant 0 : i32
      %dma_start3A_916 = tpu.memref_slice %arg2[%add3A_24, %dma_start3A_915] : memref<20480x128xf32, #tpu.memory_space<hbm>> -> memref<64x128xf32, #tpu.memory_space<hbm>>
      %dma_start3A_917 = arith.constant 0 : i32
      %dma_start3A_918 = tpu.memref_slice %arg2[%add3A_24, %dma_start3A_917] : memref<20480x128xf32, #tpu.memory_space<hbm>> -> memref<64x128xf32, #tpu.memory_space<hbm>>
      tpu.enqueue_dma source(%dma_start3A_918 : memref<64x128xf32, #tpu.memory_space<hbm>>) target(%arg14 : memref<64x128xf32, #tpu.memory_space<vmem>>) target_semaphore(%run_scoped3A : memref<!tpu.dma_semaphore, #tpu.memory_space<semaphore_mem>>)
      %dma_wait3A_919 = arith.constant 0 : i32
      %dma_wait3A_920 = tpu.memref_slice %arg2[%add3A_24, %dma_wait3A_919] : memref<20480x128xf32, #tpu.memory_space<hbm>> -> memref<64x128xf32, #tpu.memory_space<hbm>>
      %dma_wait3A_921 = arith.constant 0 : i32
      %dma_wait3A_922 = tpu.memref_slice %arg2[%add3A_24, %dma_wait3A_921] : memref<20480x128xf32, #tpu.memory_space<hbm>> -> memref<64x128xf32, #tpu.memory_space<hbm>>
      tpu.wait_dma2 semaphore(%run_scoped3A : memref<!tpu.dma_semaphore, #tpu.memory_space<semaphore_mem>>) src(%dma_wait3A_922 : memref<64x128xf32, #tpu.memory_space<hbm>>) dst(%arg14 : memref<64x128xf32, #tpu.memory_space<vmem>>)
      tpu.yield
    }) : () -> ()
    "tpu.region"() ({
      %run_scoped3A = tpu.sem_alloc : memref<!tpu.dma_semaphore, #tpu.memory_space<semaphore_mem>>
      %dma_start3A_915 = arith.constant 0 : i32
      %dma_start3A_916 = tpu.memref_slice %arg22[%add3A_23, %dma_start3A_915] : memref<10240x128xf32, #tpu.memory_space<vmem_shared>> -> memref<64x128xf32, #tpu.memory_space<vmem_shared>>
      %dma_start3A_917 = arith.constant 0 : i32
      %dma_start3A_918 = tpu.memref_slice %arg22[%add3A_23, %dma_start3A_917] : memref<10240x128xf32, #tpu.memory_space<vmem_shared>> -> memref<64x128xf32, #tpu.memory_space<vmem_shared>>
      tpu.enqueue_dma source(%arg14 : memref<64x128xf32, #tpu.memory_space<vmem>>) target(%dma_start3A_918 : memref<64x128xf32, #tpu.memory_space<vmem_shared>>) target_semaphore(%run_scoped3A : memref<!tpu.dma_semaphore, #tpu.memory_space<semaphore_mem>>)
      %dma_wait3A_919 = arith.constant 0 : i32
      %dma_wait3A_920 = tpu.memref_slice %arg22[%add3A_23, %dma_wait3A_919] : memref<10240x128xf32, #tpu.memory_space<vmem_shared>> -> memref<64x128xf32, #tpu.memory_space<vmem_shared>>
      %dma_wait3A_921 = arith.constant 0 : i32
      %dma_wait3A_922 = tpu.memref_slice %arg22[%add3A_23, %dma_wait3A_921] : memref<10240x128xf32, #tpu.memory_space<vmem_shared>> -> memref<64x128xf32, #tpu.memory_space<vmem_shared>>
      tpu.wait_dma2 semaphore(%run_scoped3A : memref<!tpu.dma_semaphore, #tpu.memory_space<semaphore_mem>>) src(%arg14 : memref<64x128xf32, #tpu.memory_space<vmem>>) dst(%dma_wait3A_922 : memref<64x128xf32, #tpu.memory_space<vmem_shared>>)
      tpu.yield
    }) : () -> ()
    %mul3A_25 = arith.constant 640 : i32
    %mul3A_26 = arith.muli %arg1, %mul3A_25 : i32
    %add3A_27 = arith.constant 320 : i32
    %add3A_28 = arith.addi %mul3A_26, %add3A_27 : i32
    %add3A_29 = arith.addi %mul3A_0, %add3A_28 : i32
    "tpu.region"() ({
      %run_scoped3A = tpu.sem_alloc : memref<!tpu.dma_semaphore, #tpu.memory_space<semaphore_mem>>
      %dma_start3A_915 = arith.constant 0 : i32
      %dma_start3A_916 = tpu.memref_slice %arg2[%add3A_29, %dma_start3A_915] : memref<20480x128xf32, #tpu.memory_space<hbm>> -> memref<64x128xf32, #tpu.memory_space<hbm>>
      %dma_start3A_917 = arith.constant 0 : i32
      %dma_start3A_918 = tpu.memref_slice %arg2[%add3A_29, %dma_start3A_917] : memref<20480x128xf32, #tpu.memory_space<hbm>> -> memref<64x128xf32, #tpu.memory_space<hbm>>
      tpu.enqueue_dma source(%dma_start3A_918 : memref<64x128xf32, #tpu.memory_space<hbm>>) target(%arg14 : memref<64x128xf32, #tpu.memory_space<vmem>>) target_semaphore(%run_scoped3A : memref<!tpu.dma_semaphore, #tpu.memory_space<semaphore_mem>>)
      %dma_wait3A_919 = arith.constant 0 : i32
      %dma_wait3A_920 = tpu.memref_slice %arg2[%add3A_29, %dma_wait3A_919] : memref<20480x128xf32, #tpu.memory_space<hbm>> -> memref<64x128xf32, #tpu.memory_space<hbm>>
      %dma_wait3A_921 = arith.constant 0 : i32
      %dma_wait3A_922 = tpu.memref_slice %arg2[%add3A_29, %dma_wait3A_921] : memref<20480x128xf32, #tpu.memory_space<hbm>> -> memref<64x128xf32, #tpu.memory_space<hbm>>
      tpu.wait_dma2 semaphore(%run_scoped3A : memref<!tpu.dma_semaphore, #tpu.memory_space<semaphore_mem>>) src(%dma_wait3A_922 : memref<64x128xf32, #tpu.memory_space<hbm>>) dst(%arg14 : memref<64x128xf32, #tpu.memory_space<vmem>>)
      tpu.yield
    }) : () -> ()
    "tpu.region"() ({
      %run_scoped3A = tpu.sem_alloc : memref<!tpu.dma_semaphore, #tpu.memory_space<semaphore_mem>>
      %dma_start3A_915 = arith.constant 0 : i32
      %dma_start3A_916 = tpu.memref_slice %arg22[%add3A_28, %dma_start3A_915] : memref<10240x128xf32, #tpu.memory_space<vmem_shared>> -> memref<64x128xf32, #tpu.memory_space<vmem_shared>>
      %dma_start3A_917 = arith.constant 0 : i32
      %dma_start3A_918 = tpu.memref_slice %arg22[%add3A_28, %dma_start3A_917] : memref<10240x128xf32, #tpu.memory_space<vmem_shared>> -> memref<64x128xf32, #tpu.memory_space<vmem_shared>>
      tpu.enqueue_dma source(%arg14 : memref<64x128xf32, #tpu.memory_space<vmem>>) target(%dma_start3A_918 : memref<64x128xf32, #tpu.memory_space<vmem_shared>>) target_semaphore(%run_scoped3A : memref<!tpu.dma_semaphore, #tpu.memory_space<semaphore_mem>>)
      %dma_wait3A_919 = arith.constant 0 : i32
      %dma_wait3A_920 = tpu.memref_slice %arg22[%add3A_28, %dma_wait3A_919] : memref<10240x128xf32, #tpu.memory_space<vmem_shared>> -> memref<64x128xf32, #tpu.memory_space<vmem_shared>>
      %dma_wait3A_921 = arith.constant 0 : i32
      %dma_wait3A_922 = tpu.memref_slice %arg22[%add3A_28, %dma_wait3A_921] : memref<10240x128xf32, #tpu.memory_space<vmem_shared>> -> memref<64x128xf32, #tpu.memory_space<vmem_shared>>
      tpu.wait_dma2 semaphore(%run_scoped3A : memref<!tpu.dma_semaphore, #tpu.memory_space<semaphore_mem>>) src(%arg14 : memref<64x128xf32, #tpu.memory_space<vmem>>) dst(%dma_wait3A_922 : memref<64x128xf32, #tpu.memory_space<vmem_shared>>)
      tpu.yield
    }) : () -> ()
    %mul3A_30 = arith.constant 640 : i32
    %mul3A_31 = arith.muli %arg1, %mul3A_30 : i32
    %add3A_32 = arith.constant 384 : i32
    %add3A_33 = arith.addi %mul3A_31, %add3A_32 : i32
    %add3A_34 = arith.addi %mul3A_0, %add3A_33 : i32
    "tpu.region"() ({
      %run_scoped3A = tpu.sem_alloc : memref<!tpu.dma_semaphore, #tpu.memory_space<semaphore_mem>>
      %dma_start3A_915 = arith.constant 0 : i32
      %dma_start3A_916 = tpu.memref_slice %arg2[%add3A_34, %dma_start3A_915] : memref<20480x128xf32, #tpu.memory_space<hbm>> -> memref<64x128xf32, #tpu.memory_space<hbm>>
      %dma_start3A_917 = arith.constant 0 : i32
      %dma_start3A_918 = tpu.memref_slice %arg2[%add3A_34, %dma_start3A_917] : memref<20480x128xf32, #tpu.memory_space<hbm>> -> memref<64x128xf32, #tpu.memory_space<hbm>>
      tpu.enqueue_dma source(%dma_start3A_918 : memref<64x128xf32, #tpu.memory_space<hbm>>) target(%arg14 : memref<64x128xf32, #tpu.memory_space<vmem>>) target_semaphore(%run_scoped3A : memref<!tpu.dma_semaphore, #tpu.memory_space<semaphore_mem>>)
      %dma_wait3A_919 = arith.constant 0 : i32
      %dma_wait3A_920 = tpu.memref_slice %arg2[%add3A_34, %dma_wait3A_919] : memref<20480x128xf32, #tpu.memory_space<hbm>> -> memref<64x128xf32, #tpu.memory_space<hbm>>
      %dma_wait3A_921 = arith.constant 0 : i32
      %dma_wait3A_922 = tpu.memref_slice %arg2[%add3A_34, %dma_wait3A_921] : memref<20480x128xf32, #tpu.memory_space<hbm>> -> memref<64x128xf32, #tpu.memory_space<hbm>>
      tpu.wait_dma2 semaphore(%run_scoped3A : memref<!tpu.dma_semaphore, #tpu.memory_space<semaphore_mem>>) src(%dma_wait3A_922 : memref<64x128xf32, #tpu.memory_space<hbm>>) dst(%arg14 : memref<64x128xf32, #tpu.memory_space<vmem>>)
      tpu.yield
    }) : () -> ()
    "tpu.region"() ({
      %run_scoped3A = tpu.sem_alloc : memref<!tpu.dma_semaphore, #tpu.memory_space<semaphore_mem>>
      %dma_start3A_915 = arith.constant 0 : i32
      %dma_start3A_916 = tpu.memref_slice %arg22[%add3A_33, %dma_start3A_915] : memref<10240x128xf32, #tpu.memory_space<vmem_shared>> -> memref<64x128xf32, #tpu.memory_space<vmem_shared>>
      %dma_start3A_917 = arith.constant 0 : i32
      %dma_start3A_918 = tpu.memref_slice %arg22[%add3A_33, %dma_start3A_917] : memref<10240x128xf32, #tpu.memory_space<vmem_shared>> -> memref<64x128xf32, #tpu.memory_space<vmem_shared>>
      tpu.enqueue_dma source(%arg14 : memref<64x128xf32, #tpu.memory_space<vmem>>) target(%dma_start3A_918 : memref<64x128xf32, #tpu.memory_space<vmem_shared>>) target_semaphore(%run_scoped3A : memref<!tpu.dma_semaphore, #tpu.memory_space<semaphore_mem>>)
      %dma_wait3A_919 = arith.constant 0 : i32
      %dma_wait3A_920 = tpu.memref_slice %arg22[%add3A_33, %dma_wait3A_919] : memref<10240x128xf32, #tpu.memory_space<vmem_shared>> -> memref<64x128xf32, #tpu.memory_space<vmem_shared>>
      %dma_wait3A_921 = arith.constant 0 : i32
      %dma_wait3A_922 = tpu.memref_slice %arg22[%add3A_33, %dma_wait3A_921] : memref<10240x128xf32, #tpu.memory_space<vmem_shared>> -> memref<64x128xf32, #tpu.memory_space<vmem_shared>>
      tpu.wait_dma2 semaphore(%run_scoped3A : memref<!tpu.dma_semaphore, #tpu.memory_space<semaphore_mem>>) src(%arg14 : memref<64x128xf32, #tpu.memory_space<vmem>>) dst(%dma_wait3A_922 : memref<64x128xf32, #tpu.memory_space<vmem_shared>>)
      tpu.yield
    }) : () -> ()
    %mul3A_35 = arith.constant 640 : i32
    %mul3A_36 = arith.muli %arg1, %mul3A_35 : i32
    %add3A_37 = arith.constant 448 : i32
    %add3A_38 = arith.addi %mul3A_36, %add3A_37 : i32
    %add3A_39 = arith.addi %mul3A_0, %add3A_38 : i32
    "tpu.region"() ({
      %run_scoped3A = tpu.sem_alloc : memref<!tpu.dma_semaphore, #tpu.memory_space<semaphore_mem>>
      %dma_start3A_915 = arith.constant 0 : i32
      %dma_start3A_916 = tpu.memref_slice %arg2[%add3A_39, %dma_start3A_915] : memref<20480x128xf32, #tpu.memory_space<hbm>> -> memref<64x128xf32, #tpu.memory_space<hbm>>
      %dma_start3A_917 = arith.constant 0 : i32
      %dma_start3A_918 = tpu.memref_slice %arg2[%add3A_39, %dma_start3A_917] : memref<20480x128xf32, #tpu.memory_space<hbm>> -> memref<64x128xf32, #tpu.memory_space<hbm>>
      tpu.enqueue_dma source(%dma_start3A_918 : memref<64x128xf32, #tpu.memory_space<hbm>>) target(%arg14 : memref<64x128xf32, #tpu.memory_space<vmem>>) target_semaphore(%run_scoped3A : memref<!tpu.dma_semaphore, #tpu.memory_space<semaphore_mem>>)
      %dma_wait3A_919 = arith.constant 0 : i32
      %dma_wait3A_920 = tpu.memref_slice %arg2[%add3A_39, %dma_wait3A_919] : memref<20480x128xf32, #tpu.memory_space<hbm>> -> memref<64x128xf32, #tpu.memory_space<hbm>>
      %dma_wait3A_921 = arith.constant 0 : i32
      %dma_wait3A_922 = tpu.memref_slice %arg2[%add3A_39, %dma_wait3A_921] : memref<20480x128xf32, #tpu.memory_space<hbm>> -> memref<64x128xf32, #tpu.memory_space<hbm>>
      tpu.wait_dma2 semaphore(%run_scoped3A : memref<!tpu.dma_semaphore, #tpu.memory_space<semaphore_mem>>) src(%dma_wait3A_922 : memref<64x128xf32, #tpu.memory_space<hbm>>) dst(%arg14 : memref<64x128xf32, #tpu.memory_space<vmem>>)
      tpu.yield
    }) : () -> ()
    "tpu.region"() ({
      %run_scoped3A = tpu.sem_alloc : memref<!tpu.dma_semaphore, #tpu.memory_space<semaphore_mem>>
      %dma_start3A_915 = arith.constant 0 : i32
      %dma_start3A_916 = tpu.memref_slice %arg22[%add3A_38, %dma_start3A_915] : memref<10240x128xf32, #tpu.memory_space<vmem_shared>> -> memref<64x128xf32, #tpu.memory_space<vmem_shared>>
      %dma_start3A_917 = arith.constant 0 : i32
      %dma_start3A_918 = tpu.memref_slice %arg22[%add3A_38, %dma_start3A_917] : memref<10240x128xf32, #tpu.memory_space<vmem_shared>> -> memref<64x128xf32, #tpu.memory_space<vmem_shared>>
      tpu.enqueue_dma source(%arg14 : memref<64x128xf32, #tpu.memory_space<vmem>>) target(%dma_start3A_918 : memref<64x128xf32, #tpu.memory_space<vmem_shared>>) target_semaphore(%run_scoped3A : memref<!tpu.dma_semaphore, #tpu.memory_space<semaphore_mem>>)
      %dma_wait3A_919 = arith.constant 0 : i32
      %dma_wait3A_920 = tpu.memref_slice %arg22[%add3A_38, %dma_wait3A_919] : memref<10240x128xf32, #tpu.memory_space<vmem_shared>> -> memref<64x128xf32, #tpu.memory_space<vmem_shared>>
      %dma_wait3A_921 = arith.constant 0 : i32
      %dma_wait3A_922 = tpu.memref_slice %arg22[%add3A_38, %dma_wait3A_921] : memref<10240x128xf32, #tpu.memory_space<vmem_shared>> -> memref<64x128xf32, #tpu.memory_space<vmem_shared>>
      tpu.wait_dma2 semaphore(%run_scoped3A : memref<!tpu.dma_semaphore, #tpu.memory_space<semaphore_mem>>) src(%arg14 : memref<64x128xf32, #tpu.memory_space<vmem>>) dst(%dma_wait3A_922 : memref<64x128xf32, #tpu.memory_space<vmem_shared>>)
      tpu.yield
    }) : () -> ()
    %mul3A_40 = arith.constant 640 : i32
    %mul3A_41 = arith.muli %arg1, %mul3A_40 : i32
    %add3A_42 = arith.constant 512 : i32
    %add3A_43 = arith.addi %mul3A_41, %add3A_42 : i32
    %add3A_44 = arith.addi %mul3A_0, %add3A_43 : i32
    "tpu.region"() ({
      %run_scoped3A = tpu.sem_alloc : memref<!tpu.dma_semaphore, #tpu.memory_space<semaphore_mem>>
      %dma_start3A_915 = arith.constant 0 : i32
      %dma_start3A_916 = tpu.memref_slice %arg2[%add3A_44, %dma_start3A_915] : memref<20480x128xf32, #tpu.memory_space<hbm>> -> memref<64x128xf32, #tpu.memory_space<hbm>>
      %dma_start3A_917 = arith.constant 0 : i32
      %dma_start3A_918 = tpu.memref_slice %arg2[%add3A_44, %dma_start3A_917] : memref<20480x128xf32, #tpu.memory_space<hbm>> -> memref<64x128xf32, #tpu.memory_space<hbm>>
      tpu.enqueue_dma source(%dma_start3A_918 : memref<64x128xf32, #tpu.memory_space<hbm>>) target(%arg14 : memref<64x128xf32, #tpu.memory_space<vmem>>) target_semaphore(%run_scoped3A : memref<!tpu.dma_semaphore, #tpu.memory_space<semaphore_mem>>)
      %dma_wait3A_919 = arith.constant 0 : i32
      %dma_wait3A_920 = tpu.memref_slice %arg2[%add3A_44, %dma_wait3A_919] : memref<20480x128xf32, #tpu.memory_space<hbm>> -> memref<64x128xf32, #tpu.memory_space<hbm>>
      %dma_wait3A_921 = arith.constant 0 : i32
      %dma_wait3A_922 = tpu.memref_slice %arg2[%add3A_44, %dma_wait3A_921] : memref<20480x128xf32, #tpu.memory_space<hbm>> -> memref<64x128xf32, #tpu.memory_space<hbm>>
      tpu.wait_dma2 semaphore(%run_scoped3A : memref<!tpu.dma_semaphore, #tpu.memory_space<semaphore_mem>>) src(%dma_wait3A_922 : memref<64x128xf32, #tpu.memory_space<hbm>>) dst(%arg14 : memref<64x128xf32, #tpu.memory_space<vmem>>)
      tpu.yield
    }) : () -> ()
    "tpu.region"() ({
      %run_scoped3A = tpu.sem_alloc : memref<!tpu.dma_semaphore, #tpu.memory_space<semaphore_mem>>
      %dma_start3A_915 = arith.constant 0 : i32
      %dma_start3A_916 = tpu.memref_slice %arg22[%add3A_43, %dma_start3A_915] : memref<10240x128xf32, #tpu.memory_space<vmem_shared>> -> memref<64x128xf32, #tpu.memory_space<vmem_shared>>
      %dma_start3A_917 = arith.constant 0 : i32
      %dma_start3A_918 = tpu.memref_slice %arg22[%add3A_43, %dma_start3A_917] : memref<10240x128xf32, #tpu.memory_space<vmem_shared>> -> memref<64x128xf32, #tpu.memory_space<vmem_shared>>
      tpu.enqueue_dma source(%arg14 : memref<64x128xf32, #tpu.memory_space<vmem>>) target(%dma_start3A_918 : memref<64x128xf32, #tpu.memory_space<vmem_shared>>) target_semaphore(%run_scoped3A : memref<!tpu.dma_semaphore, #tpu.memory_space<semaphore_mem>>)
      %dma_wait3A_919 = arith.constant 0 : i32
      %dma_wait3A_920 = tpu.memref_slice %arg22[%add3A_43, %dma_wait3A_919] : memref<10240x128xf32, #tpu.memory_space<vmem_shared>> -> memref<64x128xf32, #tpu.memory_space<vmem_shared>>
      %dma_wait3A_921 = arith.constant 0 : i32
      %dma_wait3A_922 = tpu.memref_slice %arg22[%add3A_43, %dma_wait3A_921] : memref<10240x128xf32, #tpu.memory_space<vmem_shared>> -> memref<64x128xf32, #tpu.memory_space<vmem_shared>>
      tpu.wait_dma2 semaphore(%run_scoped3A : memref<!tpu.dma_semaphore, #tpu.memory_space<semaphore_mem>>) src(%arg14 : memref<64x128xf32, #tpu.memory_space<vmem>>) dst(%dma_wait3A_922 : memref<64x128xf32, #tpu.memory_space<vmem_shared>>)
      tpu.yield
    }) : () -> ()
    %mul3A_45 = arith.constant 640 : i32
    %mul3A_46 = arith.muli %arg1, %mul3A_45 : i32
    %add3A_47 = arith.constant 576 : i32
    %add3A_48 = arith.addi %mul3A_46, %add3A_47 : i32
    %add3A_49 = arith.addi %mul3A_0, %add3A_48 : i32
    "tpu.region"() ({
      %run_scoped3A = tpu.sem_alloc : memref<!tpu.dma_semaphore, #tpu.memory_space<semaphore_mem>>
      %dma_start3A_915 = arith.constant 0 : i32
      %dma_start3A_916 = tpu.memref_slice %arg2[%add3A_49, %dma_start3A_915] : memref<20480x128xf32, #tpu.memory_space<hbm>> -> memref<64x128xf32, #tpu.memory_space<hbm>>
      %dma_start3A_917 = arith.constant 0 : i32
      %dma_start3A_918 = tpu.memref_slice %arg2[%add3A_49, %dma_start3A_917] : memref<20480x128xf32, #tpu.memory_space<hbm>> -> memref<64x128xf32, #tpu.memory_space<hbm>>
      tpu.enqueue_dma source(%dma_start3A_918 : memref<64x128xf32, #tpu.memory_space<hbm>>) target(%arg14 : memref<64x128xf32, #tpu.memory_space<vmem>>) target_semaphore(%run_scoped3A : memref<!tpu.dma_semaphore, #tpu.memory_space<semaphore_mem>>)
      %dma_wait3A_919 = arith.constant 0 : i32
      %dma_wait3A_920 = tpu.memref_slice %arg2[%add3A_49, %dma_wait3A_919] : memref<20480x128xf32, #tpu.memory_space<hbm>> -> memref<64x128xf32, #tpu.memory_space<hbm>>
      %dma_wait3A_921 = arith.constant 0 : i32
      %dma_wait3A_922 = tpu.memref_slice %arg2[%add3A_49, %dma_wait3A_921] : memref<20480x128xf32, #tpu.memory_space<hbm>> -> memref<64x128xf32, #tpu.memory_space<hbm>>
      tpu.wait_dma2 semaphore(%run_scoped3A : memref<!tpu.dma_semaphore, #tpu.memory_space<semaphore_mem>>) src(%dma_wait3A_922 : memref<64x128xf32, #tpu.memory_space<hbm>>) dst(%arg14 : memref<64x128xf32, #tpu.memory_space<vmem>>)
      tpu.yield
    }) : () -> ()
    "tpu.region"() ({
      %run_scoped3A = tpu.sem_alloc : memref<!tpu.dma_semaphore, #tpu.memory_space<semaphore_mem>>
      %dma_start3A_915 = arith.constant 0 : i32
      %dma_start3A_916 = tpu.memref_slice %arg22[%add3A_48, %dma_start3A_915] : memref<10240x128xf32, #tpu.memory_space<vmem_shared>> -> memref<64x128xf32, #tpu.memory_space<vmem_shared>>
      %dma_start3A_917 = arith.constant 0 : i32
      %dma_start3A_918 = tpu.memref_slice %arg22[%add3A_48, %dma_start3A_917] : memref<10240x128xf32, #tpu.memory_space<vmem_shared>> -> memref<64x128xf32, #tpu.memory_space<vmem_shared>>
      tpu.enqueue_dma source(%arg14 : memref<64x128xf32, #tpu.memory_space<vmem>>) target(%dma_start3A_918 : memref<64x128xf32, #tpu.memory_space<vmem_shared>>) target_semaphore(%run_scoped3A : memref<!tpu.dma_semaphore, #tpu.memory_space<semaphore_mem>>)
      %dma_wait3A_919 = arith.constant 0 : i32
      %dma_wait3A_920 = tpu.memref_slice %arg22[%add3A_48, %dma_wait3A_919] : memref<10240x128xf32, #tpu.memory_space<vmem_shared>> -> memref<64x128xf32, #tpu.memory_space<vmem_shared>>
      %dma_wait3A_921 = arith.constant 0 : i32
      %dma_wait3A_922 = tpu.memref_slice %arg22[%add3A_48, %dma_wait3A_921] : memref<10240x128xf32, #tpu.memory_space<vmem_shared>> -> memref<64x128xf32, #tpu.memory_space<vmem_shared>>
      tpu.wait_dma2 semaphore(%run_scoped3A : memref<!tpu.dma_semaphore, #tpu.memory_space<semaphore_mem>>) src(%arg14 : memref<64x128xf32, #tpu.memory_space<vmem>>) dst(%dma_wait3A_922 : memref<64x128xf32, #tpu.memory_space<vmem_shared>>)
      tpu.yield
    }) : () -> ()
    %mul3A_50 = arith.constant 10240 : i32
    %mul3A_51 = arith.muli %arg1, %mul3A_50 : i32
    "tpu.region"() ({
      %run_scoped3A = tpu.sem_alloc : memref<!tpu.dma_semaphore, #tpu.memory_space<semaphore_mem>>
      %dma_start3A_915 = tpu.memref_slice %arg3[%mul3A_51] : memref<163840xi32, #tpu.memory_space<hbm>> -> memref<10240xi32, #tpu.memory_space<hbm>>
      %dma_start3A_916 = tpu.memref_slice %arg3[%mul3A_51] : memref<163840xi32, #tpu.memory_space<hbm>> -> memref<10240xi32, #tpu.memory_space<hbm>>
      tpu.enqueue_dma source(%dma_start3A_916 : memref<10240xi32, #tpu.memory_space<hbm>>) target(%arg5 : memref<10240xi32, #tpu.memory_space<vmem>>) target_semaphore(%run_scoped3A : memref<!tpu.dma_semaphore, #tpu.memory_space<semaphore_mem>>)
      %dma_wait3A_917 = tpu.memref_slice %arg3[%mul3A_51] : memref<163840xi32, #tpu.memory_space<hbm>> -> memref<10240xi32, #tpu.memory_space<hbm>>
      %dma_wait3A_918 = tpu.memref_slice %arg3[%mul3A_51] : memref<163840xi32, #tpu.memory_space<hbm>> -> memref<10240xi32, #tpu.memory_space<hbm>>
      tpu.wait_dma2 semaphore(%run_scoped3A : memref<!tpu.dma_semaphore, #tpu.memory_space<semaphore_mem>>) src(%dma_wait3A_918 : memref<10240xi32, #tpu.memory_space<hbm>>) dst(%arg5 : memref<10240xi32, #tpu.memory_space<vmem>>)
      tpu.yield
    }) : () -> ()
    %barrier3A = arith.constant 0 : index
    tpu.barrier barrier_id(%barrier3A)
    %mul3A_52 = arith.constant 0 : i32
    %mul3A_53 = arith.constant 64 : i32
    %mul3A_54 = arith.muli %mul3A_52, %mul3A_53 : i32
    %add3A_55 = arith.constant 0 : i32
    %add3A_56 = arith.addi %mul3A_54, %add3A_55 : i32
    %get3A = arith.index_cast %add3A_56 : i32 to index
    %get3A_57 = tpu.vector_load %arg5[%get3A] {strides = array<i32>} : memref<10240xi32, #tpu.memory_space<vmem>>, vector<16xi32>,
    %get3A_58 = vector.shape_cast %get3A_57 : vector<16xi32> to vector<16xi32>
    %and3A = arith.constant 16383 : i32
    %and3A_59 = vector.broadcast %and3A : i32 to vector<16xi32>
    %and3A_60 = arith.andi %get3A_58, %and3A_59 : vector<16xi32>
    %add3A_61 = vector.broadcast %mul3A_0 : i32 to vector<16xi32>
    %add3A_62 = arith.addi %add3A_61, %and3A_60 : vector<16xi32>
    %swap3A = arith.constant 0 : index
    %swap3A_63 = tpu.vector_load %arg6[%swap3A] {strides = array<i32>} : memref<64xi32, #tpu.memory_space<vmem>>, vector<16xi32>,
    %swap3A_64 = vector.shape_cast %swap3A_63 : vector<16xi32> to vector<16xi32>
    %swap3A_65 = vector.shape_cast %add3A_62 : vector<16xi32> to vector<16xi32>
    tpu.vector_store %arg6[%swap3A], %swap3A_65 {strides = array<i32>} : memref<64xi32, #tpu.memory_space<vmem>>, vector<16xi32>,
    %shift_right_logical3A = arith.constant 14 : i32
    %shift_right_logical3A_66 = vector.broadcast %shift_right_logical3A : i32 to vector<16xi32>
    %shift_right_logical3A_67 = arith.shrui %get3A_58, %shift_right_logical3A_66 : vector<16xi32>
    %swap3A_68 = arith.constant 0 : index
    %swap3A_69 = tpu.vector_load %arg10[%swap3A_68] {strides = array<i32>} : memref<64xi32, #tpu.memory_space<vmem>>, vector<16xi32>,
    %swap3A_70 = vector.shape_cast %swap3A_69 : vector<16xi32> to vector<16xi32>
    %swap3A_71 = vector.shape_cast %shift_right_logical3A_67 : vector<16xi32> to vector<16xi32>
    tpu.vector_store %arg10[%swap3A_68], %swap3A_71 {strides = array<i32>} : memref<64xi32, #tpu.memory_space<vmem>>, vector<16xi32>,
    %mul3A_72 = arith.constant 0 : i32
    %mul3A_73 = arith.constant 64 : i32
    %mul3A_74 = arith.muli %mul3A_72, %mul3A_73 : i32
    %add3A_75 = arith.constant 16 : i32
    %add3A_76 = arith.addi %mul3A_74, %add3A_75 : i32
    %get3A_77 = arith.index_cast %add3A_76 : i32 to index
    %get3A_78 = tpu.vector_load %arg5[%get3A_77] {strides = array<i32>} : memref<10240xi32, #tpu.memory_space<vmem>>, vector<16xi32>,
    %get3A_79 = vector.shape_cast %get3A_78 : vector<16xi32> to vector<16xi32>
    %and3A_80 = arith.constant 16383 : i32
    %and3A_81 = vector.broadcast %and3A_80 : i32 to vector<16xi32>
    %and3A_82 = arith.andi %get3A_79, %and3A_81 : vector<16xi32>
    %add3A_83 = vector.broadcast %mul3A_0 : i32 to vector<16xi32>
    %add3A_84 = arith.addi %add3A_83, %and3A_82 : vector<16xi32>
    %swap3A_85 = arith.constant 16 : index
    %swap3A_86 = tpu.vector_load %arg6[%swap3A_85] {strides = array<i32>} : memref<64xi32, #tpu.memory_space<vmem>>, vector<16xi32>,
    %swap3A_87 = vector.shape_cast %swap3A_86 : vector<16xi32> to vector<16xi32>
    %swap3A_88 = vector.shape_cast %add3A_84 : vector<16xi32> to vector<16xi32>
    tpu.vector_store %arg6[%swap3A_85], %swap3A_88 {strides = array<i32>} : memref<64xi32, #tpu.memory_space<vmem>>, vector<16xi32>,
    %shift_right_logical3A_89 = arith.constant 14 : i32
    %shift_right_logical3A_90 = vector.broadcast %shift_right_logical3A_89 : i32 to vector<16xi32>
    %shift_right_logical3A_91 = arith.shrui %get3A_79, %shift_right_logical3A_90 : vector<16xi32>
    %swap3A_92 = arith.constant 16 : index
    %swap3A_93 = tpu.vector_load %arg10[%swap3A_92] {strides = array<i32>} : memref<64xi32, #tpu.memory_space<vmem>>, vector<16xi32>,
    %swap3A_94 = vector.shape_cast %swap3A_93 : vector<16xi32> to vector<16xi32>
    %swap3A_95 = vector.shape_cast %shift_right_logical3A_91 : vector<16xi32> to vector<16xi32>
    tpu.vector_store %arg10[%swap3A_92], %swap3A_95 {strides = array<i32>} : memref<64xi32, #tpu.memory_space<vmem>>, vector<16xi32>,
    %mul3A_96 = arith.constant 0 : i32
    %mul3A_97 = arith.constant 64 : i32
    %mul3A_98 = arith.muli %mul3A_96, %mul3A_97 : i32
    %add3A_99 = arith.constant 32 : i32
    %add3A_100 = arith.addi %mul3A_98, %add3A_99 : i32
    %get3A_101 = arith.index_cast %add3A_100 : i32 to index
    %get3A_102 = tpu.vector_load %arg5[%get3A_101] {strides = array<i32>} : memref<10240xi32, #tpu.memory_space<vmem>>, vector<16xi32>,
    %get3A_103 = vector.shape_cast %get3A_102 : vector<16xi32> to vector<16xi32>
    %and3A_104 = arith.constant 16383 : i32
    %and3A_105 = vector.broadcast %and3A_104 : i32 to vector<16xi32>
    %and3A_106 = arith.andi %get3A_103, %and3A_105 : vector<16xi32>
    %add3A_107 = vector.broadcast %mul3A_0 : i32 to vector<16xi32>
    %add3A_108 = arith.addi %add3A_107, %and3A_106 : vector<16xi32>
    %swap3A_109 = arith.constant 32 : index
    %swap3A_110 = tpu.vector_load %arg6[%swap3A_109] {strides = array<i32>} : memref<64xi32, #tpu.memory_space<vmem>>, vector<16xi32>,
    %swap3A_111 = vector.shape_cast %swap3A_110 : vector<16xi32> to vector<16xi32>
    %swap3A_112 = vector.shape_cast %add3A_108 : vector<16xi32> to vector<16xi32>
    tpu.vector_store %arg6[%swap3A_109], %swap3A_112 {strides = array<i32>} : memref<64xi32, #tpu.memory_space<vmem>>, vector<16xi32>,
    %shift_right_logical3A_113 = arith.constant 14 : i32
    %shift_right_logical3A_114 = vector.broadcast %shift_right_logical3A_113 : i32 to vector<16xi32>
    %shift_right_logical3A_115 = arith.shrui %get3A_103, %shift_right_logical3A_114 : vector<16xi32>
    %swap3A_116 = arith.constant 32 : index
    %swap3A_117 = tpu.vector_load %arg10[%swap3A_116] {strides = array<i32>} : memref<64xi32, #tpu.memory_space<vmem>>, vector<16xi32>,
    %swap3A_118 = vector.shape_cast %swap3A_117 : vector<16xi32> to vector<16xi32>
    %swap3A_119 = vector.shape_cast %shift_right_logical3A_115 : vector<16xi32> to vector<16xi32>
    tpu.vector_store %arg10[%swap3A_116], %swap3A_119 {strides = array<i32>} : memref<64xi32, #tpu.memory_space<vmem>>, vector<16xi32>,
    %mul3A_120 = arith.constant 0 : i32
    %mul3A_121 = arith.constant 64 : i32
    %mul3A_122 = arith.muli %mul3A_120, %mul3A_121 : i32
    %add3A_123 = arith.constant 48 : i32
    %add3A_124 = arith.addi %mul3A_122, %add3A_123 : i32
    %get3A_125 = arith.index_cast %add3A_124 : i32 to index
    %get3A_126 = tpu.vector_load %arg5[%get3A_125] {strides = array<i32>} : memref<10240xi32, #tpu.memory_space<vmem>>, vector<16xi32>,
    %get3A_127 = vector.shape_cast %get3A_126 : vector<16xi32> to vector<16xi32>
    %and3A_128 = arith.constant 16383 : i32
    %and3A_129 = vector.broadcast %and3A_128 : i32 to vector<16xi32>
    %and3A_130 = arith.andi %get3A_127, %and3A_129 : vector<16xi32>
    %add3A_131 = vector.broadcast %mul3A_0 : i32 to vector<16xi32>
    %add3A_132 = arith.addi %add3A_131, %and3A_130 : vector<16xi32>
    %swap3A_133 = arith.constant 48 : index
    %swap3A_134 = tpu.vector_load %arg6[%swap3A_133] {strides = array<i32>} : memref<64xi32, #tpu.memory_space<vmem>>, vector<16xi32>,
    %swap3A_135 = vector.shape_cast %swap3A_134 : vector<16xi32> to vector<16xi32>
    %swap3A_136 = vector.shape_cast %add3A_132 : vector<16xi32> to vector<16xi32>
    tpu.vector_store %arg6[%swap3A_133], %swap3A_136 {strides = array<i32>} : memref<64xi32, #tpu.memory_space<vmem>>, vector<16xi32>,
    %shift_right_logical3A_137 = arith.constant 14 : i32
    %shift_right_logical3A_138 = vector.broadcast %shift_right_logical3A_137 : i32 to vector<16xi32>
    %shift_right_logical3A_139 = arith.shrui %get3A_127, %shift_right_logical3A_138 : vector<16xi32>
    %swap3A_140 = arith.constant 48 : index
    %swap3A_141 = tpu.vector_load %arg10[%swap3A_140] {strides = array<i32>} : memref<64xi32, #tpu.memory_space<vmem>>, vector<16xi32>,
    %swap3A_142 = vector.shape_cast %swap3A_141 : vector<16xi32> to vector<16xi32>
    %swap3A_143 = vector.shape_cast %shift_right_logical3A_139 : vector<16xi32> to vector<16xi32>
    tpu.vector_store %arg10[%swap3A_140], %swap3A_143 {strides = array<i32>} : memref<64xi32, #tpu.memory_space<vmem>>, vector<16xi32>,
    %dma_start3A = arith.constant 0 : i32
    %dma_start3A_144 = arith.constant 0 : i32
    %dma_start3A_145 = tpu.memref_slice %arg2[%dma_start3A, %dma_start3A_144] : memref<20480x128xf32, #tpu.memory_space<hbm>> -> memref<20480x128xf32, #tpu.memory_space<hbm>>
    tpu.enqueue_indirect_dma source(%dma_start3A_145 : memref<20480x128xf32, #tpu.memory_space<hbm>>) target(%arg14 : memref<64x128xf32, #tpu.memory_space<vmem>>) offsets(%arg6 : memref<64xi32, #tpu.memory_space<vmem>>) semaphore(%arg18 : memref<!tpu.dma_semaphore, #tpu.memory_space<semaphore_mem>>)
    %mul3A_146 = arith.constant 1 : i32
    %mul3A_147 = arith.constant 64 : i32
    %mul3A_148 = arith.muli %mul3A_146, %mul3A_147 : i32
    %add3A_149 = arith.constant 0 : i32
    %add3A_150 = arith.addi %mul3A_148, %add3A_149 : i32
    %get3A_151 = arith.index_cast %add3A_150 : i32 to index
    %get3A_152 = tpu.vector_load %arg5[%get3A_151] {strides = array<i32>} : memref<10240xi32, #tpu.memory_space<vmem>>, vector<16xi32>,
    %get3A_153 = vector.shape_cast %get3A_152 : vector<16xi32> to vector<16xi32>
    %and3A_154 = arith.constant 16383 : i32
    %and3A_155 = vector.broadcast %and3A_154 : i32 to vector<16xi32>
    %and3A_156 = arith.andi %get3A_153, %and3A_155 : vector<16xi32>
    %add3A_157 = vector.broadcast %mul3A_0 : i32 to vector<16xi32>
    %add3A_158 = arith.addi %add3A_157, %and3A_156 : vector<16xi32>
    %swap3A_159 = arith.constant 0 : index
    %swap3A_160 = tpu.vector_load %arg7[%swap3A_159] {strides = array<i32>} : memref<64xi32, #tpu.memory_space<vmem>>, vector<16xi32>,
    %swap3A_161 = vector.shape_cast %swap3A_160 : vector<16xi32> to vector<16xi32>
    %swap3A_162 = vector.shape_cast %add3A_158 : vector<16xi32> to vector<16xi32>
    tpu.vector_store %arg7[%swap3A_159], %swap3A_162 {strides = array<i32>} : memref<64xi32, #tpu.memory_space<vmem>>, vector<16xi32>,
    %shift_right_logical3A_163 = arith.constant 14 : i32
    %shift_right_logical3A_164 = vector.broadcast %shift_right_logical3A_163 : i32 to vector<16xi32>
    %shift_right_logical3A_165 = arith.shrui %get3A_153, %shift_right_logical3A_164 : vector<16xi32>
    %swap3A_166 = arith.constant 0 : index
    %swap3A_167 = tpu.vector_load %arg11[%swap3A_166] {strides = array<i32>} : memref<64xi32, #tpu.memory_space<vmem>>, vector<16xi32>,
    %swap3A_168 = vector.shape_cast %swap3A_167 : vector<16xi32> to vector<16xi32>
    %swap3A_169 = vector.shape_cast %shift_right_logical3A_165 : vector<16xi32> to vector<16xi32>
    tpu.vector_store %arg11[%swap3A_166], %swap3A_169 {strides = array<i32>} : memref<64xi32, #tpu.memory_space<vmem>>, vector<16xi32>,
    %mul3A_170 = arith.constant 1 : i32
    %mul3A_171 = arith.constant 64 : i32
    %mul3A_172 = arith.muli %mul3A_170, %mul3A_171 : i32
    %add3A_173 = arith.constant 16 : i32
    %add3A_174 = arith.addi %mul3A_172, %add3A_173 : i32
    %get3A_175 = arith.index_cast %add3A_174 : i32 to index
    %get3A_176 = tpu.vector_load %arg5[%get3A_175] {strides = array<i32>} : memref<10240xi32, #tpu.memory_space<vmem>>, vector<16xi32>,
    %get3A_177 = vector.shape_cast %get3A_176 : vector<16xi32> to vector<16xi32>
    %and3A_178 = arith.constant 16383 : i32
    %and3A_179 = vector.broadcast %and3A_178 : i32 to vector<16xi32>
    %and3A_180 = arith.andi %get3A_177, %and3A_179 : vector<16xi32>
    %add3A_181 = vector.broadcast %mul3A_0 : i32 to vector<16xi32>
    %add3A_182 = arith.addi %add3A_181, %and3A_180 : vector<16xi32>
    %swap3A_183 = arith.constant 16 : index
    %swap3A_184 = tpu.vector_load %arg7[%swap3A_183] {strides = array<i32>} : memref<64xi32, #tpu.memory_space<vmem>>, vector<16xi32>,
    %swap3A_185 = vector.shape_cast %swap3A_184 : vector<16xi32> to vector<16xi32>
    %swap3A_186 = vector.shape_cast %add3A_182 : vector<16xi32> to vector<16xi32>
    tpu.vector_store %arg7[%swap3A_183], %swap3A_186 {strides = array<i32>} : memref<64xi32, #tpu.memory_space<vmem>>, vector<16xi32>,
    %shift_right_logical3A_187 = arith.constant 14 : i32
    %shift_right_logical3A_188 = vector.broadcast %shift_right_logical3A_187 : i32 to vector<16xi32>
    %shift_right_logical3A_189 = arith.shrui %get3A_177, %shift_right_logical3A_188 : vector<16xi32>
    %swap3A_190 = arith.constant 16 : index
    %swap3A_191 = tpu.vector_load %arg11[%swap3A_190] {strides = array<i32>} : memref<64xi32, #tpu.memory_space<vmem>>, vector<16xi32>,
    %swap3A_192 = vector.shape_cast %swap3A_191 : vector<16xi32> to vector<16xi32>
    %swap3A_193 = vector.shape_cast %shift_right_logical3A_189 : vector<16xi32> to vector<16xi32>
    tpu.vector_store %arg11[%swap3A_190], %swap3A_193 {strides = array<i32>} : memref<64xi32, #tpu.memory_space<vmem>>, vector<16xi32>,
    %mul3A_194 = arith.constant 1 : i32
    %mul3A_195 = arith.constant 64 : i32
    %mul3A_196 = arith.muli %mul3A_194, %mul3A_195 : i32
    %add3A_197 = arith.constant 32 : i32
    %add3A_198 = arith.addi %mul3A_196, %add3A_197 : i32
    %get3A_199 = arith.index_cast %add3A_198 : i32 to index
    %get3A_200 = tpu.vector_load %arg5[%get3A_199] {strides = array<i32>} : memref<10240xi32, #tpu.memory_space<vmem>>, vector<16xi32>,
    %get3A_201 = vector.shape_cast %get3A_200 : vector<16xi32> to vector<16xi32>
    %and3A_202 = arith.constant 16383 : i32
    %and3A_203 = vector.broadcast %and3A_202 : i32 to vector<16xi32>
    %and3A_204 = arith.andi %get3A_201, %and3A_203 : vector<16xi32>
    %add3A_205 = vector.broadcast %mul3A_0 : i32 to vector<16xi32>
    %add3A_206 = arith.addi %add3A_205, %and3A_204 : vector<16xi32>
    %swap3A_207 = arith.constant 32 : index
    %swap3A_208 = tpu.vector_load %arg7[%swap3A_207] {strides = array<i32>} : memref<64xi32, #tpu.memory_space<vmem>>, vector<16xi32>,
    %swap3A_209 = vector.shape_cast %swap3A_208 : vector<16xi32> to vector<16xi32>
    %swap3A_210 = vector.shape_cast %add3A_206 : vector<16xi32> to vector<16xi32>
    tpu.vector_store %arg7[%swap3A_207], %swap3A_210 {strides = array<i32>} : memref<64xi32, #tpu.memory_space<vmem>>, vector<16xi32>,
    %shift_right_logical3A_211 = arith.constant 14 : i32
    %shift_right_logical3A_212 = vector.broadcast %shift_right_logical3A_211 : i32 to vector<16xi32>
    %shift_right_logical3A_213 = arith.shrui %get3A_201, %shift_right_logical3A_212 : vector<16xi32>
    %swap3A_214 = arith.constant 32 : index
    %swap3A_215 = tpu.vector_load %arg11[%swap3A_214] {strides = array<i32>} : memref<64xi32, #tpu.memory_space<vmem>>, vector<16xi32>,
    %swap3A_216 = vector.shape_cast %swap3A_215 : vector<16xi32> to vector<16xi32>
    %swap3A_217 = vector.shape_cast %shift_right_logical3A_213 : vector<16xi32> to vector<16xi32>
    tpu.vector_store %arg11[%swap3A_214], %swap3A_217 {strides = array<i32>} : memref<64xi32, #tpu.memory_space<vmem>>, vector<16xi32>,
    %mul3A_218 = arith.constant 1 : i32
    %mul3A_219 = arith.constant 64 : i32
    %mul3A_220 = arith.muli %mul3A_218, %mul3A_219 : i32
    %add3A_221 = arith.constant 48 : i32
    %add3A_222 = arith.addi %mul3A_220, %add3A_221 : i32
    %get3A_223 = arith.index_cast %add3A_222 : i32 to index
    %get3A_224 = tpu.vector_load %arg5[%get3A_223] {strides = array<i32>} : memref<10240xi32, #tpu.memory_space<vmem>>, vector<16xi32>,
    %get3A_225 = vector.shape_cast %get3A_224 : vector<16xi32> to vector<16xi32>
    %and3A_226 = arith.constant 16383 : i32
    %and3A_227 = vector.broadcast %and3A_226 : i32 to vector<16xi32>
    %and3A_228 = arith.andi %get3A_225, %and3A_227 : vector<16xi32>
    %add3A_229 = vector.broadcast %mul3A_0 : i32 to vector<16xi32>
    %add3A_230 = arith.addi %add3A_229, %and3A_228 : vector<16xi32>
    %swap3A_231 = arith.constant 48 : index
    %swap3A_232 = tpu.vector_load %arg7[%swap3A_231] {strides = array<i32>} : memref<64xi32, #tpu.memory_space<vmem>>, vector<16xi32>,
    %swap3A_233 = vector.shape_cast %swap3A_232 : vector<16xi32> to vector<16xi32>
    %swap3A_234 = vector.shape_cast %add3A_230 : vector<16xi32> to vector<16xi32>
    tpu.vector_store %arg7[%swap3A_231], %swap3A_234 {strides = array<i32>} : memref<64xi32, #tpu.memory_space<vmem>>, vector<16xi32>,
    %shift_right_logical3A_235 = arith.constant 14 : i32
    %shift_right_logical3A_236 = vector.broadcast %shift_right_logical3A_235 : i32 to vector<16xi32>
    %shift_right_logical3A_237 = arith.shrui %get3A_225, %shift_right_logical3A_236 : vector<16xi32>
    %swap3A_238 = arith.constant 48 : index
    %swap3A_239 = tpu.vector_load %arg11[%swap3A_238] {strides = array<i32>} : memref<64xi32, #tpu.memory_space<vmem>>, vector<16xi32>,
    %swap3A_240 = vector.shape_cast %swap3A_239 : vector<16xi32> to vector<16xi32>
    %swap3A_241 = vector.shape_cast %shift_right_logical3A_237 : vector<16xi32> to vector<16xi32>
    tpu.vector_store %arg11[%swap3A_238], %swap3A_241 {strides = array<i32>} : memref<64xi32, #tpu.memory_space<vmem>>, vector<16xi32>,
    %dma_start3A_242 = arith.constant 0 : i32
    %dma_start3A_243 = arith.constant 0 : i32
    %dma_start3A_244 = tpu.memref_slice %arg2[%dma_start3A_242, %dma_start3A_243] : memref<20480x128xf32, #tpu.memory_space<hbm>> -> memref<20480x128xf32, #tpu.memory_space<hbm>>
    tpu.enqueue_indirect_dma source(%dma_start3A_244 : memref<20480x128xf32, #tpu.memory_space<hbm>>) target(%arg15 : memref<64x128xf32, #tpu.memory_space<vmem>>) offsets(%arg7 : memref<64xi32, #tpu.memory_space<vmem>>) semaphore(%arg19 : memref<!tpu.dma_semaphore, #tpu.memory_space<semaphore_mem>>)
    %mul3A_245 = arith.constant 2 : i32
    %mul3A_246 = arith.constant 64 : i32
    %mul3A_247 = arith.muli %mul3A_245, %mul3A_246 : i32
    %add3A_248 = arith.constant 0 : i32
    %add3A_249 = arith.addi %mul3A_247, %add3A_248 : i32
    %get3A_250 = arith.index_cast %add3A_249 : i32 to index
    %get3A_251 = tpu.vector_load %arg5[%get3A_250] {strides = array<i32>} : memref<10240xi32, #tpu.memory_space<vmem>>, vector<16xi32>,
    %get3A_252 = vector.shape_cast %get3A_251 : vector<16xi32> to vector<16xi32>
    %and3A_253 = arith.constant 16383 : i32
    %and3A_254 = vector.broadcast %and3A_253 : i32 to vector<16xi32>
    %and3A_255 = arith.andi %get3A_252, %and3A_254 : vector<16xi32>
    %add3A_256 = vector.broadcast %mul3A_0 : i32 to vector<16xi32>
    %add3A_257 = arith.addi %add3A_256, %and3A_255 : vector<16xi32>
    %swap3A_258 = arith.constant 0 : index
    %swap3A_259 = tpu.vector_load %arg8[%swap3A_258] {strides = array<i32>} : memref<64xi32, #tpu.memory_space<vmem>>, vector<16xi32>,
    %swap3A_260 = vector.shape_cast %swap3A_259 : vector<16xi32> to vector<16xi32>
    %swap3A_261 = vector.shape_cast %add3A_257 : vector<16xi32> to vector<16xi32>
    tpu.vector_store %arg8[%swap3A_258], %swap3A_261 {strides = array<i32>} : memref<64xi32, #tpu.memory_space<vmem>>, vector<16xi32>,
    %shift_right_logical3A_262 = arith.constant 14 : i32
    %shift_right_logical3A_263 = vector.broadcast %shift_right_logical3A_262 : i32 to vector<16xi32>
    %shift_right_logical3A_264 = arith.shrui %get3A_252, %shift_right_logical3A_263 : vector<16xi32>
    %swap3A_265 = arith.constant 0 : index
    %swap3A_266 = tpu.vector_load %arg12[%swap3A_265] {strides = array<i32>} : memref<64xi32, #tpu.memory_space<vmem>>, vector<16xi32>,
    %swap3A_267 = vector.shape_cast %swap3A_266 : vector<16xi32> to vector<16xi32>
    %swap3A_268 = vector.shape_cast %shift_right_logical3A_264 : vector<16xi32> to vector<16xi32>
    tpu.vector_store %arg12[%swap3A_265], %swap3A_268 {strides = array<i32>} : memref<64xi32, #tpu.memory_space<vmem>>, vector<16xi32>,
    %mul3A_269 = arith.constant 2 : i32
    %mul3A_270 = arith.constant 64 : i32
    %mul3A_271 = arith.muli %mul3A_269, %mul3A_270 : i32
    %add3A_272 = arith.constant 16 : i32
    %add3A_273 = arith.addi %mul3A_271, %add3A_272 : i32
    %get3A_274 = arith.index_cast %add3A_273 : i32 to index
    %get3A_275 = tpu.vector_load %arg5[%get3A_274] {strides = array<i32>} : memref<10240xi32, #tpu.memory_space<vmem>>, vector<16xi32>,
    %get3A_276 = vector.shape_cast %get3A_275 : vector<16xi32> to vector<16xi32>
    %and3A_277 = arith.constant 16383 : i32
    %and3A_278 = vector.broadcast %and3A_277 : i32 to vector<16xi32>
    %and3A_279 = arith.andi %get3A_276, %and3A_278 : vector<16xi32>
    %add3A_280 = vector.broadcast %mul3A_0 : i32 to vector<16xi32>
    %add3A_281 = arith.addi %add3A_280, %and3A_279 : vector<16xi32>
    %swap3A_282 = arith.constant 16 : index
    %swap3A_283 = tpu.vector_load %arg8[%swap3A_282] {strides = array<i32>} : memref<64xi32, #tpu.memory_space<vmem>>, vector<16xi32>,
    %swap3A_284 = vector.shape_cast %swap3A_283 : vector<16xi32> to vector<16xi32>
    %swap3A_285 = vector.shape_cast %add3A_281 : vector<16xi32> to vector<16xi32>
    tpu.vector_store %arg8[%swap3A_282], %swap3A_285 {strides = array<i32>} : memref<64xi32, #tpu.memory_space<vmem>>, vector<16xi32>,
    %shift_right_logical3A_286 = arith.constant 14 : i32
    %shift_right_logical3A_287 = vector.broadcast %shift_right_logical3A_286 : i32 to vector<16xi32>
    %shift_right_logical3A_288 = arith.shrui %get3A_276, %shift_right_logical3A_287 : vector<16xi32>
    %swap3A_289 = arith.constant 16 : index
    %swap3A_290 = tpu.vector_load %arg12[%swap3A_289] {strides = array<i32>} : memref<64xi32, #tpu.memory_space<vmem>>, vector<16xi32>,
    %swap3A_291 = vector.shape_cast %swap3A_290 : vector<16xi32> to vector<16xi32>
    %swap3A_292 = vector.shape_cast %shift_right_logical3A_288 : vector<16xi32> to vector<16xi32>
    tpu.vector_store %arg12[%swap3A_289], %swap3A_292 {strides = array<i32>} : memref<64xi32, #tpu.memory_space<vmem>>, vector<16xi32>,
    %mul3A_293 = arith.constant 2 : i32
    %mul3A_294 = arith.constant 64 : i32
    %mul3A_295 = arith.muli %mul3A_293, %mul3A_294 : i32
    %add3A_296 = arith.constant 32 : i32
    %add3A_297 = arith.addi %mul3A_295, %add3A_296 : i32
    %get3A_298 = arith.index_cast %add3A_297 : i32 to index
    %get3A_299 = tpu.vector_load %arg5[%get3A_298] {strides = array<i32>} : memref<10240xi32, #tpu.memory_space<vmem>>, vector<16xi32>,
    %get3A_300 = vector.shape_cast %get3A_299 : vector<16xi32> to vector<16xi32>
    %and3A_301 = arith.constant 16383 : i32
    %and3A_302 = vector.broadcast %and3A_301 : i32 to vector<16xi32>
    %and3A_303 = arith.andi %get3A_300, %and3A_302 : vector<16xi32>
    %add3A_304 = vector.broadcast %mul3A_0 : i32 to vector<16xi32>
    %add3A_305 = arith.addi %add3A_304, %and3A_303 : vector<16xi32>
    %swap3A_306 = arith.constant 32 : index
    %swap3A_307 = tpu.vector_load %arg8[%swap3A_306] {strides = array<i32>} : memref<64xi32, #tpu.memory_space<vmem>>, vector<16xi32>,
    %swap3A_308 = vector.shape_cast %swap3A_307 : vector<16xi32> to vector<16xi32>
    %swap3A_309 = vector.shape_cast %add3A_305 : vector<16xi32> to vector<16xi32>
    tpu.vector_store %arg8[%swap3A_306], %swap3A_309 {strides = array<i32>} : memref<64xi32, #tpu.memory_space<vmem>>, vector<16xi32>,
    %shift_right_logical3A_310 = arith.constant 14 : i32
    %shift_right_logical3A_311 = vector.broadcast %shift_right_logical3A_310 : i32 to vector<16xi32>
    %shift_right_logical3A_312 = arith.shrui %get3A_300, %shift_right_logical3A_311 : vector<16xi32>
    %swap3A_313 = arith.constant 32 : index
    %swap3A_314 = tpu.vector_load %arg12[%swap3A_313] {strides = array<i32>} : memref<64xi32, #tpu.memory_space<vmem>>, vector<16xi32>,
    %swap3A_315 = vector.shape_cast %swap3A_314 : vector<16xi32> to vector<16xi32>
    %swap3A_316 = vector.shape_cast %shift_right_logical3A_312 : vector<16xi32> to vector<16xi32>
    tpu.vector_store %arg12[%swap3A_313], %swap3A_316 {strides = array<i32>} : memref<64xi32, #tpu.memory_space<vmem>>, vector<16xi32>,
    %mul3A_317 = arith.constant 2 : i32
    %mul3A_318 = arith.constant 64 : i32
    %mul3A_319 = arith.muli %mul3A_317, %mul3A_318 : i32
    %add3A_320 = arith.constant 48 : i32
    %add3A_321 = arith.addi %mul3A_319, %add3A_320 : i32
    %get3A_322 = arith.index_cast %add3A_321 : i32 to index
    %get3A_323 = tpu.vector_load %arg5[%get3A_322] {strides = array<i32>} : memref<10240xi32, #tpu.memory_space<vmem>>, vector<16xi32>,
    %get3A_324 = vector.shape_cast %get3A_323 : vector<16xi32> to vector<16xi32>
    %and3A_325 = arith.constant 16383 : i32
    %and3A_326 = vector.broadcast %and3A_325 : i32 to vector<16xi32>
    %and3A_327 = arith.andi %get3A_324, %and3A_326 : vector<16xi32>
    %add3A_328 = vector.broadcast %mul3A_0 : i32 to vector<16xi32>
    %add3A_329 = arith.addi %add3A_328, %and3A_327 : vector<16xi32>
    %swap3A_330 = arith.constant 48 : index
    %swap3A_331 = tpu.vector_load %arg8[%swap3A_330] {strides = array<i32>} : memref<64xi32, #tpu.memory_space<vmem>>, vector<16xi32>,
    %swap3A_332 = vector.shape_cast %swap3A_331 : vector<16xi32> to vector<16xi32>
    %swap3A_333 = vector.shape_cast %add3A_329 : vector<16xi32> to vector<16xi32>
    tpu.vector_store %arg8[%swap3A_330], %swap3A_333 {strides = array<i32>} : memref<64xi32, #tpu.memory_space<vmem>>, vector<16xi32>,
    %shift_right_logical3A_334 = arith.constant 14 : i32
    %shift_right_logical3A_335 = vector.broadcast %shift_right_logical3A_334 : i32 to vector<16xi32>
    %shift_right_logical3A_336 = arith.shrui %get3A_324, %shift_right_logical3A_335 : vector<16xi32>
    %swap3A_337 = arith.constant 48 : index
    %swap3A_338 = tpu.vector_load %arg12[%swap3A_337] {strides = array<i32>} : memref<64xi32, #tpu.memory_space<vmem>>, vector<16xi32>,
    %swap3A_339 = vector.shape_cast %swap3A_338 : vector<16xi32> to vector<16xi32>
    %swap3A_340 = vector.shape_cast %shift_right_logical3A_336 : vector<16xi32> to vector<16xi32>
    tpu.vector_store %arg12[%swap3A_337], %swap3A_340 {strides = array<i32>} : memref<64xi32, #tpu.memory_space<vmem>>, vector<16xi32>,
    %dma_start3A_341 = arith.constant 0 : i32
    %dma_start3A_342 = arith.constant 0 : i32
    %dma_start3A_343 = tpu.memref_slice %arg2[%dma_start3A_341, %dma_start3A_342] : memref<20480x128xf32, #tpu.memory_space<hbm>> -> memref<20480x128xf32, #tpu.memory_space<hbm>>
    tpu.enqueue_indirect_dma source(%dma_start3A_343 : memref<20480x128xf32, #tpu.memory_space<hbm>>) target(%arg16 : memref<64x128xf32, #tpu.memory_space<vmem>>) offsets(%arg8 : memref<64xi32, #tpu.memory_space<vmem>>) semaphore(%arg20 : memref<!tpu.dma_semaphore, #tpu.memory_space<semaphore_mem>>)
    %mul3A_344 = arith.constant 3 : i32
    %mul3A_345 = arith.constant 64 : i32
    %mul3A_346 = arith.muli %mul3A_344, %mul3A_345 : i32
    %add3A_347 = arith.constant 0 : i32
    %add3A_348 = arith.addi %mul3A_346, %add3A_347 : i32
    %get3A_349 = arith.index_cast %add3A_348 : i32 to index
    %get3A_350 = tpu.vector_load %arg5[%get3A_349] {strides = array<i32>} : memref<10240xi32, #tpu.memory_space<vmem>>, vector<16xi32>,
    %get3A_351 = vector.shape_cast %get3A_350 : vector<16xi32> to vector<16xi32>
    %and3A_352 = arith.constant 16383 : i32
    %and3A_353 = vector.broadcast %and3A_352 : i32 to vector<16xi32>
    %and3A_354 = arith.andi %get3A_351, %and3A_353 : vector<16xi32>
    %add3A_355 = vector.broadcast %mul3A_0 : i32 to vector<16xi32>
    %add3A_356 = arith.addi %add3A_355, %and3A_354 : vector<16xi32>
    %swap3A_357 = arith.constant 0 : index
    %swap3A_358 = tpu.vector_load %arg9[%swap3A_357] {strides = array<i32>} : memref<64xi32, #tpu.memory_space<vmem>>, vector<16xi32>,
    %swap3A_359 = vector.shape_cast %swap3A_358 : vector<16xi32> to vector<16xi32>
    %swap3A_360 = vector.shape_cast %add3A_356 : vector<16xi32> to vector<16xi32>
    tpu.vector_store %arg9[%swap3A_357], %swap3A_360 {strides = array<i32>} : memref<64xi32, #tpu.memory_space<vmem>>, vector<16xi32>,
    %shift_right_logical3A_361 = arith.constant 14 : i32
    %shift_right_logical3A_362 = vector.broadcast %shift_right_logical3A_361 : i32 to vector<16xi32>
    %shift_right_logical3A_363 = arith.shrui %get3A_351, %shift_right_logical3A_362 : vector<16xi32>
    %swap3A_364 = arith.constant 0 : index
    %swap3A_365 = tpu.vector_load %arg13[%swap3A_364] {strides = array<i32>} : memref<64xi32, #tpu.memory_space<vmem>>, vector<16xi32>,
    %swap3A_366 = vector.shape_cast %swap3A_365 : vector<16xi32> to vector<16xi32>
    %swap3A_367 = vector.shape_cast %shift_right_logical3A_363 : vector<16xi32> to vector<16xi32>
    tpu.vector_store %arg13[%swap3A_364], %swap3A_367 {strides = array<i32>} : memref<64xi32, #tpu.memory_space<vmem>>, vector<16xi32>,
    %mul3A_368 = arith.constant 3 : i32
    %mul3A_369 = arith.constant 64 : i32
    %mul3A_370 = arith.muli %mul3A_368, %mul3A_369 : i32
    %add3A_371 = arith.constant 16 : i32
    %add3A_372 = arith.addi %mul3A_370, %add3A_371 : i32
    %get3A_373 = arith.index_cast %add3A_372 : i32 to index
    %get3A_374 = tpu.vector_load %arg5[%get3A_373] {strides = array<i32>} : memref<10240xi32, #tpu.memory_space<vmem>>, vector<16xi32>,
    %get3A_375 = vector.shape_cast %get3A_374 : vector<16xi32> to vector<16xi32>
    %and3A_376 = arith.constant 16383 : i32
    %and3A_377 = vector.broadcast %and3A_376 : i32 to vector<16xi32>
    %and3A_378 = arith.andi %get3A_375, %and3A_377 : vector<16xi32>
    %add3A_379 = vector.broadcast %mul3A_0 : i32 to vector<16xi32>
    %add3A_380 = arith.addi %add3A_379, %and3A_378 : vector<16xi32>
    %swap3A_381 = arith.constant 16 : index
    %swap3A_382 = tpu.vector_load %arg9[%swap3A_381] {strides = array<i32>} : memref<64xi32, #tpu.memory_space<vmem>>, vector<16xi32>,
    %swap3A_383 = vector.shape_cast %swap3A_382 : vector<16xi32> to vector<16xi32>
    %swap3A_384 = vector.shape_cast %add3A_380 : vector<16xi32> to vector<16xi32>
    tpu.vector_store %arg9[%swap3A_381], %swap3A_384 {strides = array<i32>} : memref<64xi32, #tpu.memory_space<vmem>>, vector<16xi32>,
    %shift_right_logical3A_385 = arith.constant 14 : i32
    %shift_right_logical3A_386 = vector.broadcast %shift_right_logical3A_385 : i32 to vector<16xi32>
    %shift_right_logical3A_387 = arith.shrui %get3A_375, %shift_right_logical3A_386 : vector<16xi32>
    %swap3A_388 = arith.constant 16 : index
    %swap3A_389 = tpu.vector_load %arg13[%swap3A_388] {strides = array<i32>} : memref<64xi32, #tpu.memory_space<vmem>>, vector<16xi32>,
    %swap3A_390 = vector.shape_cast %swap3A_389 : vector<16xi32> to vector<16xi32>
    %swap3A_391 = vector.shape_cast %shift_right_logical3A_387 : vector<16xi32> to vector<16xi32>
    tpu.vector_store %arg13[%swap3A_388], %swap3A_391 {strides = array<i32>} : memref<64xi32, #tpu.memory_space<vmem>>, vector<16xi32>,
    %mul3A_392 = arith.constant 3 : i32
    %mul3A_393 = arith.constant 64 : i32
    %mul3A_394 = arith.muli %mul3A_392, %mul3A_393 : i32
    %add3A_395 = arith.constant 32 : i32
    %add3A_396 = arith.addi %mul3A_394, %add3A_395 : i32
    %get3A_397 = arith.index_cast %add3A_396 : i32 to index
    %get3A_398 = tpu.vector_load %arg5[%get3A_397] {strides = array<i32>} : memref<10240xi32, #tpu.memory_space<vmem>>, vector<16xi32>,
    %get3A_399 = vector.shape_cast %get3A_398 : vector<16xi32> to vector<16xi32>
    %and3A_400 = arith.constant 16383 : i32
    %and3A_401 = vector.broadcast %and3A_400 : i32 to vector<16xi32>
    %and3A_402 = arith.andi %get3A_399, %and3A_401 : vector<16xi32>
    %add3A_403 = vector.broadcast %mul3A_0 : i32 to vector<16xi32>
    %add3A_404 = arith.addi %add3A_403, %and3A_402 : vector<16xi32>
    %swap3A_405 = arith.constant 32 : index
    %swap3A_406 = tpu.vector_load %arg9[%swap3A_405] {strides = array<i32>} : memref<64xi32, #tpu.memory_space<vmem>>, vector<16xi32>,
    %swap3A_407 = vector.shape_cast %swap3A_406 : vector<16xi32> to vector<16xi32>
    %swap3A_408 = vector.shape_cast %add3A_404 : vector<16xi32> to vector<16xi32>
    tpu.vector_store %arg9[%swap3A_405], %swap3A_408 {strides = array<i32>} : memref<64xi32, #tpu.memory_space<vmem>>, vector<16xi32>,
    %shift_right_logical3A_409 = arith.constant 14 : i32
    %shift_right_logical3A_410 = vector.broadcast %shift_right_logical3A_409 : i32 to vector<16xi32>
    %shift_right_logical3A_411 = arith.shrui %get3A_399, %shift_right_logical3A_410 : vector<16xi32>
    %swap3A_412 = arith.constant 32 : index
    %swap3A_413 = tpu.vector_load %arg13[%swap3A_412] {strides = array<i32>} : memref<64xi32, #tpu.memory_space<vmem>>, vector<16xi32>,
    %swap3A_414 = vector.shape_cast %swap3A_413 : vector<16xi32> to vector<16xi32>
    %swap3A_415 = vector.shape_cast %shift_right_logical3A_411 : vector<16xi32> to vector<16xi32>
    tpu.vector_store %arg13[%swap3A_412], %swap3A_415 {strides = array<i32>} : memref<64xi32, #tpu.memory_space<vmem>>, vector<16xi32>,
    %mul3A_416 = arith.constant 3 : i32
    %mul3A_417 = arith.constant 64 : i32
    %mul3A_418 = arith.muli %mul3A_416, %mul3A_417 : i32
    %add3A_419 = arith.constant 48 : i32
    %add3A_420 = arith.addi %mul3A_418, %add3A_419 : i32
    %get3A_421 = arith.index_cast %add3A_420 : i32 to index
    %get3A_422 = tpu.vector_load %arg5[%get3A_421] {strides = array<i32>} : memref<10240xi32, #tpu.memory_space<vmem>>, vector<16xi32>,
    %get3A_423 = vector.shape_cast %get3A_422 : vector<16xi32> to vector<16xi32>
    %and3A_424 = arith.constant 16383 : i32
    %and3A_425 = vector.broadcast %and3A_424 : i32 to vector<16xi32>
    %and3A_426 = arith.andi %get3A_423, %and3A_425 : vector<16xi32>
    %add3A_427 = vector.broadcast %mul3A_0 : i32 to vector<16xi32>
    %add3A_428 = arith.addi %add3A_427, %and3A_426 : vector<16xi32>
    %swap3A_429 = arith.constant 48 : index
    %swap3A_430 = tpu.vector_load %arg9[%swap3A_429] {strides = array<i32>} : memref<64xi32, #tpu.memory_space<vmem>>, vector<16xi32>,
    %swap3A_431 = vector.shape_cast %swap3A_430 : vector<16xi32> to vector<16xi32>
    %swap3A_432 = vector.shape_cast %add3A_428 : vector<16xi32> to vector<16xi32>
    tpu.vector_store %arg9[%swap3A_429], %swap3A_432 {strides = array<i32>} : memref<64xi32, #tpu.memory_space<vmem>>, vector<16xi32>,
    %shift_right_logical3A_433 = arith.constant 14 : i32
    %shift_right_logical3A_434 = vector.broadcast %shift_right_logical3A_433 : i32 to vector<16xi32>
    %shift_right_logical3A_435 = arith.shrui %get3A_423, %shift_right_logical3A_434 : vector<16xi32>
    %swap3A_436 = arith.constant 48 : index
    %swap3A_437 = tpu.vector_load %arg13[%swap3A_436] {strides = array<i32>} : memref<64xi32, #tpu.memory_space<vmem>>, vector<16xi32>,
    %swap3A_438 = vector.shape_cast %swap3A_437 : vector<16xi32> to vector<16xi32>
    %swap3A_439 = vector.shape_cast %shift_right_logical3A_435 : vector<16xi32> to vector<16xi32>
    tpu.vector_store %arg13[%swap3A_436], %swap3A_439 {strides = array<i32>} : memref<64xi32, #tpu.memory_space<vmem>>, vector<16xi32>,
    %dma_start3A_440 = arith.constant 0 : i32
    %dma_start3A_441 = arith.constant 0 : i32
    %dma_start3A_442 = tpu.memref_slice %arg2[%dma_start3A_440, %dma_start3A_441] : memref<20480x128xf32, #tpu.memory_space<hbm>> -> memref<20480x128xf32, #tpu.memory_space<hbm>>
    tpu.enqueue_indirect_dma source(%dma_start3A_442 : memref<20480x128xf32, #tpu.memory_space<hbm>>) target(%arg17 : memref<64x128xf32, #tpu.memory_space<vmem>>) offsets(%arg9 : memref<64xi32, #tpu.memory_space<vmem>>) semaphore(%arg21 : memref<!tpu.dma_semaphore, #tpu.memory_space<semaphore_mem>>)
    %scan3A = arith.constant 0 : i32
    %scan3A_443 = arith.constant 0 : i32
    %scan3A_444 = arith.constant 39 : i32
    %scan3A_445 = arith.addi %scan3A_443, %scan3A_444 : i32
    %scan3A_446 = arith.constant 1 : i32
    scf.for %scan3A_915 = %scan3A_443 to %scan3A_445 step %scan3A_446  : i32 {
      %mul3A_916 = arith.constant 4 : i32
      %mul3A_917 = arith.muli %mul3A_916, %scan3A_915 : i32
      %add3A_918 = arith.constant 0 : i32
      %add3A_919 = arith.addi %mul3A_917, %add3A_918 : i32
      %dma_wait3A_920 = arith.constant 0 : i32
      %dma_wait3A_921 = arith.constant 0 : i32
      %dma_wait3A_922 = tpu.memref_slice %arg2[%dma_wait3A_920, %dma_wait3A_921] : memref<20480x128xf32, #tpu.memory_space<hbm>> -> memref<20480x128xf32, #tpu.memory_space<hbm>>
      tpu.wait_indirect_dma semaphore(%arg18 : memref<!tpu.dma_semaphore, #tpu.memory_space<semaphore_mem>>) src(%dma_wait3A_922 : memref<20480x128xf32, #tpu.memory_space<hbm>>) dst(%arg14 : memref<64x128xf32, #tpu.memory_space<vmem>>)
      "tpu.region"() ({
        %run_scoped3A = tpu.sem_alloc : memref<!tpu.dma_semaphore, #tpu.memory_space<semaphore_mem>>
        %dma_start3A_1339 = arith.constant 0 : i32
        %dma_start3A_1340 = arith.constant 0 : i32
        %dma_start3A_1341 = tpu.memref_slice %arg22[%dma_start3A_1339, %dma_start3A_1340] : memref<10240x128xf32, #tpu.memory_space<vmem_shared>> -> memref<10240x128xf32, #tpu.memory_space<vmem_shared>>
        tpu.enqueue_indirect_dma source(%arg14 : memref<64x128xf32, #tpu.memory_space<vmem>>) target(%dma_start3A_1341 : memref<10240x128xf32, #tpu.memory_space<vmem_shared>>) offsets(%arg10 : memref<64xi32, #tpu.memory_space<vmem>>) semaphore(%run_scoped3A : memref<!tpu.dma_semaphore, #tpu.memory_space<semaphore_mem>>) {add = true}
        %dma_wait3A_1342 = arith.constant 0 : i32
        %dma_wait3A_1343 = arith.constant 0 : i32
        %dma_wait3A_1344 = tpu.memref_slice %arg22[%dma_wait3A_1342, %dma_wait3A_1343] : memref<10240x128xf32, #tpu.memory_space<vmem_shared>> -> memref<10240x128xf32, #tpu.memory_space<vmem_shared>>
        tpu.wait_indirect_dma semaphore(%run_scoped3A : memref<!tpu.dma_semaphore, #tpu.memory_space<semaphore_mem>>) src(%arg14 : memref<64x128xf32, #tpu.memory_space<vmem>>) dst(%dma_wait3A_1344 : memref<10240x128xf32, #tpu.memory_space<vmem_shared>>)
        tpu.yield
      }) : () -> ()
      %add3A_923 = arith.constant 4 : i32
      %add3A_924 = arith.addi %add3A_919, %add3A_923 : i32
      %min3A = arith.constant 159 : i32
      %min3A_925 = arith.minsi %add3A_924, %min3A : i32
      %mul3A_926 = arith.constant 64 : i32
      %mul3A_927 = arith.muli %min3A_925, %mul3A_926 : i32
      %add3A_928 = arith.constant 0 : i32
      %add3A_929 = arith.addi %mul3A_927, %add3A_928 : i32
      %get3A_930 = arith.index_cast %add3A_929 : i32 to index
      %get3A_931 = tpu.vector_load %arg5[%get3A_930] {strides = array<i32>} : memref<10240xi32, #tpu.memory_space<vmem>>, vector<16xi32>,
      %get3A_932 = vector.shape_cast %get3A_931 : vector<16xi32> to vector<16xi32>
      %and3A_933 = arith.constant 16383 : i32
      %and3A_934 = vector.broadcast %and3A_933 : i32 to vector<16xi32>
      %and3A_935 = arith.andi %get3A_932, %and3A_934 : vector<16xi32>
      %add3A_936 = vector.broadcast %mul3A_0 : i32 to vector<16xi32>
      %add3A_937 = arith.addi %add3A_936, %and3A_935 : vector<16xi32>
      %swap3A_938 = arith.constant 0 : index
      %swap3A_939 = tpu.vector_load %arg6[%swap3A_938] {strides = array<i32>} : memref<64xi32, #tpu.memory_space<vmem>>, vector<16xi32>,
      %swap3A_940 = vector.shape_cast %swap3A_939 : vector<16xi32> to vector<16xi32>
      %swap3A_941 = vector.shape_cast %add3A_937 : vector<16xi32> to vector<16xi32>
      tpu.vector_store %arg6[%swap3A_938], %swap3A_941 {strides = array<i32>} : memref<64xi32, #tpu.memory_space<vmem>>, vector<16xi32>,
      %shift_right_logical3A_942 = arith.constant 14 : i32
      %shift_right_logical3A_943 = vector.broadcast %shift_right_logical3A_942 : i32 to vector<16xi32>
      %shift_right_logical3A_944 = arith.shrui %get3A_932, %shift_right_logical3A_943 : vector<16xi32>
      %swap3A_945 = arith.constant 0 : index
      %swap3A_946 = tpu.vector_load %arg10[%swap3A_945] {strides = array<i32>} : memref<64xi32, #tpu.memory_space<vmem>>, vector<16xi32>,
      %swap3A_947 = vector.shape_cast %swap3A_946 : vector<16xi32> to vector<16xi32>
      %swap3A_948 = vector.shape_cast %shift_right_logical3A_944 : vector<16xi32> to vector<16xi32>
      tpu.vector_store %arg10[%swap3A_945], %swap3A_948 {strides = array<i32>} : memref<64xi32, #tpu.memory_space<vmem>>, vector<16xi32>,
      %mul3A_949 = arith.constant 64 : i32
      %mul3A_950 = arith.muli %min3A_925, %mul3A_949 : i32
      %add3A_951 = arith.constant 16 : i32
      %add3A_952 = arith.addi %mul3A_950, %add3A_951 : i32
      %get3A_953 = arith.index_cast %add3A_952 : i32 to index
      %get3A_954 = tpu.vector_load %arg5[%get3A_953] {strides = array<i32>} : memref<10240xi32, #tpu.memory_space<vmem>>, vector<16xi32>,
      %get3A_955 = vector.shape_cast %get3A_954 : vector<16xi32> to vector<16xi32>
      %and3A_956 = arith.constant 16383 : i32
      %and3A_957 = vector.broadcast %and3A_956 : i32 to vector<16xi32>
      %and3A_958 = arith.andi %get3A_955, %and3A_957 : vector<16xi32>
      %add3A_959 = vector.broadcast %mul3A_0 : i32 to vector<16xi32>
      %add3A_960 = arith.addi %add3A_959, %and3A_958 : vector<16xi32>
      %swap3A_961 = arith.constant 16 : index
      %swap3A_962 = tpu.vector_load %arg6[%swap3A_961] {strides = array<i32>} : memref<64xi32, #tpu.memory_space<vmem>>, vector<16xi32>,
      %swap3A_963 = vector.shape_cast %swap3A_962 : vector<16xi32> to vector<16xi32>
      %swap3A_964 = vector.shape_cast %add3A_960 : vector<16xi32> to vector<16xi32>
      tpu.vector_store %arg6[%swap3A_961], %swap3A_964 {strides = array<i32>} : memref<64xi32, #tpu.memory_space<vmem>>, vector<16xi32>,
      %shift_right_logical3A_965 = arith.constant 14 : i32
      %shift_right_logical3A_966 = vector.broadcast %shift_right_logical3A_965 : i32 to vector<16xi32>
      %shift_right_logical3A_967 = arith.shrui %get3A_955, %shift_right_logical3A_966 : vector<16xi32>
      %swap3A_968 = arith.constant 16 : index
      %swap3A_969 = tpu.vector_load %arg10[%swap3A_968] {strides = array<i32>} : memref<64xi32, #tpu.memory_space<vmem>>, vector<16xi32>,
      %swap3A_970 = vector.shape_cast %swap3A_969 : vector<16xi32> to vector<16xi32>
      %swap3A_971 = vector.shape_cast %shift_right_logical3A_967 : vector<16xi32> to vector<16xi32>
      tpu.vector_store %arg10[%swap3A_968], %swap3A_971 {strides = array<i32>} : memref<64xi32, #tpu.memory_space<vmem>>, vector<16xi32>,
      %mul3A_972 = arith.constant 64 : i32
      %mul3A_973 = arith.muli %min3A_925, %mul3A_972 : i32
      %add3A_974 = arith.constant 32 : i32
      %add3A_975 = arith.addi %mul3A_973, %add3A_974 : i32
      %get3A_976 = arith.index_cast %add3A_975 : i32 to index
      %get3A_977 = tpu.vector_load %arg5[%get3A_976] {strides = array<i32>} : memref<10240xi32, #tpu.memory_space<vmem>>, vector<16xi32>,
      %get3A_978 = vector.shape_cast %get3A_977 : vector<16xi32> to vector<16xi32>
      %and3A_979 = arith.constant 16383 : i32
      %and3A_980 = vector.broadcast %and3A_979 : i32 to vector<16xi32>
      %and3A_981 = arith.andi %get3A_978, %and3A_980 : vector<16xi32>
      %add3A_982 = vector.broadcast %mul3A_0 : i32 to vector<16xi32>
      %add3A_983 = arith.addi %add3A_982, %and3A_981 : vector<16xi32>
      %swap3A_984 = arith.constant 32 : index
      %swap3A_985 = tpu.vector_load %arg6[%swap3A_984] {strides = array<i32>} : memref<64xi32, #tpu.memory_space<vmem>>, vector<16xi32>,
      %swap3A_986 = vector.shape_cast %swap3A_985 : vector<16xi32> to vector<16xi32>
      %swap3A_987 = vector.shape_cast %add3A_983 : vector<16xi32> to vector<16xi32>
      tpu.vector_store %arg6[%swap3A_984], %swap3A_987 {strides = array<i32>} : memref<64xi32, #tpu.memory_space<vmem>>, vector<16xi32>,
      %shift_right_logical3A_988 = arith.constant 14 : i32
      %shift_right_logical3A_989 = vector.broadcast %shift_right_logical3A_988 : i32 to vector<16xi32>
      %shift_right_logical3A_990 = arith.shrui %get3A_978, %shift_right_logical3A_989 : vector<16xi32>
      %swap3A_991 = arith.constant 32 : index
      %swap3A_992 = tpu.vector_load %arg10[%swap3A_991] {strides = array<i32>} : memref<64xi32, #tpu.memory_space<vmem>>, vector<16xi32>,
      %swap3A_993 = vector.shape_cast %swap3A_992 : vector<16xi32> to vector<16xi32>
      %swap3A_994 = vector.shape_cast %shift_right_logical3A_990 : vector<16xi32> to vector<16xi32>
      tpu.vector_store %arg10[%swap3A_991], %swap3A_994 {strides = array<i32>} : memref<64xi32, #tpu.memory_space<vmem>>, vector<16xi32>,
      %mul3A_995 = arith.constant 64 : i32
      %mul3A_996 = arith.muli %min3A_925, %mul3A_995 : i32
      %add3A_997 = arith.constant 48 : i32
      %add3A_998 = arith.addi %mul3A_996, %add3A_997 : i32
      %get3A_999 = arith.index_cast %add3A_998 : i32 to index
      %get3A_1000 = tpu.vector_load %arg5[%get3A_999] {strides = array<i32>} : memref<10240xi32, #tpu.memory_space<vmem>>, vector<16xi32>,
      %get3A_1001 = vector.shape_cast %get3A_1000 : vector<16xi32> to vector<16xi32>
      %and3A_1002 = arith.constant 16383 : i32
      %and3A_1003 = vector.broadcast %and3A_1002 : i32 to vector<16xi32>
      %and3A_1004 = arith.andi %get3A_1001, %and3A_1003 : vector<16xi32>
      %add3A_1005 = vector.broadcast %mul3A_0 : i32 to vector<16xi32>
      %add3A_1006 = arith.addi %add3A_1005, %and3A_1004 : vector<16xi32>
      %swap3A_1007 = arith.constant 48 : index
      %swap3A_1008 = tpu.vector_load %arg6[%swap3A_1007] {strides = array<i32>} : memref<64xi32, #tpu.memory_space<vmem>>, vector<16xi32>,
      %swap3A_1009 = vector.shape_cast %swap3A_1008 : vector<16xi32> to vector<16xi32>
      %swap3A_1010 = vector.shape_cast %add3A_1006 : vector<16xi32> to vector<16xi32>
      tpu.vector_store %arg6[%swap3A_1007], %swap3A_1010 {strides = array<i32>} : memref<64xi32, #tpu.memory_space<vmem>>, vector<16xi32>,
      %shift_right_logical3A_1011 = arith.constant 14 : i32
      %shift_right_logical3A_1012 = vector.broadcast %shift_right_logical3A_1011 : i32 to vector<16xi32>
      %shift_right_logical3A_1013 = arith.shrui %get3A_1001, %shift_right_logical3A_1012 : vector<16xi32>
      %swap3A_1014 = arith.constant 48 : index
      %swap3A_1015 = tpu.vector_load %arg10[%swap3A_1014] {strides = array<i32>} : memref<64xi32, #tpu.memory_space<vmem>>, vector<16xi32>,
      %swap3A_1016 = vector.shape_cast %swap3A_1015 : vector<16xi32> to vector<16xi32>
      %swap3A_1017 = vector.shape_cast %shift_right_logical3A_1013 : vector<16xi32> to vector<16xi32>
      tpu.vector_store %arg10[%swap3A_1014], %swap3A_1017 {strides = array<i32>} : memref<64xi32, #tpu.memory_space<vmem>>, vector<16xi32>,
      %dma_start3A_1018 = arith.constant 0 : i32
      %dma_start3A_1019 = arith.constant 0 : i32
      %dma_start3A_1020 = tpu.memref_slice %arg2[%dma_start3A_1018, %dma_start3A_1019] : memref<20480x128xf32, #tpu.memory_space<hbm>> -> memref<20480x128xf32, #tpu.memory_space<hbm>>
      tpu.enqueue_indirect_dma source(%dma_start3A_1020 : memref<20480x128xf32, #tpu.memory_space<hbm>>) target(%arg14 : memref<64x128xf32, #tpu.memory_space<vmem>>) offsets(%arg6 : memref<64xi32, #tpu.memory_space<vmem>>) semaphore(%arg18 : memref<!tpu.dma_semaphore, #tpu.memory_space<semaphore_mem>>)
      %mul3A_1021 = arith.constant 4 : i32
      %mul3A_1022 = arith.muli %mul3A_1021, %scan3A_915 : i32
      %add3A_1023 = arith.constant 1 : i32
      %add3A_1024 = arith.addi %mul3A_1022, %add3A_1023 : i32
      %dma_wait3A_1025 = arith.constant 0 : i32
      %dma_wait3A_1026 = arith.constant 0 : i32
      %dma_wait3A_1027 = tpu.memref_slice %arg2[%dma_wait3A_1025, %dma_wait3A_1026] : memref<20480x128xf32, #tpu.memory_space<hbm>> -> memref<20480x128xf32, #tpu.memory_space<hbm>>
      tpu.wait_indirect_dma semaphore(%arg19 : memref<!tpu.dma_semaphore, #tpu.memory_space<semaphore_mem>>) src(%dma_wait3A_1027 : memref<20480x128xf32, #tpu.memory_space<hbm>>) dst(%arg15 : memref<64x128xf32, #tpu.memory_space<vmem>>)
      "tpu.region"() ({
        %run_scoped3A = tpu.sem_alloc : memref<!tpu.dma_semaphore, #tpu.memory_space<semaphore_mem>>
        %dma_start3A_1339 = arith.constant 0 : i32
        %dma_start3A_1340 = arith.constant 0 : i32
        %dma_start3A_1341 = tpu.memref_slice %arg22[%dma_start3A_1339, %dma_start3A_1340] : memref<10240x128xf32, #tpu.memory_space<vmem_shared>> -> memref<10240x128xf32, #tpu.memory_space<vmem_shared>>
        tpu.enqueue_indirect_dma source(%arg15 : memref<64x128xf32, #tpu.memory_space<vmem>>) target(%dma_start3A_1341 : memref<10240x128xf32, #tpu.memory_space<vmem_shared>>) offsets(%arg11 : memref<64xi32, #tpu.memory_space<vmem>>) semaphore(%run_scoped3A : memref<!tpu.dma_semaphore, #tpu.memory_space<semaphore_mem>>) {add = true}
        %dma_wait3A_1342 = arith.constant 0 : i32
        %dma_wait3A_1343 = arith.constant 0 : i32
        %dma_wait3A_1344 = tpu.memref_slice %arg22[%dma_wait3A_1342, %dma_wait3A_1343] : memref<10240x128xf32, #tpu.memory_space<vmem_shared>> -> memref<10240x128xf32, #tpu.memory_space<vmem_shared>>
        tpu.wait_indirect_dma semaphore(%run_scoped3A : memref<!tpu.dma_semaphore, #tpu.memory_space<semaphore_mem>>) src(%arg15 : memref<64x128xf32, #tpu.memory_space<vmem>>) dst(%dma_wait3A_1344 : memref<10240x128xf32, #tpu.memory_space<vmem_shared>>)
        tpu.yield
      }) : () -> ()
      %add3A_1028 = arith.constant 4 : i32
      %add3A_1029 = arith.addi %add3A_1024, %add3A_1028 : i32
      %min3A_1030 = arith.constant 159 : i32
      %min3A_1031 = arith.minsi %add3A_1029, %min3A_1030 : i32
      %mul3A_1032 = arith.constant 64 : i32
      %mul3A_1033 = arith.muli %min3A_1031, %mul3A_1032 : i32
      %add3A_1034 = arith.constant 0 : i32
      %add3A_1035 = arith.addi %mul3A_1033, %add3A_1034 : i32
      %get3A_1036 = arith.index_cast %add3A_1035 : i32 to index
      %get3A_1037 = tpu.vector_load %arg5[%get3A_1036] {strides = array<i32>} : memref<10240xi32, #tpu.memory_space<vmem>>, vector<16xi32>,
      %get3A_1038 = vector.shape_cast %get3A_1037 : vector<16xi32> to vector<16xi32>
      %and3A_1039 = arith.constant 16383 : i32
      %and3A_1040 = vector.broadcast %and3A_1039 : i32 to vector<16xi32>
      %and3A_1041 = arith.andi %get3A_1038, %and3A_1040 : vector<16xi32>
      %add3A_1042 = vector.broadcast %mul3A_0 : i32 to vector<16xi32>
      %add3A_1043 = arith.addi %add3A_1042, %and3A_1041 : vector<16xi32>
      %swap3A_1044 = arith.constant 0 : index
      %swap3A_1045 = tpu.vector_load %arg7[%swap3A_1044] {strides = array<i32>} : memref<64xi32, #tpu.memory_space<vmem>>, vector<16xi32>,
      %swap3A_1046 = vector.shape_cast %swap3A_1045 : vector<16xi32> to vector<16xi32>
      %swap3A_1047 = vector.shape_cast %add3A_1043 : vector<16xi32> to vector<16xi32>
      tpu.vector_store %arg7[%swap3A_1044], %swap3A_1047 {strides = array<i32>} : memref<64xi32, #tpu.memory_space<vmem>>, vector<16xi32>,
      %shift_right_logical3A_1048 = arith.constant 14 : i32
      %shift_right_logical3A_1049 = vector.broadcast %shift_right_logical3A_1048 : i32 to vector<16xi32>
      %shift_right_logical3A_1050 = arith.shrui %get3A_1038, %shift_right_logical3A_1049 : vector<16xi32>
      %swap3A_1051 = arith.constant 0 : index
      %swap3A_1052 = tpu.vector_load %arg11[%swap3A_1051] {strides = array<i32>} : memref<64xi32, #tpu.memory_space<vmem>>, vector<16xi32>,
      %swap3A_1053 = vector.shape_cast %swap3A_1052 : vector<16xi32> to vector<16xi32>
      %swap3A_1054 = vector.shape_cast %shift_right_logical3A_1050 : vector<16xi32> to vector<16xi32>
      tpu.vector_store %arg11[%swap3A_1051], %swap3A_1054 {strides = array<i32>} : memref<64xi32, #tpu.memory_space<vmem>>, vector<16xi32>,
      %mul3A_1055 = arith.constant 64 : i32
      %mul3A_1056 = arith.muli %min3A_1031, %mul3A_1055 : i32
      %add3A_1057 = arith.constant 16 : i32
      %add3A_1058 = arith.addi %mul3A_1056, %add3A_1057 : i32
      %get3A_1059 = arith.index_cast %add3A_1058 : i32 to index
      %get3A_1060 = tpu.vector_load %arg5[%get3A_1059] {strides = array<i32>} : memref<10240xi32, #tpu.memory_space<vmem>>, vector<16xi32>,
      %get3A_1061 = vector.shape_cast %get3A_1060 : vector<16xi32> to vector<16xi32>
      %and3A_1062 = arith.constant 16383 : i32
      %and3A_1063 = vector.broadcast %and3A_1062 : i32 to vector<16xi32>
      %and3A_1064 = arith.andi %get3A_1061, %and3A_1063 : vector<16xi32>
      %add3A_1065 = vector.broadcast %mul3A_0 : i32 to vector<16xi32>
      %add3A_1066 = arith.addi %add3A_1065, %and3A_1064 : vector<16xi32>
      %swap3A_1067 = arith.constant 16 : index
      %swap3A_1068 = tpu.vector_load %arg7[%swap3A_1067] {strides = array<i32>} : memref<64xi32, #tpu.memory_space<vmem>>, vector<16xi32>,
      %swap3A_1069 = vector.shape_cast %swap3A_1068 : vector<16xi32> to vector<16xi32>
      %swap3A_1070 = vector.shape_cast %add3A_1066 : vector<16xi32> to vector<16xi32>
      tpu.vector_store %arg7[%swap3A_1067], %swap3A_1070 {strides = array<i32>} : memref<64xi32, #tpu.memory_space<vmem>>, vector<16xi32>,
      %shift_right_logical3A_1071 = arith.constant 14 : i32
      %shift_right_logical3A_1072 = vector.broadcast %shift_right_logical3A_1071 : i32 to vector<16xi32>
      %shift_right_logical3A_1073 = arith.shrui %get3A_1061, %shift_right_logical3A_1072 : vector<16xi32>
      %swap3A_1074 = arith.constant 16 : index
      %swap3A_1075 = tpu.vector_load %arg11[%swap3A_1074] {strides = array<i32>} : memref<64xi32, #tpu.memory_space<vmem>>, vector<16xi32>,
      %swap3A_1076 = vector.shape_cast %swap3A_1075 : vector<16xi32> to vector<16xi32>
      %swap3A_1077 = vector.shape_cast %shift_right_logical3A_1073 : vector<16xi32> to vector<16xi32>
      tpu.vector_store %arg11[%swap3A_1074], %swap3A_1077 {strides = array<i32>} : memref<64xi32, #tpu.memory_space<vmem>>, vector<16xi32>,
      %mul3A_1078 = arith.constant 64 : i32
      %mul3A_1079 = arith.muli %min3A_1031, %mul3A_1078 : i32
      %add3A_1080 = arith.constant 32 : i32
      %add3A_1081 = arith.addi %mul3A_1079, %add3A_1080 : i32
      %get3A_1082 = arith.index_cast %add3A_1081 : i32 to index
      %get3A_1083 = tpu.vector_load %arg5[%get3A_1082] {strides = array<i32>} : memref<10240xi32, #tpu.memory_space<vmem>>, vector<16xi32>,
      %get3A_1084 = vector.shape_cast %get3A_1083 : vector<16xi32> to vector<16xi32>
      %and3A_1085 = arith.constant 16383 : i32
      %and3A_1086 = vector.broadcast %and3A_1085 : i32 to vector<16xi32>
      %and3A_1087 = arith.andi %get3A_1084, %and3A_1086 : vector<16xi32>
      %add3A_1088 = vector.broadcast %mul3A_0 : i32 to vector<16xi32>
      %add3A_1089 = arith.addi %add3A_1088, %and3A_1087 : vector<16xi32>
      %swap3A_1090 = arith.constant 32 : index
      %swap3A_1091 = tpu.vector_load %arg7[%swap3A_1090] {strides = array<i32>} : memref<64xi32, #tpu.memory_space<vmem>>, vector<16xi32>,
      %swap3A_1092 = vector.shape_cast %swap3A_1091 : vector<16xi32> to vector<16xi32>
      %swap3A_1093 = vector.shape_cast %add3A_1089 : vector<16xi32> to vector<16xi32>
      tpu.vector_store %arg7[%swap3A_1090], %swap3A_1093 {strides = array<i32>} : memref<64xi32, #tpu.memory_space<vmem>>, vector<16xi32>,
      %shift_right_logical3A_1094 = arith.constant 14 : i32
      %shift_right_logical3A_1095 = vector.broadcast %shift_right_logical3A_1094 : i32 to vector<16xi32>
      %shift_right_logical3A_1096 = arith.shrui %get3A_1084, %shift_right_logical3A_1095 : vector<16xi32>
      %swap3A_1097 = arith.constant 32 : index
      %swap3A_1098 = tpu.vector_load %arg11[%swap3A_1097] {strides = array<i32>} : memref<64xi32, #tpu.memory_space<vmem>>, vector<16xi32>,
      %swap3A_1099 = vector.shape_cast %swap3A_1098 : vector<16xi32> to vector<16xi32>
      %swap3A_1100 = vector.shape_cast %shift_right_logical3A_1096 : vector<16xi32> to vector<16xi32>
      tpu.vector_store %arg11[%swap3A_1097], %swap3A_1100 {strides = array<i32>} : memref<64xi32, #tpu.memory_space<vmem>>, vector<16xi32>,
      %mul3A_1101 = arith.constant 64 : i32
      %mul3A_1102 = arith.muli %min3A_1031, %mul3A_1101 : i32
      %add3A_1103 = arith.constant 48 : i32
      %add3A_1104 = arith.addi %mul3A_1102, %add3A_1103 : i32
      %get3A_1105 = arith.index_cast %add3A_1104 : i32 to index
      %get3A_1106 = tpu.vector_load %arg5[%get3A_1105] {strides = array<i32>} : memref<10240xi32, #tpu.memory_space<vmem>>, vector<16xi32>,
      %get3A_1107 = vector.shape_cast %get3A_1106 : vector<16xi32> to vector<16xi32>
      %and3A_1108 = arith.constant 16383 : i32
      %and3A_1109 = vector.broadcast %and3A_1108 : i32 to vector<16xi32>
      %and3A_1110 = arith.andi %get3A_1107, %and3A_1109 : vector<16xi32>
      %add3A_1111 = vector.broadcast %mul3A_0 : i32 to vector<16xi32>
      %add3A_1112 = arith.addi %add3A_1111, %and3A_1110 : vector<16xi32>
      %swap3A_1113 = arith.constant 48 : index
      %swap3A_1114 = tpu.vector_load %arg7[%swap3A_1113] {strides = array<i32>} : memref<64xi32, #tpu.memory_space<vmem>>, vector<16xi32>,
      %swap3A_1115 = vector.shape_cast %swap3A_1114 : vector<16xi32> to vector<16xi32>
      %swap3A_1116 = vector.shape_cast %add3A_1112 : vector<16xi32> to vector<16xi32>
      tpu.vector_store %arg7[%swap3A_1113], %swap3A_1116 {strides = array<i32>} : memref<64xi32, #tpu.memory_space<vmem>>, vector<16xi32>,
      %shift_right_logical3A_1117 = arith.constant 14 : i32
      %shift_right_logical3A_1118 = vector.broadcast %shift_right_logical3A_1117 : i32 to vector<16xi32>
      %shift_right_logical3A_1119 = arith.shrui %get3A_1107, %shift_right_logical3A_1118 : vector<16xi32>
      %swap3A_1120 = arith.constant 48 : index
      %swap3A_1121 = tpu.vector_load %arg11[%swap3A_1120] {strides = array<i32>} : memref<64xi32, #tpu.memory_space<vmem>>, vector<16xi32>,
      %swap3A_1122 = vector.shape_cast %swap3A_1121 : vector<16xi32> to vector<16xi32>
      %swap3A_1123 = vector.shape_cast %shift_right_logical3A_1119 : vector<16xi32> to vector<16xi32>
      tpu.vector_store %arg11[%swap3A_1120], %swap3A_1123 {strides = array<i32>} : memref<64xi32, #tpu.memory_space<vmem>>, vector<16xi32>,
      %dma_start3A_1124 = arith.constant 0 : i32
      %dma_start3A_1125 = arith.constant 0 : i32
      %dma_start3A_1126 = tpu.memref_slice %arg2[%dma_start3A_1124, %dma_start3A_1125] : memref<20480x128xf32, #tpu.memory_space<hbm>> -> memref<20480x128xf32, #tpu.memory_space<hbm>>
      tpu.enqueue_indirect_dma source(%dma_start3A_1126 : memref<20480x128xf32, #tpu.memory_space<hbm>>) target(%arg15 : memref<64x128xf32, #tpu.memory_space<vmem>>) offsets(%arg7 : memref<64xi32, #tpu.memory_space<vmem>>) semaphore(%arg19 : memref<!tpu.dma_semaphore, #tpu.memory_space<semaphore_mem>>)
      %mul3A_1127 = arith.constant 4 : i32
      %mul3A_1128 = arith.muli %mul3A_1127, %scan3A_915 : i32
      %add3A_1129 = arith.constant 2 : i32
      %add3A_1130 = arith.addi %mul3A_1128, %add3A_1129 : i32
      %dma_wait3A_1131 = arith.constant 0 : i32
      %dma_wait3A_1132 = arith.constant 0 : i32
      %dma_wait3A_1133 = tpu.memref_slice %arg2[%dma_wait3A_1131, %dma_wait3A_1132] : memref<20480x128xf32, #tpu.memory_space<hbm>> -> memref<20480x128xf32, #tpu.memory_space<hbm>>
      tpu.wait_indirect_dma semaphore(%arg20 : memref<!tpu.dma_semaphore, #tpu.memory_space<semaphore_mem>>) src(%dma_wait3A_1133 : memref<20480x128xf32, #tpu.memory_space<hbm>>) dst(%arg16 : memref<64x128xf32, #tpu.memory_space<vmem>>)
      "tpu.region"() ({
        %run_scoped3A = tpu.sem_alloc : memref<!tpu.dma_semaphore, #tpu.memory_space<semaphore_mem>>
        %dma_start3A_1339 = arith.constant 0 : i32
        %dma_start3A_1340 = arith.constant 0 : i32
        %dma_start3A_1341 = tpu.memref_slice %arg22[%dma_start3A_1339, %dma_start3A_1340] : memref<10240x128xf32, #tpu.memory_space<vmem_shared>> -> memref<10240x128xf32, #tpu.memory_space<vmem_shared>>
        tpu.enqueue_indirect_dma source(%arg16 : memref<64x128xf32, #tpu.memory_space<vmem>>) target(%dma_start3A_1341 : memref<10240x128xf32, #tpu.memory_space<vmem_shared>>) offsets(%arg12 : memref<64xi32, #tpu.memory_space<vmem>>) semaphore(%run_scoped3A : memref<!tpu.dma_semaphore, #tpu.memory_space<semaphore_mem>>) {add = true}
        %dma_wait3A_1342 = arith.constant 0 : i32
        %dma_wait3A_1343 = arith.constant 0 : i32
        %dma_wait3A_1344 = tpu.memref_slice %arg22[%dma_wait3A_1342, %dma_wait3A_1343] : memref<10240x128xf32, #tpu.memory_space<vmem_shared>> -> memref<10240x128xf32, #tpu.memory_space<vmem_shared>>
        tpu.wait_indirect_dma semaphore(%run_scoped3A : memref<!tpu.dma_semaphore, #tpu.memory_space<semaphore_mem>>) src(%arg16 : memref<64x128xf32, #tpu.memory_space<vmem>>) dst(%dma_wait3A_1344 : memref<10240x128xf32, #tpu.memory_space<vmem_shared>>)
        tpu.yield
      }) : () -> ()
      %add3A_1134 = arith.constant 4 : i32
      %add3A_1135 = arith.addi %add3A_1130, %add3A_1134 : i32
      %min3A_1136 = arith.constant 159 : i32
      %min3A_1137 = arith.minsi %add3A_1135, %min3A_1136 : i32
      %mul3A_1138 = arith.constant 64 : i32
      %mul3A_1139 = arith.muli %min3A_1137, %mul3A_1138 : i32
      %add3A_1140 = arith.constant 0 : i32
      %add3A_1141 = arith.addi %mul3A_1139, %add3A_1140 : i32
      %get3A_1142 = arith.index_cast %add3A_1141 : i32 to index
      %get3A_1143 = tpu.vector_load %arg5[%get3A_1142] {strides = array<i32>} : memref<10240xi32, #tpu.memory_space<vmem>>, vector<16xi32>,
      %get3A_1144 = vector.shape_cast %get3A_1143 : vector<16xi32> to vector<16xi32>
      %and3A_1145 = arith.constant 16383 : i32
      %and3A_1146 = vector.broadcast %and3A_1145 : i32 to vector<16xi32>
      %and3A_1147 = arith.andi %get3A_1144, %and3A_1146 : vector<16xi32>
      %add3A_1148 = vector.broadcast %mul3A_0 : i32 to vector<16xi32>
      %add3A_1149 = arith.addi %add3A_1148, %and3A_1147 : vector<16xi32>
      %swap3A_1150 = arith.constant 0 : index
      %swap3A_1151 = tpu.vector_load %arg8[%swap3A_1150] {strides = array<i32>} : memref<64xi32, #tpu.memory_space<vmem>>, vector<16xi32>,
      %swap3A_1152 = vector.shape_cast %swap3A_1151 : vector<16xi32> to vector<16xi32>
      %swap3A_1153 = vector.shape_cast %add3A_1149 : vector<16xi32> to vector<16xi32>
      tpu.vector_store %arg8[%swap3A_1150], %swap3A_1153 {strides = array<i32>} : memref<64xi32, #tpu.memory_space<vmem>>, vector<16xi32>,
      %shift_right_logical3A_1154 = arith.constant 14 : i32
      %shift_right_logical3A_1155 = vector.broadcast %shift_right_logical3A_1154 : i32 to vector<16xi32>
      %shift_right_logical3A_1156 = arith.shrui %get3A_1144, %shift_right_logical3A_1155 : vector<16xi32>
      %swap3A_1157 = arith.constant 0 : index
      %swap3A_1158 = tpu.vector_load %arg12[%swap3A_1157] {strides = array<i32>} : memref<64xi32, #tpu.memory_space<vmem>>, vector<16xi32>,
      %swap3A_1159 = vector.shape_cast %swap3A_1158 : vector<16xi32> to vector<16xi32>
      %swap3A_1160 = vector.shape_cast %shift_right_logical3A_1156 : vector<16xi32> to vector<16xi32>
      tpu.vector_store %arg12[%swap3A_1157], %swap3A_1160 {strides = array<i32>} : memref<64xi32, #tpu.memory_space<vmem>>, vector<16xi32>,
      %mul3A_1161 = arith.constant 64 : i32
      %mul3A_1162 = arith.muli %min3A_1137, %mul3A_1161 : i32
      %add3A_1163 = arith.constant 16 : i32
      %add3A_1164 = arith.addi %mul3A_1162, %add3A_1163 : i32
      %get3A_1165 = arith.index_cast %add3A_1164 : i32 to index
      %get3A_1166 = tpu.vector_load %arg5[%get3A_1165] {strides = array<i32>} : memref<10240xi32, #tpu.memory_space<vmem>>, vector<16xi32>,
      %get3A_1167 = vector.shape_cast %get3A_1166 : vector<16xi32> to vector<16xi32>
      %and3A_1168 = arith.constant 16383 : i32
      %and3A_1169 = vector.broadcast %and3A_1168 : i32 to vector<16xi32>
      %and3A_1170 = arith.andi %get3A_1167, %and3A_1169 : vector<16xi32>
      %add3A_1171 = vector.broadcast %mul3A_0 : i32 to vector<16xi32>
      %add3A_1172 = arith.addi %add3A_1171, %and3A_1170 : vector<16xi32>
      %swap3A_1173 = arith.constant 16 : index
      %swap3A_1174 = tpu.vector_load %arg8[%swap3A_1173] {strides = array<i32>} : memref<64xi32, #tpu.memory_space<vmem>>, vector<16xi32>,
      %swap3A_1175 = vector.shape_cast %swap3A_1174 : vector<16xi32> to vector<16xi32>
      %swap3A_1176 = vector.shape_cast %add3A_1172 : vector<16xi32> to vector<16xi32>
      tpu.vector_store %arg8[%swap3A_1173], %swap3A_1176 {strides = array<i32>} : memref<64xi32, #tpu.memory_space<vmem>>, vector<16xi32>,
      %shift_right_logical3A_1177 = arith.constant 14 : i32
      %shift_right_logical3A_1178 = vector.broadcast %shift_right_logical3A_1177 : i32 to vector<16xi32>
      %shift_right_logical3A_1179 = arith.shrui %get3A_1167, %shift_right_logical3A_1178 : vector<16xi32>
      %swap3A_1180 = arith.constant 16 : index
      %swap3A_1181 = tpu.vector_load %arg12[%swap3A_1180] {strides = array<i32>} : memref<64xi32, #tpu.memory_space<vmem>>, vector<16xi32>,
      %swap3A_1182 = vector.shape_cast %swap3A_1181 : vector<16xi32> to vector<16xi32>
      %swap3A_1183 = vector.shape_cast %shift_right_logical3A_1179 : vector<16xi32> to vector<16xi32>
      tpu.vector_store %arg12[%swap3A_1180], %swap3A_1183 {strides = array<i32>} : memref<64xi32, #tpu.memory_space<vmem>>, vector<16xi32>,
      %mul3A_1184 = arith.constant 64 : i32
      %mul3A_1185 = arith.muli %min3A_1137, %mul3A_1184 : i32
      %add3A_1186 = arith.constant 32 : i32
      %add3A_1187 = arith.addi %mul3A_1185, %add3A_1186 : i32
      %get3A_1188 = arith.index_cast %add3A_1187 : i32 to index
      %get3A_1189 = tpu.vector_load %arg5[%get3A_1188] {strides = array<i32>} : memref<10240xi32, #tpu.memory_space<vmem>>, vector<16xi32>,
      %get3A_1190 = vector.shape_cast %get3A_1189 : vector<16xi32> to vector<16xi32>
      %and3A_1191 = arith.constant 16383 : i32
      %and3A_1192 = vector.broadcast %and3A_1191 : i32 to vector<16xi32>
      %and3A_1193 = arith.andi %get3A_1190, %and3A_1192 : vector<16xi32>
      %add3A_1194 = vector.broadcast %mul3A_0 : i32 to vector<16xi32>
      %add3A_1195 = arith.addi %add3A_1194, %and3A_1193 : vector<16xi32>
      %swap3A_1196 = arith.constant 32 : index
      %swap3A_1197 = tpu.vector_load %arg8[%swap3A_1196] {strides = array<i32>} : memref<64xi32, #tpu.memory_space<vmem>>, vector<16xi32>,
      %swap3A_1198 = vector.shape_cast %swap3A_1197 : vector<16xi32> to vector<16xi32>
      %swap3A_1199 = vector.shape_cast %add3A_1195 : vector<16xi32> to vector<16xi32>
      tpu.vector_store %arg8[%swap3A_1196], %swap3A_1199 {strides = array<i32>} : memref<64xi32, #tpu.memory_space<vmem>>, vector<16xi32>,
      %shift_right_logical3A_1200 = arith.constant 14 : i32
      %shift_right_logical3A_1201 = vector.broadcast %shift_right_logical3A_1200 : i32 to vector<16xi32>
      %shift_right_logical3A_1202 = arith.shrui %get3A_1190, %shift_right_logical3A_1201 : vector<16xi32>
      %swap3A_1203 = arith.constant 32 : index
      %swap3A_1204 = tpu.vector_load %arg12[%swap3A_1203] {strides = array<i32>} : memref<64xi32, #tpu.memory_space<vmem>>, vector<16xi32>,
      %swap3A_1205 = vector.shape_cast %swap3A_1204 : vector<16xi32> to vector<16xi32>
      %swap3A_1206 = vector.shape_cast %shift_right_logical3A_1202 : vector<16xi32> to vector<16xi32>
      tpu.vector_store %arg12[%swap3A_1203], %swap3A_1206 {strides = array<i32>} : memref<64xi32, #tpu.memory_space<vmem>>, vector<16xi32>,
      %mul3A_1207 = arith.constant 64 : i32
      %mul3A_1208 = arith.muli %min3A_1137, %mul3A_1207 : i32
      %add3A_1209 = arith.constant 48 : i32
      %add3A_1210 = arith.addi %mul3A_1208, %add3A_1209 : i32
      %get3A_1211 = arith.index_cast %add3A_1210 : i32 to index
      %get3A_1212 = tpu.vector_load %arg5[%get3A_1211] {strides = array<i32>} : memref<10240xi32, #tpu.memory_space<vmem>>, vector<16xi32>,
      %get3A_1213 = vector.shape_cast %get3A_1212 : vector<16xi32> to vector<16xi32>
      %and3A_1214 = arith.constant 16383 : i32
      %and3A_1215 = vector.broadcast %and3A_1214 : i32 to vector<16xi32>
      %and3A_1216 = arith.andi %get3A_1213, %and3A_1215 : vector<16xi32>
      %add3A_1217 = vector.broadcast %mul3A_0 : i32 to vector<16xi32>
      %add3A_1218 = arith.addi %add3A_1217, %and3A_1216 : vector<16xi32>
      %swap3A_1219 = arith.constant 48 : index
      %swap3A_1220 = tpu.vector_load %arg8[%swap3A_1219] {strides = array<i32>} : memref<64xi32, #tpu.memory_space<vmem>>, vector<16xi32>,
      %swap3A_1221 = vector.shape_cast %swap3A_1220 : vector<16xi32> to vector<16xi32>
      %swap3A_1222 = vector.shape_cast %add3A_1218 : vector<16xi32> to vector<16xi32>
      tpu.vector_store %arg8[%swap3A_1219], %swap3A_1222 {strides = array<i32>} : memref<64xi32, #tpu.memory_space<vmem>>, vector<16xi32>,
      %shift_right_logical3A_1223 = arith.constant 14 : i32
      %shift_right_logical3A_1224 = vector.broadcast %shift_right_logical3A_1223 : i32 to vector<16xi32>
      %shift_right_logical3A_1225 = arith.shrui %get3A_1213, %shift_right_logical3A_1224 : vector<16xi32>
      %swap3A_1226 = arith.constant 48 : index
      %swap3A_1227 = tpu.vector_load %arg12[%swap3A_1226] {strides = array<i32>} : memref<64xi32, #tpu.memory_space<vmem>>, vector<16xi32>,
      %swap3A_1228 = vector.shape_cast %swap3A_1227 : vector<16xi32> to vector<16xi32>
      %swap3A_1229 = vector.shape_cast %shift_right_logical3A_1225 : vector<16xi32> to vector<16xi32>
      tpu.vector_store %arg12[%swap3A_1226], %swap3A_1229 {strides = array<i32>} : memref<64xi32, #tpu.memory_space<vmem>>, vector<16xi32>,
      %dma_start3A_1230 = arith.constant 0 : i32
      %dma_start3A_1231 = arith.constant 0 : i32
      %dma_start3A_1232 = tpu.memref_slice %arg2[%dma_start3A_1230, %dma_start3A_1231] : memref<20480x128xf32, #tpu.memory_space<hbm>> -> memref<20480x128xf32, #tpu.memory_space<hbm>>
      tpu.enqueue_indirect_dma source(%dma_start3A_1232 : memref<20480x128xf32, #tpu.memory_space<hbm>>) target(%arg16 : memref<64x128xf32, #tpu.memory_space<vmem>>) offsets(%arg8 : memref<64xi32, #tpu.memory_space<vmem>>) semaphore(%arg20 : memref<!tpu.dma_semaphore, #tpu.memory_space<semaphore_mem>>)
      %mul3A_1233 = arith.constant 4 : i32
      %mul3A_1234 = arith.muli %mul3A_1233, %scan3A_915 : i32
      %add3A_1235 = arith.constant 3 : i32
      %add3A_1236 = arith.addi %mul3A_1234, %add3A_1235 : i32
      %dma_wait3A_1237 = arith.constant 0 : i32
      %dma_wait3A_1238 = arith.constant 0 : i32
      %dma_wait3A_1239 = tpu.memref_slice %arg2[%dma_wait3A_1237, %dma_wait3A_1238] : memref<20480x128xf32, #tpu.memory_space<hbm>> -> memref<20480x128xf32, #tpu.memory_space<hbm>>
      tpu.wait_indirect_dma semaphore(%arg21 : memref<!tpu.dma_semaphore, #tpu.memory_space<semaphore_mem>>) src(%dma_wait3A_1239 : memref<20480x128xf32, #tpu.memory_space<hbm>>) dst(%arg17 : memref<64x128xf32, #tpu.memory_space<vmem>>)
      "tpu.region"() ({
        %run_scoped3A = tpu.sem_alloc : memref<!tpu.dma_semaphore, #tpu.memory_space<semaphore_mem>>
        %dma_start3A_1339 = arith.constant 0 : i32
        %dma_start3A_1340 = arith.constant 0 : i32
        %dma_start3A_1341 = tpu.memref_slice %arg22[%dma_start3A_1339, %dma_start3A_1340] : memref<10240x128xf32, #tpu.memory_space<vmem_shared>> -> memref<10240x128xf32, #tpu.memory_space<vmem_shared>>
        tpu.enqueue_indirect_dma source(%arg17 : memref<64x128xf32, #tpu.memory_space<vmem>>) target(%dma_start3A_1341 : memref<10240x128xf32, #tpu.memory_space<vmem_shared>>) offsets(%arg13 : memref<64xi32, #tpu.memory_space<vmem>>) semaphore(%run_scoped3A : memref<!tpu.dma_semaphore, #tpu.memory_space<semaphore_mem>>) {add = true}
        %dma_wait3A_1342 = arith.constant 0 : i32
        %dma_wait3A_1343 = arith.constant 0 : i32
        %dma_wait3A_1344 = tpu.memref_slice %arg22[%dma_wait3A_1342, %dma_wait3A_1343] : memref<10240x128xf32, #tpu.memory_space<vmem_shared>> -> memref<10240x128xf32, #tpu.memory_space<vmem_shared>>
        tpu.wait_indirect_dma semaphore(%run_scoped3A : memref<!tpu.dma_semaphore, #tpu.memory_space<semaphore_mem>>) src(%arg17 : memref<64x128xf32, #tpu.memory_space<vmem>>) dst(%dma_wait3A_1344 : memref<10240x128xf32, #tpu.memory_space<vmem_shared>>)
        tpu.yield
      }) : () -> ()
      %add3A_1240 = arith.constant 4 : i32
      %add3A_1241 = arith.addi %add3A_1236, %add3A_1240 : i32
      %min3A_1242 = arith.constant 159 : i32
      %min3A_1243 = arith.minsi %add3A_1241, %min3A_1242 : i32
      %mul3A_1244 = arith.constant 64 : i32
      %mul3A_1245 = arith.muli %min3A_1243, %mul3A_1244 : i32
      %add3A_1246 = arith.constant 0 : i32
      %add3A_1247 = arith.addi %mul3A_1245, %add3A_1246 : i32
      %get3A_1248 = arith.index_cast %add3A_1247 : i32 to index
      %get3A_1249 = tpu.vector_load %arg5[%get3A_1248] {strides = array<i32>} : memref<10240xi32, #tpu.memory_space<vmem>>, vector<16xi32>,
      %get3A_1250 = vector.shape_cast %get3A_1249 : vector<16xi32> to vector<16xi32>
      %and3A_1251 = arith.constant 16383 : i32
      %and3A_1252 = vector.broadcast %and3A_1251 : i32 to vector<16xi32>
      %and3A_1253 = arith.andi %get3A_1250, %and3A_1252 : vector<16xi32>
      %add3A_1254 = vector.broadcast %mul3A_0 : i32 to vector<16xi32>
      %add3A_1255 = arith.addi %add3A_1254, %and3A_1253 : vector<16xi32>
      %swap3A_1256 = arith.constant 0 : index
      %swap3A_1257 = tpu.vector_load %arg9[%swap3A_1256] {strides = array<i32>} : memref<64xi32, #tpu.memory_space<vmem>>, vector<16xi32>,
      %swap3A_1258 = vector.shape_cast %swap3A_1257 : vector<16xi32> to vector<16xi32>
      %swap3A_1259 = vector.shape_cast %add3A_1255 : vector<16xi32> to vector<16xi32>
      tpu.vector_store %arg9[%swap3A_1256], %swap3A_1259 {strides = array<i32>} : memref<64xi32, #tpu.memory_space<vmem>>, vector<16xi32>,
      %shift_right_logical3A_1260 = arith.constant 14 : i32
      %shift_right_logical3A_1261 = vector.broadcast %shift_right_logical3A_1260 : i32 to vector<16xi32>
      %shift_right_logical3A_1262 = arith.shrui %get3A_1250, %shift_right_logical3A_1261 : vector<16xi32>
      %swap3A_1263 = arith.constant 0 : index
      %swap3A_1264 = tpu.vector_load %arg13[%swap3A_1263] {strides = array<i32>} : memref<64xi32, #tpu.memory_space<vmem>>, vector<16xi32>,
      %swap3A_1265 = vector.shape_cast %swap3A_1264 : vector<16xi32> to vector<16xi32>
      %swap3A_1266 = vector.shape_cast %shift_right_logical3A_1262 : vector<16xi32> to vector<16xi32>
      tpu.vector_store %arg13[%swap3A_1263], %swap3A_1266 {strides = array<i32>} : memref<64xi32, #tpu.memory_space<vmem>>, vector<16xi32>,
      %mul3A_1267 = arith.constant 64 : i32
      %mul3A_1268 = arith.muli %min3A_1243, %mul3A_1267 : i32
      %add3A_1269 = arith.constant 16 : i32
      %add3A_1270 = arith.addi %mul3A_1268, %add3A_1269 : i32
      %get3A_1271 = arith.index_cast %add3A_1270 : i32 to index
      %get3A_1272 = tpu.vector_load %arg5[%get3A_1271] {strides = array<i32>} : memref<10240xi32, #tpu.memory_space<vmem>>, vector<16xi32>,
      %get3A_1273 = vector.shape_cast %get3A_1272 : vector<16xi32> to vector<16xi32>
      %and3A_1274 = arith.constant 16383 : i32
      %and3A_1275 = vector.broadcast %and3A_1274 : i32 to vector<16xi32>
      %and3A_1276 = arith.andi %get3A_1273, %and3A_1275 : vector<16xi32>
      %add3A_1277 = vector.broadcast %mul3A_0 : i32 to vector<16xi32>
      %add3A_1278 = arith.addi %add3A_1277, %and3A_1276 : vector<16xi32>
      %swap3A_1279 = arith.constant 16 : index
      %swap3A_1280 = tpu.vector_load %arg9[%swap3A_1279] {strides = array<i32>} : memref<64xi32, #tpu.memory_space<vmem>>, vector<16xi32>,
      %swap3A_1281 = vector.shape_cast %swap3A_1280 : vector<16xi32> to vector<16xi32>
      %swap3A_1282 = vector.shape_cast %add3A_1278 : vector<16xi32> to vector<16xi32>
      tpu.vector_store %arg9[%swap3A_1279], %swap3A_1282 {strides = array<i32>} : memref<64xi32, #tpu.memory_space<vmem>>, vector<16xi32>,
      %shift_right_logical3A_1283 = arith.constant 14 : i32
      %shift_right_logical3A_1284 = vector.broadcast %shift_right_logical3A_1283 : i32 to vector<16xi32>
      %shift_right_logical3A_1285 = arith.shrui %get3A_1273, %shift_right_logical3A_1284 : vector<16xi32>
      %swap3A_1286 = arith.constant 16 : index
      %swap3A_1287 = tpu.vector_load %arg13[%swap3A_1286] {strides = array<i32>} : memref<64xi32, #tpu.memory_space<vmem>>, vector<16xi32>,
      %swap3A_1288 = vector.shape_cast %swap3A_1287 : vector<16xi32> to vector<16xi32>
      %swap3A_1289 = vector.shape_cast %shift_right_logical3A_1285 : vector<16xi32> to vector<16xi32>
      tpu.vector_store %arg13[%swap3A_1286], %swap3A_1289 {strides = array<i32>} : memref<64xi32, #tpu.memory_space<vmem>>, vector<16xi32>,
      %mul3A_1290 = arith.constant 64 : i32
      %mul3A_1291 = arith.muli %min3A_1243, %mul3A_1290 : i32
      %add3A_1292 = arith.constant 32 : i32
      %add3A_1293 = arith.addi %mul3A_1291, %add3A_1292 : i32
      %get3A_1294 = arith.index_cast %add3A_1293 : i32 to index
      %get3A_1295 = tpu.vector_load %arg5[%get3A_1294] {strides = array<i32>} : memref<10240xi32, #tpu.memory_space<vmem>>, vector<16xi32>,
      %get3A_1296 = vector.shape_cast %get3A_1295 : vector<16xi32> to vector<16xi32>
      %and3A_1297 = arith.constant 16383 : i32
      %and3A_1298 = vector.broadcast %and3A_1297 : i32 to vector<16xi32>
      %and3A_1299 = arith.andi %get3A_1296, %and3A_1298 : vector<16xi32>
      %add3A_1300 = vector.broadcast %mul3A_0 : i32 to vector<16xi32>
      %add3A_1301 = arith.addi %add3A_1300, %and3A_1299 : vector<16xi32>
      %swap3A_1302 = arith.constant 32 : index
      %swap3A_1303 = tpu.vector_load %arg9[%swap3A_1302] {strides = array<i32>} : memref<64xi32, #tpu.memory_space<vmem>>, vector<16xi32>,
      %swap3A_1304 = vector.shape_cast %swap3A_1303 : vector<16xi32> to vector<16xi32>
      %swap3A_1305 = vector.shape_cast %add3A_1301 : vector<16xi32> to vector<16xi32>
      tpu.vector_store %arg9[%swap3A_1302], %swap3A_1305 {strides = array<i32>} : memref<64xi32, #tpu.memory_space<vmem>>, vector<16xi32>,
      %shift_right_logical3A_1306 = arith.constant 14 : i32
      %shift_right_logical3A_1307 = vector.broadcast %shift_right_logical3A_1306 : i32 to vector<16xi32>
      %shift_right_logical3A_1308 = arith.shrui %get3A_1296, %shift_right_logical3A_1307 : vector<16xi32>
      %swap3A_1309 = arith.constant 32 : index
      %swap3A_1310 = tpu.vector_load %arg13[%swap3A_1309] {strides = array<i32>} : memref<64xi32, #tpu.memory_space<vmem>>, vector<16xi32>,
      %swap3A_1311 = vector.shape_cast %swap3A_1310 : vector<16xi32> to vector<16xi32>
      %swap3A_1312 = vector.shape_cast %shift_right_logical3A_1308 : vector<16xi32> to vector<16xi32>
      tpu.vector_store %arg13[%swap3A_1309], %swap3A_1312 {strides = array<i32>} : memref<64xi32, #tpu.memory_space<vmem>>, vector<16xi32>,
      %mul3A_1313 = arith.constant 64 : i32
      %mul3A_1314 = arith.muli %min3A_1243, %mul3A_1313 : i32
      %add3A_1315 = arith.constant 48 : i32
      %add3A_1316 = arith.addi %mul3A_1314, %add3A_1315 : i32
      %get3A_1317 = arith.index_cast %add3A_1316 : i32 to index
      %get3A_1318 = tpu.vector_load %arg5[%get3A_1317] {strides = array<i32>} : memref<10240xi32, #tpu.memory_space<vmem>>, vector<16xi32>,
      %get3A_1319 = vector.shape_cast %get3A_1318 : vector<16xi32> to vector<16xi32>
      %and3A_1320 = arith.constant 16383 : i32
      %and3A_1321 = vector.broadcast %and3A_1320 : i32 to vector<16xi32>
      %and3A_1322 = arith.andi %get3A_1319, %and3A_1321 : vector<16xi32>
      %add3A_1323 = vector.broadcast %mul3A_0 : i32 to vector<16xi32>
      %add3A_1324 = arith.addi %add3A_1323, %and3A_1322 : vector<16xi32>
      %swap3A_1325 = arith.constant 48 : index
      %swap3A_1326 = tpu.vector_load %arg9[%swap3A_1325] {strides = array<i32>} : memref<64xi32, #tpu.memory_space<vmem>>, vector<16xi32>,
      %swap3A_1327 = vector.shape_cast %swap3A_1326 : vector<16xi32> to vector<16xi32>
      %swap3A_1328 = vector.shape_cast %add3A_1324 : vector<16xi32> to vector<16xi32>
      tpu.vector_store %arg9[%swap3A_1325], %swap3A_1328 {strides = array<i32>} : memref<64xi32, #tpu.memory_space<vmem>>, vector<16xi32>,
      %shift_right_logical3A_1329 = arith.constant 14 : i32
      %shift_right_logical3A_1330 = vector.broadcast %shift_right_logical3A_1329 : i32 to vector<16xi32>
      %shift_right_logical3A_1331 = arith.shrui %get3A_1319, %shift_right_logical3A_1330 : vector<16xi32>
      %swap3A_1332 = arith.constant 48 : index
      %swap3A_1333 = tpu.vector_load %arg13[%swap3A_1332] {strides = array<i32>} : memref<64xi32, #tpu.memory_space<vmem>>, vector<16xi32>,
      %swap3A_1334 = vector.shape_cast %swap3A_1333 : vector<16xi32> to vector<16xi32>
      %swap3A_1335 = vector.shape_cast %shift_right_logical3A_1331 : vector<16xi32> to vector<16xi32>
      tpu.vector_store %arg13[%swap3A_1332], %swap3A_1335 {strides = array<i32>} : memref<64xi32, #tpu.memory_space<vmem>>, vector<16xi32>,
      %dma_start3A_1336 = arith.constant 0 : i32
      %dma_start3A_1337 = arith.constant 0 : i32
      %dma_start3A_1338 = tpu.memref_slice %arg2[%dma_start3A_1336, %dma_start3A_1337] : memref<20480x128xf32, #tpu.memory_space<hbm>> -> memref<20480x128xf32, #tpu.memory_space<hbm>>
      tpu.enqueue_indirect_dma source(%dma_start3A_1338 : memref<20480x128xf32, #tpu.memory_space<hbm>>) target(%arg17 : memref<64x128xf32, #tpu.memory_space<vmem>>) offsets(%arg9 : memref<64xi32, #tpu.memory_space<vmem>>) semaphore(%arg21 : memref<!tpu.dma_semaphore, #tpu.memory_space<semaphore_mem>>)
    }
    %scan3A_447 = arith.constant 39 : i32
    %dma_wait3A = arith.constant 0 : i32
    %dma_wait3A_448 = arith.constant 0 : i32
    %dma_wait3A_449 = tpu.memref_slice %arg2[%dma_wait3A, %dma_wait3A_448] : memref<20480x128xf32, #tpu.memory_space<hbm>> -> memref<20480x128xf32, #tpu.memory_space<hbm>>
    tpu.wait_indirect_dma semaphore(%arg18 : memref<!tpu.dma_semaphore, #tpu.memory_space<semaphore_mem>>) src(%dma_wait3A_449 : memref<20480x128xf32, #tpu.memory_space<hbm>>) dst(%arg14 : memref<64x128xf32, #tpu.memory_space<vmem>>)
    "tpu.region"() ({
      %run_scoped3A = tpu.sem_alloc : memref<!tpu.dma_semaphore, #tpu.memory_space<semaphore_mem>>
      %dma_start3A_915 = arith.constant 0 : i32
      %dma_start3A_916 = arith.constant 0 : i32
      %dma_start3A_917 = tpu.memref_slice %arg22[%dma_start3A_915, %dma_start3A_916] : memref<10240x128xf32, #tpu.memory_space<vmem_shared>> -> memref<10240x128xf32, #tpu.memory_space<vmem_shared>>
      tpu.enqueue_indirect_dma source(%arg14 : memref<64x128xf32, #tpu.memory_space<vmem>>) target(%dma_start3A_917 : memref<10240x128xf32, #tpu.memory_space<vmem_shared>>) offsets(%arg10 : memref<64xi32, #tpu.memory_space<vmem>>) semaphore(%run_scoped3A : memref<!tpu.dma_semaphore, #tpu.memory_space<semaphore_mem>>) {add = true}
      %dma_wait3A_918 = arith.constant 0 : i32
      %dma_wait3A_919 = arith.constant 0 : i32
      %dma_wait3A_920 = tpu.memref_slice %arg22[%dma_wait3A_918, %dma_wait3A_919] : memref<10240x128xf32, #tpu.memory_space<vmem_shared>> -> memref<10240x128xf32, #tpu.memory_space<vmem_shared>>
      tpu.wait_indirect_dma semaphore(%run_scoped3A : memref<!tpu.dma_semaphore, #tpu.memory_space<semaphore_mem>>) src(%arg14 : memref<64x128xf32, #tpu.memory_space<vmem>>) dst(%dma_wait3A_920 : memref<10240x128xf32, #tpu.memory_space<vmem_shared>>)
      tpu.yield
    }) : () -> ()
    %mul3A_450 = arith.constant 159 : i32
    %mul3A_451 = arith.constant 64 : i32
    %mul3A_452 = arith.muli %mul3A_450, %mul3A_451 : i32
    %add3A_453 = arith.constant 0 : i32
    %add3A_454 = arith.addi %mul3A_452, %add3A_453 : i32
    %get3A_455 = arith.index_cast %add3A_454 : i32 to index
    %get3A_456 = tpu.vector_load %arg5[%get3A_455] {strides = array<i32>} : memref<10240xi32, #tpu.memory_space<vmem>>, vector<16xi32>,
    %get3A_457 = vector.shape_cast %get3A_456 : vector<16xi32> to vector<16xi32>
    %and3A_458 = arith.constant 16383 : i32
    %and3A_459 = vector.broadcast %and3A_458 : i32 to vector<16xi32>
    %and3A_460 = arith.andi %get3A_457, %and3A_459 : vector<16xi32>
    %add3A_461 = vector.broadcast %mul3A_0 : i32 to vector<16xi32>
    %add3A_462 = arith.addi %add3A_461, %and3A_460 : vector<16xi32>
    %swap3A_463 = arith.constant 0 : index
    %swap3A_464 = tpu.vector_load %arg6[%swap3A_463] {strides = array<i32>} : memref<64xi32, #tpu.memory_space<vmem>>, vector<16xi32>,
    %swap3A_465 = vector.shape_cast %swap3A_464 : vector<16xi32> to vector<16xi32>
    %swap3A_466 = vector.shape_cast %add3A_462 : vector<16xi32> to vector<16xi32>
    tpu.vector_store %arg6[%swap3A_463], %swap3A_466 {strides = array<i32>} : memref<64xi32, #tpu.memory_space<vmem>>, vector<16xi32>,
    %shift_right_logical3A_467 = arith.constant 14 : i32
    %shift_right_logical3A_468 = vector.broadcast %shift_right_logical3A_467 : i32 to vector<16xi32>
    %shift_right_logical3A_469 = arith.shrui %get3A_457, %shift_right_logical3A_468 : vector<16xi32>
    %swap3A_470 = arith.constant 0 : index
    %swap3A_471 = tpu.vector_load %arg10[%swap3A_470] {strides = array<i32>} : memref<64xi32, #tpu.memory_space<vmem>>, vector<16xi32>,
    %swap3A_472 = vector.shape_cast %swap3A_471 : vector<16xi32> to vector<16xi32>
    %swap3A_473 = vector.shape_cast %shift_right_logical3A_469 : vector<16xi32> to vector<16xi32>
    tpu.vector_store %arg10[%swap3A_470], %swap3A_473 {strides = array<i32>} : memref<64xi32, #tpu.memory_space<vmem>>, vector<16xi32>,
    %mul3A_474 = arith.constant 159 : i32
    %mul3A_475 = arith.constant 64 : i32
    %mul3A_476 = arith.muli %mul3A_474, %mul3A_475 : i32
    %add3A_477 = arith.constant 16 : i32
    %add3A_478 = arith.addi %mul3A_476, %add3A_477 : i32
    %get3A_479 = arith.index_cast %add3A_478 : i32 to index
    %get3A_480 = tpu.vector_load %arg5[%get3A_479] {strides = array<i32>} : memref<10240xi32, #tpu.memory_space<vmem>>, vector<16xi32>,
    %get3A_481 = vector.shape_cast %get3A_480 : vector<16xi32> to vector<16xi32>
    %and3A_482 = arith.constant 16383 : i32
    %and3A_483 = vector.broadcast %and3A_482 : i32 to vector<16xi32>
    %and3A_484 = arith.andi %get3A_481, %and3A_483 : vector<16xi32>
    %add3A_485 = vector.broadcast %mul3A_0 : i32 to vector<16xi32>
    %add3A_486 = arith.addi %add3A_485, %and3A_484 : vector<16xi32>
    %swap3A_487 = arith.constant 16 : index
    %swap3A_488 = tpu.vector_load %arg6[%swap3A_487] {strides = array<i32>} : memref<64xi32, #tpu.memory_space<vmem>>, vector<16xi32>,
    %swap3A_489 = vector.shape_cast %swap3A_488 : vector<16xi32> to vector<16xi32>
    %swap3A_490 = vector.shape_cast %add3A_486 : vector<16xi32> to vector<16xi32>
    tpu.vector_store %arg6[%swap3A_487], %swap3A_490 {strides = array<i32>} : memref<64xi32, #tpu.memory_space<vmem>>, vector<16xi32>,
    %shift_right_logical3A_491 = arith.constant 14 : i32
    %shift_right_logical3A_492 = vector.broadcast %shift_right_logical3A_491 : i32 to vector<16xi32>
    %shift_right_logical3A_493 = arith.shrui %get3A_481, %shift_right_logical3A_492 : vector<16xi32>
    %swap3A_494 = arith.constant 16 : index
    %swap3A_495 = tpu.vector_load %arg10[%swap3A_494] {strides = array<i32>} : memref<64xi32, #tpu.memory_space<vmem>>, vector<16xi32>,
    %swap3A_496 = vector.shape_cast %swap3A_495 : vector<16xi32> to vector<16xi32>
    %swap3A_497 = vector.shape_cast %shift_right_logical3A_493 : vector<16xi32> to vector<16xi32>
    tpu.vector_store %arg10[%swap3A_494], %swap3A_497 {strides = array<i32>} : memref<64xi32, #tpu.memory_space<vmem>>, vector<16xi32>,
    %mul3A_498 = arith.constant 159 : i32
    %mul3A_499 = arith.constant 64 : i32
    %mul3A_500 = arith.muli %mul3A_498, %mul3A_499 : i32
    %add3A_501 = arith.constant 32 : i32
    %add3A_502 = arith.addi %mul3A_500, %add3A_501 : i32
    %get3A_503 = arith.index_cast %add3A_502 : i32 to index
    %get3A_504 = tpu.vector_load %arg5[%get3A_503] {strides = array<i32>} : memref<10240xi32, #tpu.memory_space<vmem>>, vector<16xi32>,
    %get3A_505 = vector.shape_cast %get3A_504 : vector<16xi32> to vector<16xi32>
    %and3A_506 = arith.constant 16383 : i32
    %and3A_507 = vector.broadcast %and3A_506 : i32 to vector<16xi32>
    %and3A_508 = arith.andi %get3A_505, %and3A_507 : vector<16xi32>
    %add3A_509 = vector.broadcast %mul3A_0 : i32 to vector<16xi32>
    %add3A_510 = arith.addi %add3A_509, %and3A_508 : vector<16xi32>
    %swap3A_511 = arith.constant 32 : index
    %swap3A_512 = tpu.vector_load %arg6[%swap3A_511] {strides = array<i32>} : memref<64xi32, #tpu.memory_space<vmem>>, vector<16xi32>,
    %swap3A_513 = vector.shape_cast %swap3A_512 : vector<16xi32> to vector<16xi32>
    %swap3A_514 = vector.shape_cast %add3A_510 : vector<16xi32> to vector<16xi32>
    tpu.vector_store %arg6[%swap3A_511], %swap3A_514 {strides = array<i32>} : memref<64xi32, #tpu.memory_space<vmem>>, vector<16xi32>,
    %shift_right_logical3A_515 = arith.constant 14 : i32
    %shift_right_logical3A_516 = vector.broadcast %shift_right_logical3A_515 : i32 to vector<16xi32>
    %shift_right_logical3A_517 = arith.shrui %get3A_505, %shift_right_logical3A_516 : vector<16xi32>
    %swap3A_518 = arith.constant 32 : index
    %swap3A_519 = tpu.vector_load %arg10[%swap3A_518] {strides = array<i32>} : memref<64xi32, #tpu.memory_space<vmem>>, vector<16xi32>,
    %swap3A_520 = vector.shape_cast %swap3A_519 : vector<16xi32> to vector<16xi32>
    %swap3A_521 = vector.shape_cast %shift_right_logical3A_517 : vector<16xi32> to vector<16xi32>
    tpu.vector_store %arg10[%swap3A_518], %swap3A_521 {strides = array<i32>} : memref<64xi32, #tpu.memory_space<vmem>>, vector<16xi32>,
    %mul3A_522 = arith.constant 159 : i32
    %mul3A_523 = arith.constant 64 : i32
    %mul3A_524 = arith.muli %mul3A_522, %mul3A_523 : i32
    %add3A_525 = arith.constant 48 : i32
    %add3A_526 = arith.addi %mul3A_524, %add3A_525 : i32
    %get3A_527 = arith.index_cast %add3A_526 : i32 to index
    %get3A_528 = tpu.vector_load %arg5[%get3A_527] {strides = array<i32>} : memref<10240xi32, #tpu.memory_space<vmem>>, vector<16xi32>,
    %get3A_529 = vector.shape_cast %get3A_528 : vector<16xi32> to vector<16xi32>
    %and3A_530 = arith.constant 16383 : i32
    %and3A_531 = vector.broadcast %and3A_530 : i32 to vector<16xi32>
    %and3A_532 = arith.andi %get3A_529, %and3A_531 : vector<16xi32>
    %add3A_533 = vector.broadcast %mul3A_0 : i32 to vector<16xi32>
    %add3A_534 = arith.addi %add3A_533, %and3A_532 : vector<16xi32>
    %swap3A_535 = arith.constant 48 : index
    %swap3A_536 = tpu.vector_load %arg6[%swap3A_535] {strides = array<i32>} : memref<64xi32, #tpu.memory_space<vmem>>, vector<16xi32>,
    %swap3A_537 = vector.shape_cast %swap3A_536 : vector<16xi32> to vector<16xi32>
    %swap3A_538 = vector.shape_cast %add3A_534 : vector<16xi32> to vector<16xi32>
    tpu.vector_store %arg6[%swap3A_535], %swap3A_538 {strides = array<i32>} : memref<64xi32, #tpu.memory_space<vmem>>, vector<16xi32>,
    %shift_right_logical3A_539 = arith.constant 14 : i32
    %shift_right_logical3A_540 = vector.broadcast %shift_right_logical3A_539 : i32 to vector<16xi32>
    %shift_right_logical3A_541 = arith.shrui %get3A_529, %shift_right_logical3A_540 : vector<16xi32>
    %swap3A_542 = arith.constant 48 : index
    %swap3A_543 = tpu.vector_load %arg10[%swap3A_542] {strides = array<i32>} : memref<64xi32, #tpu.memory_space<vmem>>, vector<16xi32>,
    %swap3A_544 = vector.shape_cast %swap3A_543 : vector<16xi32> to vector<16xi32>
    %swap3A_545 = vector.shape_cast %shift_right_logical3A_541 : vector<16xi32> to vector<16xi32>
    tpu.vector_store %arg10[%swap3A_542], %swap3A_545 {strides = array<i32>} : memref<64xi32, #tpu.memory_space<vmem>>, vector<16xi32>,
    %dma_start3A_546 = arith.constant 0 : i32
    %dma_start3A_547 = arith.constant 0 : i32
    %dma_start3A_548 = tpu.memref_slice %arg2[%dma_start3A_546, %dma_start3A_547] : memref<20480x128xf32, #tpu.memory_space<hbm>> -> memref<20480x128xf32, #tpu.memory_space<hbm>>
    tpu.enqueue_indirect_dma source(%dma_start3A_548 : memref<20480x128xf32, #tpu.memory_space<hbm>>) target(%arg14 : memref<64x128xf32, #tpu.memory_space<vmem>>) offsets(%arg6 : memref<64xi32, #tpu.memory_space<vmem>>) semaphore(%arg18 : memref<!tpu.dma_semaphore, #tpu.memory_space<semaphore_mem>>)
    %dma_wait3A_549 = arith.constant 0 : i32
    %dma_wait3A_550 = arith.constant 0 : i32
    %dma_wait3A_551 = tpu.memref_slice %arg2[%dma_wait3A_549, %dma_wait3A_550] : memref<20480x128xf32, #tpu.memory_space<hbm>> -> memref<20480x128xf32, #tpu.memory_space<hbm>>
    tpu.wait_indirect_dma semaphore(%arg19 : memref<!tpu.dma_semaphore, #tpu.memory_space<semaphore_mem>>) src(%dma_wait3A_551 : memref<20480x128xf32, #tpu.memory_space<hbm>>) dst(%arg15 : memref<64x128xf32, #tpu.memory_space<vmem>>)
    "tpu.region"() ({
      %run_scoped3A = tpu.sem_alloc : memref<!tpu.dma_semaphore, #tpu.memory_space<semaphore_mem>>
      %dma_start3A_915 = arith.constant 0 : i32
      %dma_start3A_916 = arith.constant 0 : i32
      %dma_start3A_917 = tpu.memref_slice %arg22[%dma_start3A_915, %dma_start3A_916] : memref<10240x128xf32, #tpu.memory_space<vmem_shared>> -> memref<10240x128xf32, #tpu.memory_space<vmem_shared>>
      tpu.enqueue_indirect_dma source(%arg15 : memref<64x128xf32, #tpu.memory_space<vmem>>) target(%dma_start3A_917 : memref<10240x128xf32, #tpu.memory_space<vmem_shared>>) offsets(%arg11 : memref<64xi32, #tpu.memory_space<vmem>>) semaphore(%run_scoped3A : memref<!tpu.dma_semaphore, #tpu.memory_space<semaphore_mem>>) {add = true}
      %dma_wait3A_918 = arith.constant 0 : i32
      %dma_wait3A_919 = arith.constant 0 : i32
      %dma_wait3A_920 = tpu.memref_slice %arg22[%dma_wait3A_918, %dma_wait3A_919] : memref<10240x128xf32, #tpu.memory_space<vmem_shared>> -> memref<10240x128xf32, #tpu.memory_space<vmem_shared>>
      tpu.wait_indirect_dma semaphore(%run_scoped3A : memref<!tpu.dma_semaphore, #tpu.memory_space<semaphore_mem>>) src(%arg15 : memref<64x128xf32, #tpu.memory_space<vmem>>) dst(%dma_wait3A_920 : memref<10240x128xf32, #tpu.memory_space<vmem_shared>>)
      tpu.yield
    }) : () -> ()
    %mul3A_552 = arith.constant 159 : i32
    %mul3A_553 = arith.constant 64 : i32
    %mul3A_554 = arith.muli %mul3A_552, %mul3A_553 : i32
    %add3A_555 = arith.constant 0 : i32
    %add3A_556 = arith.addi %mul3A_554, %add3A_555 : i32
    %get3A_557 = arith.index_cast %add3A_556 : i32 to index
    %get3A_558 = tpu.vector_load %arg5[%get3A_557] {strides = array<i32>} : memref<10240xi32, #tpu.memory_space<vmem>>, vector<16xi32>,
    %get3A_559 = vector.shape_cast %get3A_558 : vector<16xi32> to vector<16xi32>
    %and3A_560 = arith.constant 16383 : i32
    %and3A_561 = vector.broadcast %and3A_560 : i32 to vector<16xi32>
    %and3A_562 = arith.andi %get3A_559, %and3A_561 : vector<16xi32>
    %add3A_563 = vector.broadcast %mul3A_0 : i32 to vector<16xi32>
    %add3A_564 = arith.addi %add3A_563, %and3A_562 : vector<16xi32>
    %swap3A_565 = arith.constant 0 : index
    %swap3A_566 = tpu.vector_load %arg7[%swap3A_565] {strides = array<i32>} : memref<64xi32, #tpu.memory_space<vmem>>, vector<16xi32>,
    %swap3A_567 = vector.shape_cast %swap3A_566 : vector<16xi32> to vector<16xi32>
    %swap3A_568 = vector.shape_cast %add3A_564 : vector<16xi32> to vector<16xi32>
    tpu.vector_store %arg7[%swap3A_565], %swap3A_568 {strides = array<i32>} : memref<64xi32, #tpu.memory_space<vmem>>, vector<16xi32>,
    %shift_right_logical3A_569 = arith.constant 14 : i32
    %shift_right_logical3A_570 = vector.broadcast %shift_right_logical3A_569 : i32 to vector<16xi32>
    %shift_right_logical3A_571 = arith.shrui %get3A_559, %shift_right_logical3A_570 : vector<16xi32>
    %swap3A_572 = arith.constant 0 : index
    %swap3A_573 = tpu.vector_load %arg11[%swap3A_572] {strides = array<i32>} : memref<64xi32, #tpu.memory_space<vmem>>, vector<16xi32>,
    %swap3A_574 = vector.shape_cast %swap3A_573 : vector<16xi32> to vector<16xi32>
    %swap3A_575 = vector.shape_cast %shift_right_logical3A_571 : vector<16xi32> to vector<16xi32>
    tpu.vector_store %arg11[%swap3A_572], %swap3A_575 {strides = array<i32>} : memref<64xi32, #tpu.memory_space<vmem>>, vector<16xi32>,
    %mul3A_576 = arith.constant 159 : i32
    %mul3A_577 = arith.constant 64 : i32
    %mul3A_578 = arith.muli %mul3A_576, %mul3A_577 : i32
    %add3A_579 = arith.constant 16 : i32
    %add3A_580 = arith.addi %mul3A_578, %add3A_579 : i32
    %get3A_581 = arith.index_cast %add3A_580 : i32 to index
    %get3A_582 = tpu.vector_load %arg5[%get3A_581] {strides = array<i32>} : memref<10240xi32, #tpu.memory_space<vmem>>, vector<16xi32>,
    %get3A_583 = vector.shape_cast %get3A_582 : vector<16xi32> to vector<16xi32>
    %and3A_584 = arith.constant 16383 : i32
    %and3A_585 = vector.broadcast %and3A_584 : i32 to vector<16xi32>
    %and3A_586 = arith.andi %get3A_583, %and3A_585 : vector<16xi32>
    %add3A_587 = vector.broadcast %mul3A_0 : i32 to vector<16xi32>
    %add3A_588 = arith.addi %add3A_587, %and3A_586 : vector<16xi32>
    %swap3A_589 = arith.constant 16 : index
    %swap3A_590 = tpu.vector_load %arg7[%swap3A_589] {strides = array<i32>} : memref<64xi32, #tpu.memory_space<vmem>>, vector<16xi32>,
    %swap3A_591 = vector.shape_cast %swap3A_590 : vector<16xi32> to vector<16xi32>
    %swap3A_592 = vector.shape_cast %add3A_588 : vector<16xi32> to vector<16xi32>
    tpu.vector_store %arg7[%swap3A_589], %swap3A_592 {strides = array<i32>} : memref<64xi32, #tpu.memory_space<vmem>>, vector<16xi32>,
    %shift_right_logical3A_593 = arith.constant 14 : i32
    %shift_right_logical3A_594 = vector.broadcast %shift_right_logical3A_593 : i32 to vector<16xi32>
    %shift_right_logical3A_595 = arith.shrui %get3A_583, %shift_right_logical3A_594 : vector<16xi32>
    %swap3A_596 = arith.constant 16 : index
    %swap3A_597 = tpu.vector_load %arg11[%swap3A_596] {strides = array<i32>} : memref<64xi32, #tpu.memory_space<vmem>>, vector<16xi32>,
    %swap3A_598 = vector.shape_cast %swap3A_597 : vector<16xi32> to vector<16xi32>
    %swap3A_599 = vector.shape_cast %shift_right_logical3A_595 : vector<16xi32> to vector<16xi32>
    tpu.vector_store %arg11[%swap3A_596], %swap3A_599 {strides = array<i32>} : memref<64xi32, #tpu.memory_space<vmem>>, vector<16xi32>,
    %mul3A_600 = arith.constant 159 : i32
    %mul3A_601 = arith.constant 64 : i32
    %mul3A_602 = arith.muli %mul3A_600, %mul3A_601 : i32
    %add3A_603 = arith.constant 32 : i32
    %add3A_604 = arith.addi %mul3A_602, %add3A_603 : i32
    %get3A_605 = arith.index_cast %add3A_604 : i32 to index
    %get3A_606 = tpu.vector_load %arg5[%get3A_605] {strides = array<i32>} : memref<10240xi32, #tpu.memory_space<vmem>>, vector<16xi32>,
    %get3A_607 = vector.shape_cast %get3A_606 : vector<16xi32> to vector<16xi32>
    %and3A_608 = arith.constant 16383 : i32
    %and3A_609 = vector.broadcast %and3A_608 : i32 to vector<16xi32>
    %and3A_610 = arith.andi %get3A_607, %and3A_609 : vector<16xi32>
    %add3A_611 = vector.broadcast %mul3A_0 : i32 to vector<16xi32>
    %add3A_612 = arith.addi %add3A_611, %and3A_610 : vector<16xi32>
    %swap3A_613 = arith.constant 32 : index
    %swap3A_614 = tpu.vector_load %arg7[%swap3A_613] {strides = array<i32>} : memref<64xi32, #tpu.memory_space<vmem>>, vector<16xi32>,
    %swap3A_615 = vector.shape_cast %swap3A_614 : vector<16xi32> to vector<16xi32>
    %swap3A_616 = vector.shape_cast %add3A_612 : vector<16xi32> to vector<16xi32>
    tpu.vector_store %arg7[%swap3A_613], %swap3A_616 {strides = array<i32>} : memref<64xi32, #tpu.memory_space<vmem>>, vector<16xi32>,
    %shift_right_logical3A_617 = arith.constant 14 : i32
    %shift_right_logical3A_618 = vector.broadcast %shift_right_logical3A_617 : i32 to vector<16xi32>
    %shift_right_logical3A_619 = arith.shrui %get3A_607, %shift_right_logical3A_618 : vector<16xi32>
    %swap3A_620 = arith.constant 32 : index
    %swap3A_621 = tpu.vector_load %arg11[%swap3A_620] {strides = array<i32>} : memref<64xi32, #tpu.memory_space<vmem>>, vector<16xi32>,
    %swap3A_622 = vector.shape_cast %swap3A_621 : vector<16xi32> to vector<16xi32>
    %swap3A_623 = vector.shape_cast %shift_right_logical3A_619 : vector<16xi32> to vector<16xi32>
    tpu.vector_store %arg11[%swap3A_620], %swap3A_623 {strides = array<i32>} : memref<64xi32, #tpu.memory_space<vmem>>, vector<16xi32>,
    %mul3A_624 = arith.constant 159 : i32
    %mul3A_625 = arith.constant 64 : i32
    %mul3A_626 = arith.muli %mul3A_624, %mul3A_625 : i32
    %add3A_627 = arith.constant 48 : i32
    %add3A_628 = arith.addi %mul3A_626, %add3A_627 : i32
    %get3A_629 = arith.index_cast %add3A_628 : i32 to index
    %get3A_630 = tpu.vector_load %arg5[%get3A_629] {strides = array<i32>} : memref<10240xi32, #tpu.memory_space<vmem>>, vector<16xi32>,
    %get3A_631 = vector.shape_cast %get3A_630 : vector<16xi32> to vector<16xi32>
    %and3A_632 = arith.constant 16383 : i32
    %and3A_633 = vector.broadcast %and3A_632 : i32 to vector<16xi32>
    %and3A_634 = arith.andi %get3A_631, %and3A_633 : vector<16xi32>
    %add3A_635 = vector.broadcast %mul3A_0 : i32 to vector<16xi32>
    %add3A_636 = arith.addi %add3A_635, %and3A_634 : vector<16xi32>
    %swap3A_637 = arith.constant 48 : index
    %swap3A_638 = tpu.vector_load %arg7[%swap3A_637] {strides = array<i32>} : memref<64xi32, #tpu.memory_space<vmem>>, vector<16xi32>,
    %swap3A_639 = vector.shape_cast %swap3A_638 : vector<16xi32> to vector<16xi32>
    %swap3A_640 = vector.shape_cast %add3A_636 : vector<16xi32> to vector<16xi32>
    tpu.vector_store %arg7[%swap3A_637], %swap3A_640 {strides = array<i32>} : memref<64xi32, #tpu.memory_space<vmem>>, vector<16xi32>,
    %shift_right_logical3A_641 = arith.constant 14 : i32
    %shift_right_logical3A_642 = vector.broadcast %shift_right_logical3A_641 : i32 to vector<16xi32>
    %shift_right_logical3A_643 = arith.shrui %get3A_631, %shift_right_logical3A_642 : vector<16xi32>
    %swap3A_644 = arith.constant 48 : index
    %swap3A_645 = tpu.vector_load %arg11[%swap3A_644] {strides = array<i32>} : memref<64xi32, #tpu.memory_space<vmem>>, vector<16xi32>,
    %swap3A_646 = vector.shape_cast %swap3A_645 : vector<16xi32> to vector<16xi32>
    %swap3A_647 = vector.shape_cast %shift_right_logical3A_643 : vector<16xi32> to vector<16xi32>
    tpu.vector_store %arg11[%swap3A_644], %swap3A_647 {strides = array<i32>} : memref<64xi32, #tpu.memory_space<vmem>>, vector<16xi32>,
    %dma_start3A_648 = arith.constant 0 : i32
    %dma_start3A_649 = arith.constant 0 : i32
    %dma_start3A_650 = tpu.memref_slice %arg2[%dma_start3A_648, %dma_start3A_649] : memref<20480x128xf32, #tpu.memory_space<hbm>> -> memref<20480x128xf32, #tpu.memory_space<hbm>>
    tpu.enqueue_indirect_dma source(%dma_start3A_650 : memref<20480x128xf32, #tpu.memory_space<hbm>>) target(%arg15 : memref<64x128xf32, #tpu.memory_space<vmem>>) offsets(%arg7 : memref<64xi32, #tpu.memory_space<vmem>>) semaphore(%arg19 : memref<!tpu.dma_semaphore, #tpu.memory_space<semaphore_mem>>)
    %dma_wait3A_651 = arith.constant 0 : i32
    %dma_wait3A_652 = arith.constant 0 : i32
    %dma_wait3A_653 = tpu.memref_slice %arg2[%dma_wait3A_651, %dma_wait3A_652] : memref<20480x128xf32, #tpu.memory_space<hbm>> -> memref<20480x128xf32, #tpu.memory_space<hbm>>
    tpu.wait_indirect_dma semaphore(%arg20 : memref<!tpu.dma_semaphore, #tpu.memory_space<semaphore_mem>>) src(%dma_wait3A_653 : memref<20480x128xf32, #tpu.memory_space<hbm>>) dst(%arg16 : memref<64x128xf32, #tpu.memory_space<vmem>>)
    "tpu.region"() ({
      %run_scoped3A = tpu.sem_alloc : memref<!tpu.dma_semaphore, #tpu.memory_space<semaphore_mem>>
      %dma_start3A_915 = arith.constant 0 : i32
      %dma_start3A_916 = arith.constant 0 : i32
      %dma_start3A_917 = tpu.memref_slice %arg22[%dma_start3A_915, %dma_start3A_916] : memref<10240x128xf32, #tpu.memory_space<vmem_shared>> -> memref<10240x128xf32, #tpu.memory_space<vmem_shared>>
      tpu.enqueue_indirect_dma source(%arg16 : memref<64x128xf32, #tpu.memory_space<vmem>>) target(%dma_start3A_917 : memref<10240x128xf32, #tpu.memory_space<vmem_shared>>) offsets(%arg12 : memref<64xi32, #tpu.memory_space<vmem>>) semaphore(%run_scoped3A : memref<!tpu.dma_semaphore, #tpu.memory_space<semaphore_mem>>) {add = true}
      %dma_wait3A_918 = arith.constant 0 : i32
      %dma_wait3A_919 = arith.constant 0 : i32
      %dma_wait3A_920 = tpu.memref_slice %arg22[%dma_wait3A_918, %dma_wait3A_919] : memref<10240x128xf32, #tpu.memory_space<vmem_shared>> -> memref<10240x128xf32, #tpu.memory_space<vmem_shared>>
      tpu.wait_indirect_dma semaphore(%run_scoped3A : memref<!tpu.dma_semaphore, #tpu.memory_space<semaphore_mem>>) src(%arg16 : memref<64x128xf32, #tpu.memory_space<vmem>>) dst(%dma_wait3A_920 : memref<10240x128xf32, #tpu.memory_space<vmem_shared>>)
      tpu.yield
    }) : () -> ()
    %mul3A_654 = arith.constant 159 : i32
    %mul3A_655 = arith.constant 64 : i32
    %mul3A_656 = arith.muli %mul3A_654, %mul3A_655 : i32
    %add3A_657 = arith.constant 0 : i32
    %add3A_658 = arith.addi %mul3A_656, %add3A_657 : i32
    %get3A_659 = arith.index_cast %add3A_658 : i32 to index
    %get3A_660 = tpu.vector_load %arg5[%get3A_659] {strides = array<i32>} : memref<10240xi32, #tpu.memory_space<vmem>>, vector<16xi32>,
    %get3A_661 = vector.shape_cast %get3A_660 : vector<16xi32> to vector<16xi32>
    %and3A_662 = arith.constant 16383 : i32
    %and3A_663 = vector.broadcast %and3A_662 : i32 to vector<16xi32>
    %and3A_664 = arith.andi %get3A_661, %and3A_663 : vector<16xi32>
    %add3A_665 = vector.broadcast %mul3A_0 : i32 to vector<16xi32>
    %add3A_666 = arith.addi %add3A_665, %and3A_664 : vector<16xi32>
    %swap3A_667 = arith.constant 0 : index
    %swap3A_668 = tpu.vector_load %arg8[%swap3A_667] {strides = array<i32>} : memref<64xi32, #tpu.memory_space<vmem>>, vector<16xi32>,
    %swap3A_669 = vector.shape_cast %swap3A_668 : vector<16xi32> to vector<16xi32>
    %swap3A_670 = vector.shape_cast %add3A_666 : vector<16xi32> to vector<16xi32>
    tpu.vector_store %arg8[%swap3A_667], %swap3A_670 {strides = array<i32>} : memref<64xi32, #tpu.memory_space<vmem>>, vector<16xi32>,
    %shift_right_logical3A_671 = arith.constant 14 : i32
    %shift_right_logical3A_672 = vector.broadcast %shift_right_logical3A_671 : i32 to vector<16xi32>
    %shift_right_logical3A_673 = arith.shrui %get3A_661, %shift_right_logical3A_672 : vector<16xi32>
    %swap3A_674 = arith.constant 0 : index
    %swap3A_675 = tpu.vector_load %arg12[%swap3A_674] {strides = array<i32>} : memref<64xi32, #tpu.memory_space<vmem>>, vector<16xi32>,
    %swap3A_676 = vector.shape_cast %swap3A_675 : vector<16xi32> to vector<16xi32>
    %swap3A_677 = vector.shape_cast %shift_right_logical3A_673 : vector<16xi32> to vector<16xi32>
    tpu.vector_store %arg12[%swap3A_674], %swap3A_677 {strides = array<i32>} : memref<64xi32, #tpu.memory_space<vmem>>, vector<16xi32>,
    %mul3A_678 = arith.constant 159 : i32
    %mul3A_679 = arith.constant 64 : i32
    %mul3A_680 = arith.muli %mul3A_678, %mul3A_679 : i32
    %add3A_681 = arith.constant 16 : i32
    %add3A_682 = arith.addi %mul3A_680, %add3A_681 : i32
    %get3A_683 = arith.index_cast %add3A_682 : i32 to index
    %get3A_684 = tpu.vector_load %arg5[%get3A_683] {strides = array<i32>} : memref<10240xi32, #tpu.memory_space<vmem>>, vector<16xi32>,
    %get3A_685 = vector.shape_cast %get3A_684 : vector<16xi32> to vector<16xi32>
    %and3A_686 = arith.constant 16383 : i32
    %and3A_687 = vector.broadcast %and3A_686 : i32 to vector<16xi32>
    %and3A_688 = arith.andi %get3A_685, %and3A_687 : vector<16xi32>
    %add3A_689 = vector.broadcast %mul3A_0 : i32 to vector<16xi32>
    %add3A_690 = arith.addi %add3A_689, %and3A_688 : vector<16xi32>
    %swap3A_691 = arith.constant 16 : index
    %swap3A_692 = tpu.vector_load %arg8[%swap3A_691] {strides = array<i32>} : memref<64xi32, #tpu.memory_space<vmem>>, vector<16xi32>,
    %swap3A_693 = vector.shape_cast %swap3A_692 : vector<16xi32> to vector<16xi32>
    %swap3A_694 = vector.shape_cast %add3A_690 : vector<16xi32> to vector<16xi32>
    tpu.vector_store %arg8[%swap3A_691], %swap3A_694 {strides = array<i32>} : memref<64xi32, #tpu.memory_space<vmem>>, vector<16xi32>,
    %shift_right_logical3A_695 = arith.constant 14 : i32
    %shift_right_logical3A_696 = vector.broadcast %shift_right_logical3A_695 : i32 to vector<16xi32>
    %shift_right_logical3A_697 = arith.shrui %get3A_685, %shift_right_logical3A_696 : vector<16xi32>
    %swap3A_698 = arith.constant 16 : index
    %swap3A_699 = tpu.vector_load %arg12[%swap3A_698] {strides = array<i32>} : memref<64xi32, #tpu.memory_space<vmem>>, vector<16xi32>,
    %swap3A_700 = vector.shape_cast %swap3A_699 : vector<16xi32> to vector<16xi32>
    %swap3A_701 = vector.shape_cast %shift_right_logical3A_697 : vector<16xi32> to vector<16xi32>
    tpu.vector_store %arg12[%swap3A_698], %swap3A_701 {strides = array<i32>} : memref<64xi32, #tpu.memory_space<vmem>>, vector<16xi32>,
    %mul3A_702 = arith.constant 159 : i32
    %mul3A_703 = arith.constant 64 : i32
    %mul3A_704 = arith.muli %mul3A_702, %mul3A_703 : i32
    %add3A_705 = arith.constant 32 : i32
    %add3A_706 = arith.addi %mul3A_704, %add3A_705 : i32
    %get3A_707 = arith.index_cast %add3A_706 : i32 to index
    %get3A_708 = tpu.vector_load %arg5[%get3A_707] {strides = array<i32>} : memref<10240xi32, #tpu.memory_space<vmem>>, vector<16xi32>,
    %get3A_709 = vector.shape_cast %get3A_708 : vector<16xi32> to vector<16xi32>
    %and3A_710 = arith.constant 16383 : i32
    %and3A_711 = vector.broadcast %and3A_710 : i32 to vector<16xi32>
    %and3A_712 = arith.andi %get3A_709, %and3A_711 : vector<16xi32>
    %add3A_713 = vector.broadcast %mul3A_0 : i32 to vector<16xi32>
    %add3A_714 = arith.addi %add3A_713, %and3A_712 : vector<16xi32>
    %swap3A_715 = arith.constant 32 : index
    %swap3A_716 = tpu.vector_load %arg8[%swap3A_715] {strides = array<i32>} : memref<64xi32, #tpu.memory_space<vmem>>, vector<16xi32>,
    %swap3A_717 = vector.shape_cast %swap3A_716 : vector<16xi32> to vector<16xi32>
    %swap3A_718 = vector.shape_cast %add3A_714 : vector<16xi32> to vector<16xi32>
    tpu.vector_store %arg8[%swap3A_715], %swap3A_718 {strides = array<i32>} : memref<64xi32, #tpu.memory_space<vmem>>, vector<16xi32>,
    %shift_right_logical3A_719 = arith.constant 14 : i32
    %shift_right_logical3A_720 = vector.broadcast %shift_right_logical3A_719 : i32 to vector<16xi32>
    %shift_right_logical3A_721 = arith.shrui %get3A_709, %shift_right_logical3A_720 : vector<16xi32>
    %swap3A_722 = arith.constant 32 : index
    %swap3A_723 = tpu.vector_load %arg12[%swap3A_722] {strides = array<i32>} : memref<64xi32, #tpu.memory_space<vmem>>, vector<16xi32>,
    %swap3A_724 = vector.shape_cast %swap3A_723 : vector<16xi32> to vector<16xi32>
    %swap3A_725 = vector.shape_cast %shift_right_logical3A_721 : vector<16xi32> to vector<16xi32>
    tpu.vector_store %arg12[%swap3A_722], %swap3A_725 {strides = array<i32>} : memref<64xi32, #tpu.memory_space<vmem>>, vector<16xi32>,
    %mul3A_726 = arith.constant 159 : i32
    %mul3A_727 = arith.constant 64 : i32
    %mul3A_728 = arith.muli %mul3A_726, %mul3A_727 : i32
    %add3A_729 = arith.constant 48 : i32
    %add3A_730 = arith.addi %mul3A_728, %add3A_729 : i32
    %get3A_731 = arith.index_cast %add3A_730 : i32 to index
    %get3A_732 = tpu.vector_load %arg5[%get3A_731] {strides = array<i32>} : memref<10240xi32, #tpu.memory_space<vmem>>, vector<16xi32>,
    %get3A_733 = vector.shape_cast %get3A_732 : vector<16xi32> to vector<16xi32>
    %and3A_734 = arith.constant 16383 : i32
    %and3A_735 = vector.broadcast %and3A_734 : i32 to vector<16xi32>
    %and3A_736 = arith.andi %get3A_733, %and3A_735 : vector<16xi32>
    %add3A_737 = vector.broadcast %mul3A_0 : i32 to vector<16xi32>
    %add3A_738 = arith.addi %add3A_737, %and3A_736 : vector<16xi32>
    %swap3A_739 = arith.constant 48 : index
    %swap3A_740 = tpu.vector_load %arg8[%swap3A_739] {strides = array<i32>} : memref<64xi32, #tpu.memory_space<vmem>>, vector<16xi32>,
    %swap3A_741 = vector.shape_cast %swap3A_740 : vector<16xi32> to vector<16xi32>
    %swap3A_742 = vector.shape_cast %add3A_738 : vector<16xi32> to vector<16xi32>
    tpu.vector_store %arg8[%swap3A_739], %swap3A_742 {strides = array<i32>} : memref<64xi32, #tpu.memory_space<vmem>>, vector<16xi32>,
    %shift_right_logical3A_743 = arith.constant 14 : i32
    %shift_right_logical3A_744 = vector.broadcast %shift_right_logical3A_743 : i32 to vector<16xi32>
    %shift_right_logical3A_745 = arith.shrui %get3A_733, %shift_right_logical3A_744 : vector<16xi32>
    %swap3A_746 = arith.constant 48 : index
    %swap3A_747 = tpu.vector_load %arg12[%swap3A_746] {strides = array<i32>} : memref<64xi32, #tpu.memory_space<vmem>>, vector<16xi32>,
    %swap3A_748 = vector.shape_cast %swap3A_747 : vector<16xi32> to vector<16xi32>
    %swap3A_749 = vector.shape_cast %shift_right_logical3A_745 : vector<16xi32> to vector<16xi32>
    tpu.vector_store %arg12[%swap3A_746], %swap3A_749 {strides = array<i32>} : memref<64xi32, #tpu.memory_space<vmem>>, vector<16xi32>,
    %dma_start3A_750 = arith.constant 0 : i32
    %dma_start3A_751 = arith.constant 0 : i32
    %dma_start3A_752 = tpu.memref_slice %arg2[%dma_start3A_750, %dma_start3A_751] : memref<20480x128xf32, #tpu.memory_space<hbm>> -> memref<20480x128xf32, #tpu.memory_space<hbm>>
    tpu.enqueue_indirect_dma source(%dma_start3A_752 : memref<20480x128xf32, #tpu.memory_space<hbm>>) target(%arg16 : memref<64x128xf32, #tpu.memory_space<vmem>>) offsets(%arg8 : memref<64xi32, #tpu.memory_space<vmem>>) semaphore(%arg20 : memref<!tpu.dma_semaphore, #tpu.memory_space<semaphore_mem>>)
    %dma_wait3A_753 = arith.constant 0 : i32
    %dma_wait3A_754 = arith.constant 0 : i32
    %dma_wait3A_755 = tpu.memref_slice %arg2[%dma_wait3A_753, %dma_wait3A_754] : memref<20480x128xf32, #tpu.memory_space<hbm>> -> memref<20480x128xf32, #tpu.memory_space<hbm>>
    tpu.wait_indirect_dma semaphore(%arg21 : memref<!tpu.dma_semaphore, #tpu.memory_space<semaphore_mem>>) src(%dma_wait3A_755 : memref<20480x128xf32, #tpu.memory_space<hbm>>) dst(%arg17 : memref<64x128xf32, #tpu.memory_space<vmem>>)
    "tpu.region"() ({
      %run_scoped3A = tpu.sem_alloc : memref<!tpu.dma_semaphore, #tpu.memory_space<semaphore_mem>>
      %dma_start3A_915 = arith.constant 0 : i32
      %dma_start3A_916 = arith.constant 0 : i32
      %dma_start3A_917 = tpu.memref_slice %arg22[%dma_start3A_915, %dma_start3A_916] : memref<10240x128xf32, #tpu.memory_space<vmem_shared>> -> memref<10240x128xf32, #tpu.memory_space<vmem_shared>>
      tpu.enqueue_indirect_dma source(%arg17 : memref<64x128xf32, #tpu.memory_space<vmem>>) target(%dma_start3A_917 : memref<10240x128xf32, #tpu.memory_space<vmem_shared>>) offsets(%arg13 : memref<64xi32, #tpu.memory_space<vmem>>) semaphore(%run_scoped3A : memref<!tpu.dma_semaphore, #tpu.memory_space<semaphore_mem>>) {add = true}
      %dma_wait3A_918 = arith.constant 0 : i32
      %dma_wait3A_919 = arith.constant 0 : i32
      %dma_wait3A_920 = tpu.memref_slice %arg22[%dma_wait3A_918, %dma_wait3A_919] : memref<10240x128xf32, #tpu.memory_space<vmem_shared>> -> memref<10240x128xf32, #tpu.memory_space<vmem_shared>>
      tpu.wait_indirect_dma semaphore(%run_scoped3A : memref<!tpu.dma_semaphore, #tpu.memory_space<semaphore_mem>>) src(%arg17 : memref<64x128xf32, #tpu.memory_space<vmem>>) dst(%dma_wait3A_920 : memref<10240x128xf32, #tpu.memory_space<vmem_shared>>)
      tpu.yield
    }) : () -> ()
    %mul3A_756 = arith.constant 159 : i32
    %mul3A_757 = arith.constant 64 : i32
    %mul3A_758 = arith.muli %mul3A_756, %mul3A_757 : i32
    %add3A_759 = arith.constant 0 : i32
    %add3A_760 = arith.addi %mul3A_758, %add3A_759 : i32
    %get3A_761 = arith.index_cast %add3A_760 : i32 to index
    %get3A_762 = tpu.vector_load %arg5[%get3A_761] {strides = array<i32>} : memref<10240xi32, #tpu.memory_space<vmem>>, vector<16xi32>,
    %get3A_763 = vector.shape_cast %get3A_762 : vector<16xi32> to vector<16xi32>
    %and3A_764 = arith.constant 16383 : i32
    %and3A_765 = vector.broadcast %and3A_764 : i32 to vector<16xi32>
    %and3A_766 = arith.andi %get3A_763, %and3A_765 : vector<16xi32>
    %add3A_767 = vector.broadcast %mul3A_0 : i32 to vector<16xi32>
    %add3A_768 = arith.addi %add3A_767, %and3A_766 : vector<16xi32>
    %swap3A_769 = arith.constant 0 : index
    %swap3A_770 = tpu.vector_load %arg9[%swap3A_769] {strides = array<i32>} : memref<64xi32, #tpu.memory_space<vmem>>, vector<16xi32>,
    %swap3A_771 = vector.shape_cast %swap3A_770 : vector<16xi32> to vector<16xi32>
    %swap3A_772 = vector.shape_cast %add3A_768 : vector<16xi32> to vector<16xi32>
    tpu.vector_store %arg9[%swap3A_769], %swap3A_772 {strides = array<i32>} : memref<64xi32, #tpu.memory_space<vmem>>, vector<16xi32>,
    %shift_right_logical3A_773 = arith.constant 14 : i32
    %shift_right_logical3A_774 = vector.broadcast %shift_right_logical3A_773 : i32 to vector<16xi32>
    %shift_right_logical3A_775 = arith.shrui %get3A_763, %shift_right_logical3A_774 : vector<16xi32>
    %swap3A_776 = arith.constant 0 : index
    %swap3A_777 = tpu.vector_load %arg13[%swap3A_776] {strides = array<i32>} : memref<64xi32, #tpu.memory_space<vmem>>, vector<16xi32>,
    %swap3A_778 = vector.shape_cast %swap3A_777 : vector<16xi32> to vector<16xi32>
    %swap3A_779 = vector.shape_cast %shift_right_logical3A_775 : vector<16xi32> to vector<16xi32>
    tpu.vector_store %arg13[%swap3A_776], %swap3A_779 {strides = array<i32>} : memref<64xi32, #tpu.memory_space<vmem>>, vector<16xi32>,
    %mul3A_780 = arith.constant 159 : i32
    %mul3A_781 = arith.constant 64 : i32
    %mul3A_782 = arith.muli %mul3A_780, %mul3A_781 : i32
    %add3A_783 = arith.constant 16 : i32
    %add3A_784 = arith.addi %mul3A_782, %add3A_783 : i32
    %get3A_785 = arith.index_cast %add3A_784 : i32 to index
    %get3A_786 = tpu.vector_load %arg5[%get3A_785] {strides = array<i32>} : memref<10240xi32, #tpu.memory_space<vmem>>, vector<16xi32>,
    %get3A_787 = vector.shape_cast %get3A_786 : vector<16xi32> to vector<16xi32>
    %and3A_788 = arith.constant 16383 : i32
    %and3A_789 = vector.broadcast %and3A_788 : i32 to vector<16xi32>
    %and3A_790 = arith.andi %get3A_787, %and3A_789 : vector<16xi32>
    %add3A_791 = vector.broadcast %mul3A_0 : i32 to vector<16xi32>
    %add3A_792 = arith.addi %add3A_791, %and3A_790 : vector<16xi32>
    %swap3A_793 = arith.constant 16 : index
    %swap3A_794 = tpu.vector_load %arg9[%swap3A_793] {strides = array<i32>} : memref<64xi32, #tpu.memory_space<vmem>>, vector<16xi32>,
    %swap3A_795 = vector.shape_cast %swap3A_794 : vector<16xi32> to vector<16xi32>
    %swap3A_796 = vector.shape_cast %add3A_792 : vector<16xi32> to vector<16xi32>
    tpu.vector_store %arg9[%swap3A_793], %swap3A_796 {strides = array<i32>} : memref<64xi32, #tpu.memory_space<vmem>>, vector<16xi32>,
    %shift_right_logical3A_797 = arith.constant 14 : i32
    %shift_right_logical3A_798 = vector.broadcast %shift_right_logical3A_797 : i32 to vector<16xi32>
    %shift_right_logical3A_799 = arith.shrui %get3A_787, %shift_right_logical3A_798 : vector<16xi32>
    %swap3A_800 = arith.constant 16 : index
    %swap3A_801 = tpu.vector_load %arg13[%swap3A_800] {strides = array<i32>} : memref<64xi32, #tpu.memory_space<vmem>>, vector<16xi32>,
    %swap3A_802 = vector.shape_cast %swap3A_801 : vector<16xi32> to vector<16xi32>
    %swap3A_803 = vector.shape_cast %shift_right_logical3A_799 : vector<16xi32> to vector<16xi32>
    tpu.vector_store %arg13[%swap3A_800], %swap3A_803 {strides = array<i32>} : memref<64xi32, #tpu.memory_space<vmem>>, vector<16xi32>,
    %mul3A_804 = arith.constant 159 : i32
    %mul3A_805 = arith.constant 64 : i32
    %mul3A_806 = arith.muli %mul3A_804, %mul3A_805 : i32
    %add3A_807 = arith.constant 32 : i32
    %add3A_808 = arith.addi %mul3A_806, %add3A_807 : i32
    %get3A_809 = arith.index_cast %add3A_808 : i32 to index
    %get3A_810 = tpu.vector_load %arg5[%get3A_809] {strides = array<i32>} : memref<10240xi32, #tpu.memory_space<vmem>>, vector<16xi32>,
    %get3A_811 = vector.shape_cast %get3A_810 : vector<16xi32> to vector<16xi32>
    %and3A_812 = arith.constant 16383 : i32
    %and3A_813 = vector.broadcast %and3A_812 : i32 to vector<16xi32>
    %and3A_814 = arith.andi %get3A_811, %and3A_813 : vector<16xi32>
    %add3A_815 = vector.broadcast %mul3A_0 : i32 to vector<16xi32>
    %add3A_816 = arith.addi %add3A_815, %and3A_814 : vector<16xi32>
    %swap3A_817 = arith.constant 32 : index
    %swap3A_818 = tpu.vector_load %arg9[%swap3A_817] {strides = array<i32>} : memref<64xi32, #tpu.memory_space<vmem>>, vector<16xi32>,
    %swap3A_819 = vector.shape_cast %swap3A_818 : vector<16xi32> to vector<16xi32>
    %swap3A_820 = vector.shape_cast %add3A_816 : vector<16xi32> to vector<16xi32>
    tpu.vector_store %arg9[%swap3A_817], %swap3A_820 {strides = array<i32>} : memref<64xi32, #tpu.memory_space<vmem>>, vector<16xi32>,
    %shift_right_logical3A_821 = arith.constant 14 : i32
    %shift_right_logical3A_822 = vector.broadcast %shift_right_logical3A_821 : i32 to vector<16xi32>
    %shift_right_logical3A_823 = arith.shrui %get3A_811, %shift_right_logical3A_822 : vector<16xi32>
    %swap3A_824 = arith.constant 32 : index
    %swap3A_825 = tpu.vector_load %arg13[%swap3A_824] {strides = array<i32>} : memref<64xi32, #tpu.memory_space<vmem>>, vector<16xi32>,
    %swap3A_826 = vector.shape_cast %swap3A_825 : vector<16xi32> to vector<16xi32>
    %swap3A_827 = vector.shape_cast %shift_right_logical3A_823 : vector<16xi32> to vector<16xi32>
    tpu.vector_store %arg13[%swap3A_824], %swap3A_827 {strides = array<i32>} : memref<64xi32, #tpu.memory_space<vmem>>, vector<16xi32>,
    %mul3A_828 = arith.constant 159 : i32
    %mul3A_829 = arith.constant 64 : i32
    %mul3A_830 = arith.muli %mul3A_828, %mul3A_829 : i32
    %add3A_831 = arith.constant 48 : i32
    %add3A_832 = arith.addi %mul3A_830, %add3A_831 : i32
    %get3A_833 = arith.index_cast %add3A_832 : i32 to index
    %get3A_834 = tpu.vector_load %arg5[%get3A_833] {strides = array<i32>} : memref<10240xi32, #tpu.memory_space<vmem>>, vector<16xi32>,
    %get3A_835 = vector.shape_cast %get3A_834 : vector<16xi32> to vector<16xi32>
    %and3A_836 = arith.constant 16383 : i32
    %and3A_837 = vector.broadcast %and3A_836 : i32 to vector<16xi32>
    %and3A_838 = arith.andi %get3A_835, %and3A_837 : vector<16xi32>
    %add3A_839 = vector.broadcast %mul3A_0 : i32 to vector<16xi32>
    %add3A_840 = arith.addi %add3A_839, %and3A_838 : vector<16xi32>
    %swap3A_841 = arith.constant 48 : index
    %swap3A_842 = tpu.vector_load %arg9[%swap3A_841] {strides = array<i32>} : memref<64xi32, #tpu.memory_space<vmem>>, vector<16xi32>,
    %swap3A_843 = vector.shape_cast %swap3A_842 : vector<16xi32> to vector<16xi32>
    %swap3A_844 = vector.shape_cast %add3A_840 : vector<16xi32> to vector<16xi32>
    tpu.vector_store %arg9[%swap3A_841], %swap3A_844 {strides = array<i32>} : memref<64xi32, #tpu.memory_space<vmem>>, vector<16xi32>,
    %shift_right_logical3A_845 = arith.constant 14 : i32
    %shift_right_logical3A_846 = vector.broadcast %shift_right_logical3A_845 : i32 to vector<16xi32>
    %shift_right_logical3A_847 = arith.shrui %get3A_835, %shift_right_logical3A_846 : vector<16xi32>
    %swap3A_848 = arith.constant 48 : index
    %swap3A_849 = tpu.vector_load %arg13[%swap3A_848] {strides = array<i32>} : memref<64xi32, #tpu.memory_space<vmem>>, vector<16xi32>,
    %swap3A_850 = vector.shape_cast %swap3A_849 : vector<16xi32> to vector<16xi32>
    %swap3A_851 = vector.shape_cast %shift_right_logical3A_847 : vector<16xi32> to vector<16xi32>
    tpu.vector_store %arg13[%swap3A_848], %swap3A_851 {strides = array<i32>} : memref<64xi32, #tpu.memory_space<vmem>>, vector<16xi32>,
    %dma_start3A_852 = arith.constant 0 : i32
    %dma_start3A_853 = arith.constant 0 : i32
    %dma_start3A_854 = tpu.memref_slice %arg2[%dma_start3A_852, %dma_start3A_853] : memref<20480x128xf32, #tpu.memory_space<hbm>> -> memref<20480x128xf32, #tpu.memory_space<hbm>>
    tpu.enqueue_indirect_dma source(%dma_start3A_854 : memref<20480x128xf32, #tpu.memory_space<hbm>>) target(%arg17 : memref<64x128xf32, #tpu.memory_space<vmem>>) offsets(%arg9 : memref<64xi32, #tpu.memory_space<vmem>>) semaphore(%arg21 : memref<!tpu.dma_semaphore, #tpu.memory_space<semaphore_mem>>)
    %dma_wait3A_855 = arith.constant 0 : i32
    %dma_wait3A_856 = arith.constant 0 : i32
    %dma_wait3A_857 = tpu.memref_slice %arg2[%dma_wait3A_855, %dma_wait3A_856] : memref<20480x128xf32, #tpu.memory_space<hbm>> -> memref<20480x128xf32, #tpu.memory_space<hbm>>
    tpu.wait_indirect_dma semaphore(%arg18 : memref<!tpu.dma_semaphore, #tpu.memory_space<semaphore_mem>>) src(%dma_wait3A_857 : memref<20480x128xf32, #tpu.memory_space<hbm>>) dst(%arg14 : memref<64x128xf32, #tpu.memory_space<vmem>>)
    %dma_wait3A_858 = arith.constant 0 : i32
    %dma_wait3A_859 = arith.constant 0 : i32
    %dma_wait3A_860 = tpu.memref_slice %arg2[%dma_wait3A_858, %dma_wait3A_859] : memref<20480x128xf32, #tpu.memory_space<hbm>> -> memref<20480x128xf32, #tpu.memory_space<hbm>>
    tpu.wait_indirect_dma semaphore(%arg19 : memref<!tpu.dma_semaphore, #tpu.memory_space<semaphore_mem>>) src(%dma_wait3A_860 : memref<20480x128xf32, #tpu.memory_space<hbm>>) dst(%arg15 : memref<64x128xf32, #tpu.memory_space<vmem>>)
    %dma_wait3A_861 = arith.constant 0 : i32
    %dma_wait3A_862 = arith.constant 0 : i32
    %dma_wait3A_863 = tpu.memref_slice %arg2[%dma_wait3A_861, %dma_wait3A_862] : memref<20480x128xf32, #tpu.memory_space<hbm>> -> memref<20480x128xf32, #tpu.memory_space<hbm>>
    tpu.wait_indirect_dma semaphore(%arg20 : memref<!tpu.dma_semaphore, #tpu.memory_space<semaphore_mem>>) src(%dma_wait3A_863 : memref<20480x128xf32, #tpu.memory_space<hbm>>) dst(%arg16 : memref<64x128xf32, #tpu.memory_space<vmem>>)
    %dma_wait3A_864 = arith.constant 0 : i32
    %dma_wait3A_865 = arith.constant 0 : i32
    %dma_wait3A_866 = tpu.memref_slice %arg2[%dma_wait3A_864, %dma_wait3A_865] : memref<20480x128xf32, #tpu.memory_space<hbm>> -> memref<20480x128xf32, #tpu.memory_space<hbm>>
    tpu.wait_indirect_dma semaphore(%arg21 : memref<!tpu.dma_semaphore, #tpu.memory_space<semaphore_mem>>) src(%dma_wait3A_866 : memref<20480x128xf32, #tpu.memory_space<hbm>>) dst(%arg17 : memref<64x128xf32, #tpu.memory_space<vmem>>)
    %barrier3A_867 = arith.constant 0 : index
    tpu.barrier barrier_id(%barrier3A_867)
    %barrier3A_868 = arith.constant 0 : index
    tpu.barrier barrier_id(%barrier3A_868)
    %barrier3A_869 = arith.constant 0 : index
    tpu.barrier barrier_id(%barrier3A_869)
    %barrier3A_870 = arith.constant 0 : index
    tpu.barrier barrier_id(%barrier3A_870)
    %barrier3A_871 = arith.constant 0 : index
    tpu.barrier barrier_id(%barrier3A_871)
    %barrier3A_872 = arith.constant 0 : index
    tpu.barrier barrier_id(%barrier3A_872)
    %mul3A_873 = arith.constant 128 : i32
    %mul3A_874 = arith.muli %arg0, %mul3A_873 : i32
    %mul3A_875 = arith.constant 640 : i32
    %mul3A_876 = arith.muli %arg1, %mul3A_875 : i32
    %add3A_877 = arith.constant 0 : i32
    %add3A_878 = arith.addi %mul3A_876, %add3A_877 : i32
    "tpu.region"() ({
      %run_scoped3A = tpu.sem_alloc : memref<!tpu.dma_semaphore, #tpu.memory_space<semaphore_mem>>
      %dma_start3A_915 = arith.constant 0 : i32
      %dma_start3A_916 = tpu.memref_slice %arg22[%add3A_878, %dma_start3A_915] : memref<10240x128xf32, #tpu.memory_space<vmem_shared>> -> memref<64x128xf32, #tpu.memory_space<vmem_shared>>
      %dma_start3A_917 = arith.constant 0 : i32
      %dma_start3A_918 = tpu.memref_slice %arg22[%add3A_878, %dma_start3A_917] : memref<10240x128xf32, #tpu.memory_space<vmem_shared>> -> memref<64x128xf32, #tpu.memory_space<vmem_shared>>
      tpu.enqueue_dma source(%dma_start3A_918 : memref<64x128xf32, #tpu.memory_space<vmem_shared>>) target(%arg14 : memref<64x128xf32, #tpu.memory_space<vmem>>) target_semaphore(%run_scoped3A : memref<!tpu.dma_semaphore, #tpu.memory_space<semaphore_mem>>)
      %dma_wait3A_919 = arith.constant 0 : i32
      %dma_wait3A_920 = tpu.memref_slice %arg22[%add3A_878, %dma_wait3A_919] : memref<10240x128xf32, #tpu.memory_space<vmem_shared>> -> memref<64x128xf32, #tpu.memory_space<vmem_shared>>
      %dma_wait3A_921 = arith.constant 0 : i32
      %dma_wait3A_922 = tpu.memref_slice %arg22[%add3A_878, %dma_wait3A_921] : memref<10240x128xf32, #tpu.memory_space<vmem_shared>> -> memref<64x128xf32, #tpu.memory_space<vmem_shared>>
      tpu.wait_dma2 semaphore(%run_scoped3A : memref<!tpu.dma_semaphore, #tpu.memory_space<semaphore_mem>>) src(%dma_wait3A_922 : memref<64x128xf32, #tpu.memory_space<vmem_shared>>) dst(%arg14 : memref<64x128xf32, #tpu.memory_space<vmem>>)
      tpu.yield
    }) : () -> ()
    %add3A_879 = arith.constant 64 : i32
    %add3A_880 = arith.addi %add3A_878, %add3A_879 : i32
    "tpu.region"() ({
      %run_scoped3A = tpu.sem_alloc : memref<!tpu.dma_semaphore, #tpu.memory_space<semaphore_mem>>
      %dma_start3A_915 = arith.constant 0 : i32
      %dma_start3A_916 = tpu.memref_slice %arg22[%add3A_880, %dma_start3A_915] : memref<10240x128xf32, #tpu.memory_space<vmem_shared>> -> memref<64x128xf32, #tpu.memory_space<vmem_shared>>
      %dma_start3A_917 = arith.constant 0 : i32
      %dma_start3A_918 = tpu.memref_slice %arg22[%add3A_880, %dma_start3A_917] : memref<10240x128xf32, #tpu.memory_space<vmem_shared>> -> memref<64x128xf32, #tpu.memory_space<vmem_shared>>
      tpu.enqueue_dma source(%dma_start3A_918 : memref<64x128xf32, #tpu.memory_space<vmem_shared>>) target(%arg15 : memref<64x128xf32, #tpu.memory_space<vmem>>) target_semaphore(%run_scoped3A : memref<!tpu.dma_semaphore, #tpu.memory_space<semaphore_mem>>)
      %dma_wait3A_919 = arith.constant 0 : i32
      %dma_wait3A_920 = tpu.memref_slice %arg22[%add3A_880, %dma_wait3A_919] : memref<10240x128xf32, #tpu.memory_space<vmem_shared>> -> memref<64x128xf32, #tpu.memory_space<vmem_shared>>
      %dma_wait3A_921 = arith.constant 0 : i32
      %dma_wait3A_922 = tpu.memref_slice %arg22[%add3A_880, %dma_wait3A_921] : memref<10240x128xf32, #tpu.memory_space<vmem_shared>> -> memref<64x128xf32, #tpu.memory_space<vmem_shared>>
      tpu.wait_dma2 semaphore(%run_scoped3A : memref<!tpu.dma_semaphore, #tpu.memory_space<semaphore_mem>>) src(%dma_wait3A_922 : memref<64x128xf32, #tpu.memory_space<vmem_shared>>) dst(%arg15 : memref<64x128xf32, #tpu.memory_space<vmem>>)
      tpu.yield
    }) : () -> ()
    "tpu.region"() ({
      %run_scoped3A = tpu.sem_alloc : memref<!tpu.dma_semaphore, #tpu.memory_space<semaphore_mem>>
      %dma_start3A_915 = tpu.memref_slice %arg4[%add3A_878, %mul3A_874] : memref<10240x256xf32, #tpu.memory_space<hbm>> -> memref<64x128xf32, #tpu.memory_space<hbm>>
      %dma_start3A_916 = tpu.memref_slice %arg4[%add3A_878, %mul3A_874] : memref<10240x256xf32, #tpu.memory_space<hbm>> -> memref<64x128xf32, #tpu.memory_space<hbm>>
      tpu.enqueue_dma source(%arg14 : memref<64x128xf32, #tpu.memory_space<vmem>>) target(%dma_start3A_916 : memref<64x128xf32, #tpu.memory_space<hbm>>) target_semaphore(%run_scoped3A : memref<!tpu.dma_semaphore, #tpu.memory_space<semaphore_mem>>)
      %dma_wait3A_917 = tpu.memref_slice %arg4[%add3A_878, %mul3A_874] : memref<10240x256xf32, #tpu.memory_space<hbm>> -> memref<64x128xf32, #tpu.memory_space<hbm>>
      %dma_wait3A_918 = tpu.memref_slice %arg4[%add3A_878, %mul3A_874] : memref<10240x256xf32, #tpu.memory_space<hbm>> -> memref<64x128xf32, #tpu.memory_space<hbm>>
      tpu.wait_dma2 semaphore(%run_scoped3A : memref<!tpu.dma_semaphore, #tpu.memory_space<semaphore_mem>>) src(%arg14 : memref<64x128xf32, #tpu.memory_space<vmem>>) dst(%dma_wait3A_918 : memref<64x128xf32, #tpu.memory_space<hbm>>)
      tpu.yield
    }) : () -> ()
    %add3A_881 = arith.constant 64 : i32
    %add3A_882 = arith.addi %add3A_878, %add3A_881 : i32
    "tpu.region"() ({
      %run_scoped3A = tpu.sem_alloc : memref<!tpu.dma_semaphore, #tpu.memory_space<semaphore_mem>>
      %dma_start3A_915 = tpu.memref_slice %arg4[%add3A_882, %mul3A_874] : memref<10240x256xf32, #tpu.memory_space<hbm>> -> memref<64x128xf32, #tpu.memory_space<hbm>>
      %dma_start3A_916 = tpu.memref_slice %arg4[%add3A_882, %mul3A_874] : memref<10240x256xf32, #tpu.memory_space<hbm>> -> memref<64x128xf32, #tpu.memory_space<hbm>>
      tpu.enqueue_dma source(%arg15 : memref<64x128xf32, #tpu.memory_space<vmem>>) target(%dma_start3A_916 : memref<64x128xf32, #tpu.memory_space<hbm>>) target_semaphore(%run_scoped3A : memref<!tpu.dma_semaphore, #tpu.memory_space<semaphore_mem>>)
      %dma_wait3A_917 = tpu.memref_slice %arg4[%add3A_882, %mul3A_874] : memref<10240x256xf32, #tpu.memory_space<hbm>> -> memref<64x128xf32, #tpu.memory_space<hbm>>
      %dma_wait3A_918 = tpu.memref_slice %arg4[%add3A_882, %mul3A_874] : memref<10240x256xf32, #tpu.memory_space<hbm>> -> memref<64x128xf32, #tpu.memory_space<hbm>>
      tpu.wait_dma2 semaphore(%run_scoped3A : memref<!tpu.dma_semaphore, #tpu.memory_space<semaphore_mem>>) src(%arg15 : memref<64x128xf32, #tpu.memory_space<vmem>>) dst(%dma_wait3A_918 : memref<64x128xf32, #tpu.memory_space<hbm>>)
      tpu.yield
    }) : () -> ()
    %mul3A_883 = arith.constant 640 : i32
    %mul3A_884 = arith.muli %arg1, %mul3A_883 : i32
    %add3A_885 = arith.constant 128 : i32
    %add3A_886 = arith.addi %mul3A_884, %add3A_885 : i32
    "tpu.region"() ({
      %run_scoped3A = tpu.sem_alloc : memref<!tpu.dma_semaphore, #tpu.memory_space<semaphore_mem>>
      %dma_start3A_915 = arith.constant 0 : i32
      %dma_start3A_916 = tpu.memref_slice %arg22[%add3A_886, %dma_start3A_915] : memref<10240x128xf32, #tpu.memory_space<vmem_shared>> -> memref<64x128xf32, #tpu.memory_space<vmem_shared>>
      %dma_start3A_917 = arith.constant 0 : i32
      %dma_start3A_918 = tpu.memref_slice %arg22[%add3A_886, %dma_start3A_917] : memref<10240x128xf32, #tpu.memory_space<vmem_shared>> -> memref<64x128xf32, #tpu.memory_space<vmem_shared>>
      tpu.enqueue_dma source(%dma_start3A_918 : memref<64x128xf32, #tpu.memory_space<vmem_shared>>) target(%arg14 : memref<64x128xf32, #tpu.memory_space<vmem>>) target_semaphore(%run_scoped3A : memref<!tpu.dma_semaphore, #tpu.memory_space<semaphore_mem>>)
      %dma_wait3A_919 = arith.constant 0 : i32
      %dma_wait3A_920 = tpu.memref_slice %arg22[%add3A_886, %dma_wait3A_919] : memref<10240x128xf32, #tpu.memory_space<vmem_shared>> -> memref<64x128xf32, #tpu.memory_space<vmem_shared>>
      %dma_wait3A_921 = arith.constant 0 : i32
      %dma_wait3A_922 = tpu.memref_slice %arg22[%add3A_886, %dma_wait3A_921] : memref<10240x128xf32, #tpu.memory_space<vmem_shared>> -> memref<64x128xf32, #tpu.memory_space<vmem_shared>>
      tpu.wait_dma2 semaphore(%run_scoped3A : memref<!tpu.dma_semaphore, #tpu.memory_space<semaphore_mem>>) src(%dma_wait3A_922 : memref<64x128xf32, #tpu.memory_space<vmem_shared>>) dst(%arg14 : memref<64x128xf32, #tpu.memory_space<vmem>>)
      tpu.yield
    }) : () -> ()
    %add3A_887 = arith.constant 64 : i32
    %add3A_888 = arith.addi %add3A_886, %add3A_887 : i32
    "tpu.region"() ({
      %run_scoped3A = tpu.sem_alloc : memref<!tpu.dma_semaphore, #tpu.memory_space<semaphore_mem>>
      %dma_start3A_915 = arith.constant 0 : i32
      %dma_start3A_916 = tpu.memref_slice %arg22[%add3A_888, %dma_start3A_915] : memref<10240x128xf32, #tpu.memory_space<vmem_shared>> -> memref<64x128xf32, #tpu.memory_space<vmem_shared>>
      %dma_start3A_917 = arith.constant 0 : i32
      %dma_start3A_918 = tpu.memref_slice %arg22[%add3A_888, %dma_start3A_917] : memref<10240x128xf32, #tpu.memory_space<vmem_shared>> -> memref<64x128xf32, #tpu.memory_space<vmem_shared>>
      tpu.enqueue_dma source(%dma_start3A_918 : memref<64x128xf32, #tpu.memory_space<vmem_shared>>) target(%arg15 : memref<64x128xf32, #tpu.memory_space<vmem>>) target_semaphore(%run_scoped3A : memref<!tpu.dma_semaphore, #tpu.memory_space<semaphore_mem>>)
      %dma_wait3A_919 = arith.constant 0 : i32
      %dma_wait3A_920 = tpu.memref_slice %arg22[%add3A_888, %dma_wait3A_919] : memref<10240x128xf32, #tpu.memory_space<vmem_shared>> -> memref<64x128xf32, #tpu.memory_space<vmem_shared>>
      %dma_wait3A_921 = arith.constant 0 : i32
      %dma_wait3A_922 = tpu.memref_slice %arg22[%add3A_888, %dma_wait3A_921] : memref<10240x128xf32, #tpu.memory_space<vmem_shared>> -> memref<64x128xf32, #tpu.memory_space<vmem_shared>>
      tpu.wait_dma2 semaphore(%run_scoped3A : memref<!tpu.dma_semaphore, #tpu.memory_space<semaphore_mem>>) src(%dma_wait3A_922 : memref<64x128xf32, #tpu.memory_space<vmem_shared>>) dst(%arg15 : memref<64x128xf32, #tpu.memory_space<vmem>>)
      tpu.yield
    }) : () -> ()
    "tpu.region"() ({
      %run_scoped3A = tpu.sem_alloc : memref<!tpu.dma_semaphore, #tpu.memory_space<semaphore_mem>>
      %dma_start3A_915 = tpu.memref_slice %arg4[%add3A_886, %mul3A_874] : memref<10240x256xf32, #tpu.memory_space<hbm>> -> memref<64x128xf32, #tpu.memory_space<hbm>>
      %dma_start3A_916 = tpu.memref_slice %arg4[%add3A_886, %mul3A_874] : memref<10240x256xf32, #tpu.memory_space<hbm>> -> memref<64x128xf32, #tpu.memory_space<hbm>>
      tpu.enqueue_dma source(%arg14 : memref<64x128xf32, #tpu.memory_space<vmem>>) target(%dma_start3A_916 : memref<64x128xf32, #tpu.memory_space<hbm>>) target_semaphore(%run_scoped3A : memref<!tpu.dma_semaphore, #tpu.memory_space<semaphore_mem>>)
      %dma_wait3A_917 = tpu.memref_slice %arg4[%add3A_886, %mul3A_874] : memref<10240x256xf32, #tpu.memory_space<hbm>> -> memref<64x128xf32, #tpu.memory_space<hbm>>
      %dma_wait3A_918 = tpu.memref_slice %arg4[%add3A_886, %mul3A_874] : memref<10240x256xf32, #tpu.memory_space<hbm>> -> memref<64x128xf32, #tpu.memory_space<hbm>>
      tpu.wait_dma2 semaphore(%run_scoped3A : memref<!tpu.dma_semaphore, #tpu.memory_space<semaphore_mem>>) src(%arg14 : memref<64x128xf32, #tpu.memory_space<vmem>>) dst(%dma_wait3A_918 : memref<64x128xf32, #tpu.memory_space<hbm>>)
      tpu.yield
    }) : () -> ()
    %add3A_889 = arith.constant 64 : i32
    %add3A_890 = arith.addi %add3A_886, %add3A_889 : i32
    "tpu.region"() ({
      %run_scoped3A = tpu.sem_alloc : memref<!tpu.dma_semaphore, #tpu.memory_space<semaphore_mem>>
      %dma_start3A_915 = tpu.memref_slice %arg4[%add3A_890, %mul3A_874] : memref<10240x256xf32, #tpu.memory_space<hbm>> -> memref<64x128xf32, #tpu.memory_space<hbm>>
      %dma_start3A_916 = tpu.memref_slice %arg4[%add3A_890, %mul3A_874] : memref<10240x256xf32, #tpu.memory_space<hbm>> -> memref<64x128xf32, #tpu.memory_space<hbm>>
      tpu.enqueue_dma source(%arg15 : memref<64x128xf32, #tpu.memory_space<vmem>>) target(%dma_start3A_916 : memref<64x128xf32, #tpu.memory_space<hbm>>) target_semaphore(%run_scoped3A : memref<!tpu.dma_semaphore, #tpu.memory_space<semaphore_mem>>)
      %dma_wait3A_917 = tpu.memref_slice %arg4[%add3A_890, %mul3A_874] : memref<10240x256xf32, #tpu.memory_space<hbm>> -> memref<64x128xf32, #tpu.memory_space<hbm>>
      %dma_wait3A_918 = tpu.memref_slice %arg4[%add3A_890, %mul3A_874] : memref<10240x256xf32, #tpu.memory_space<hbm>> -> memref<64x128xf32, #tpu.memory_space<hbm>>
      tpu.wait_dma2 semaphore(%run_scoped3A : memref<!tpu.dma_semaphore, #tpu.memory_space<semaphore_mem>>) src(%arg15 : memref<64x128xf32, #tpu.memory_space<vmem>>) dst(%dma_wait3A_918 : memref<64x128xf32, #tpu.memory_space<hbm>>)
      tpu.yield
    }) : () -> ()
    %mul3A_891 = arith.constant 640 : i32
    %mul3A_892 = arith.muli %arg1, %mul3A_891 : i32
    %add3A_893 = arith.constant 256 : i32
    %add3A_894 = arith.addi %mul3A_892, %add3A_893 : i32
    "tpu.region"() ({
      %run_scoped3A = tpu.sem_alloc : memref<!tpu.dma_semaphore, #tpu.memory_space<semaphore_mem>>
      %dma_start3A_915 = arith.constant 0 : i32
      %dma_start3A_916 = tpu.memref_slice %arg22[%add3A_894, %dma_start3A_915] : memref<10240x128xf32, #tpu.memory_space<vmem_shared>> -> memref<64x128xf32, #tpu.memory_space<vmem_shared>>
      %dma_start3A_917 = arith.constant 0 : i32
      %dma_start3A_918 = tpu.memref_slice %arg22[%add3A_894, %dma_start3A_917] : memref<10240x128xf32, #tpu.memory_space<vmem_shared>> -> memref<64x128xf32, #tpu.memory_space<vmem_shared>>
      tpu.enqueue_dma source(%dma_start3A_918 : memref<64x128xf32, #tpu.memory_space<vmem_shared>>) target(%arg14 : memref<64x128xf32, #tpu.memory_space<vmem>>) target_semaphore(%run_scoped3A : memref<!tpu.dma_semaphore, #tpu.memory_space<semaphore_mem>>)
      %dma_wait3A_919 = arith.constant 0 : i32
      %dma_wait3A_920 = tpu.memref_slice %arg22[%add3A_894, %dma_wait3A_919] : memref<10240x128xf32, #tpu.memory_space<vmem_shared>> -> memref<64x128xf32, #tpu.memory_space<vmem_shared>>
      %dma_wait3A_921 = arith.constant 0 : i32
      %dma_wait3A_922 = tpu.memref_slice %arg22[%add3A_894, %dma_wait3A_921] : memref<10240x128xf32, #tpu.memory_space<vmem_shared>> -> memref<64x128xf32, #tpu.memory_space<vmem_shared>>
      tpu.wait_dma2 semaphore(%run_scoped3A : memref<!tpu.dma_semaphore, #tpu.memory_space<semaphore_mem>>) src(%dma_wait3A_922 : memref<64x128xf32, #tpu.memory_space<vmem_shared>>) dst(%arg14 : memref<64x128xf32, #tpu.memory_space<vmem>>)
      tpu.yield
    }) : () -> ()
    %add3A_895 = arith.constant 64 : i32
    %add3A_896 = arith.addi %add3A_894, %add3A_895 : i32
    "tpu.region"() ({
      %run_scoped3A = tpu.sem_alloc : memref<!tpu.dma_semaphore, #tpu.memory_space<semaphore_mem>>
      %dma_start3A_915 = arith.constant 0 : i32
      %dma_start3A_916 = tpu.memref_slice %arg22[%add3A_896, %dma_start3A_915] : memref<10240x128xf32, #tpu.memory_space<vmem_shared>> -> memref<64x128xf32, #tpu.memory_space<vmem_shared>>
      %dma_start3A_917 = arith.constant 0 : i32
      %dma_start3A_918 = tpu.memref_slice %arg22[%add3A_896, %dma_start3A_917] : memref<10240x128xf32, #tpu.memory_space<vmem_shared>> -> memref<64x128xf32, #tpu.memory_space<vmem_shared>>
      tpu.enqueue_dma source(%dma_start3A_918 : memref<64x128xf32, #tpu.memory_space<vmem_shared>>) target(%arg15 : memref<64x128xf32, #tpu.memory_space<vmem>>) target_semaphore(%run_scoped3A : memref<!tpu.dma_semaphore, #tpu.memory_space<semaphore_mem>>)
      %dma_wait3A_919 = arith.constant 0 : i32
      %dma_wait3A_920 = tpu.memref_slice %arg22[%add3A_896, %dma_wait3A_919] : memref<10240x128xf32, #tpu.memory_space<vmem_shared>> -> memref<64x128xf32, #tpu.memory_space<vmem_shared>>
      %dma_wait3A_921 = arith.constant 0 : i32
      %dma_wait3A_922 = tpu.memref_slice %arg22[%add3A_896, %dma_wait3A_921] : memref<10240x128xf32, #tpu.memory_space<vmem_shared>> -> memref<64x128xf32, #tpu.memory_space<vmem_shared>>
      tpu.wait_dma2 semaphore(%run_scoped3A : memref<!tpu.dma_semaphore, #tpu.memory_space<semaphore_mem>>) src(%dma_wait3A_922 : memref<64x128xf32, #tpu.memory_space<vmem_shared>>) dst(%arg15 : memref<64x128xf32, #tpu.memory_space<vmem>>)
      tpu.yield
    }) : () -> ()
    "tpu.region"() ({
      %run_scoped3A = tpu.sem_alloc : memref<!tpu.dma_semaphore, #tpu.memory_space<semaphore_mem>>
      %dma_start3A_915 = tpu.memref_slice %arg4[%add3A_894, %mul3A_874] : memref<10240x256xf32, #tpu.memory_space<hbm>> -> memref<64x128xf32, #tpu.memory_space<hbm>>
      %dma_start3A_916 = tpu.memref_slice %arg4[%add3A_894, %mul3A_874] : memref<10240x256xf32, #tpu.memory_space<hbm>> -> memref<64x128xf32, #tpu.memory_space<hbm>>
      tpu.enqueue_dma source(%arg14 : memref<64x128xf32, #tpu.memory_space<vmem>>) target(%dma_start3A_916 : memref<64x128xf32, #tpu.memory_space<hbm>>) target_semaphore(%run_scoped3A : memref<!tpu.dma_semaphore, #tpu.memory_space<semaphore_mem>>)
      %dma_wait3A_917 = tpu.memref_slice %arg4[%add3A_894, %mul3A_874] : memref<10240x256xf32, #tpu.memory_space<hbm>> -> memref<64x128xf32, #tpu.memory_space<hbm>>
      %dma_wait3A_918 = tpu.memref_slice %arg4[%add3A_894, %mul3A_874] : memref<10240x256xf32, #tpu.memory_space<hbm>> -> memref<64x128xf32, #tpu.memory_space<hbm>>
      tpu.wait_dma2 semaphore(%run_scoped3A : memref<!tpu.dma_semaphore, #tpu.memory_space<semaphore_mem>>) src(%arg14 : memref<64x128xf32, #tpu.memory_space<vmem>>) dst(%dma_wait3A_918 : memref<64x128xf32, #tpu.memory_space<hbm>>)
      tpu.yield
    }) : () -> ()
    %add3A_897 = arith.constant 64 : i32
    %add3A_898 = arith.addi %add3A_894, %add3A_897 : i32
    "tpu.region"() ({
      %run_scoped3A = tpu.sem_alloc : memref<!tpu.dma_semaphore, #tpu.memory_space<semaphore_mem>>
      %dma_start3A_915 = tpu.memref_slice %arg4[%add3A_898, %mul3A_874] : memref<10240x256xf32, #tpu.memory_space<hbm>> -> memref<64x128xf32, #tpu.memory_space<hbm>>
      %dma_start3A_916 = tpu.memref_slice %arg4[%add3A_898, %mul3A_874] : memref<10240x256xf32, #tpu.memory_space<hbm>> -> memref<64x128xf32, #tpu.memory_space<hbm>>
      tpu.enqueue_dma source(%arg15 : memref<64x128xf32, #tpu.memory_space<vmem>>) target(%dma_start3A_916 : memref<64x128xf32, #tpu.memory_space<hbm>>) target_semaphore(%run_scoped3A : memref<!tpu.dma_semaphore, #tpu.memory_space<semaphore_mem>>)
      %dma_wait3A_917 = tpu.memref_slice %arg4[%add3A_898, %mul3A_874] : memref<10240x256xf32, #tpu.memory_space<hbm>> -> memref<64x128xf32, #tpu.memory_space<hbm>>
      %dma_wait3A_918 = tpu.memref_slice %arg4[%add3A_898, %mul3A_874] : memref<10240x256xf32, #tpu.memory_space<hbm>> -> memref<64x128xf32, #tpu.memory_space<hbm>>
      tpu.wait_dma2 semaphore(%run_scoped3A : memref<!tpu.dma_semaphore, #tpu.memory_space<semaphore_mem>>) src(%arg15 : memref<64x128xf32, #tpu.memory_space<vmem>>) dst(%dma_wait3A_918 : memref<64x128xf32, #tpu.memory_space<hbm>>)
      tpu.yield
    }) : () -> ()
    %mul3A_899 = arith.constant 640 : i32
    %mul3A_900 = arith.muli %arg1, %mul3A_899 : i32
    %add3A_901 = arith.constant 384 : i32
    %add3A_902 = arith.addi %mul3A_900, %add3A_901 : i32
    "tpu.region"() ({
      %run_scoped3A = tpu.sem_alloc : memref<!tpu.dma_semaphore, #tpu.memory_space<semaphore_mem>>
      %dma_start3A_915 = arith.constant 0 : i32
      %dma_start3A_916 = tpu.memref_slice %arg22[%add3A_902, %dma_start3A_915] : memref<10240x128xf32, #tpu.memory_space<vmem_shared>> -> memref<64x128xf32, #tpu.memory_space<vmem_shared>>
      %dma_start3A_917 = arith.constant 0 : i32
      %dma_start3A_918 = tpu.memref_slice %arg22[%add3A_902, %dma_start3A_917] : memref<10240x128xf32, #tpu.memory_space<vmem_shared>> -> memref<64x128xf32, #tpu.memory_space<vmem_shared>>
      tpu.enqueue_dma source(%dma_start3A_918 : memref<64x128xf32, #tpu.memory_space<vmem_shared>>) target(%arg14 : memref<64x128xf32, #tpu.memory_space<vmem>>) target_semaphore(%run_scoped3A : memref<!tpu.dma_semaphore, #tpu.memory_space<semaphore_mem>>)
      %dma_wait3A_919 = arith.constant 0 : i32
      %dma_wait3A_920 = tpu.memref_slice %arg22[%add3A_902, %dma_wait3A_919] : memref<10240x128xf32, #tpu.memory_space<vmem_shared>> -> memref<64x128xf32, #tpu.memory_space<vmem_shared>>
      %dma_wait3A_921 = arith.constant 0 : i32
      %dma_wait3A_922 = tpu.memref_slice %arg22[%add3A_902, %dma_wait3A_921] : memref<10240x128xf32, #tpu.memory_space<vmem_shared>> -> memref<64x128xf32, #tpu.memory_space<vmem_shared>>
      tpu.wait_dma2 semaphore(%run_scoped3A : memref<!tpu.dma_semaphore, #tpu.memory_space<semaphore_mem>>) src(%dma_wait3A_922 : memref<64x128xf32, #tpu.memory_space<vmem_shared>>) dst(%arg14 : memref<64x128xf32, #tpu.memory_space<vmem>>)
      tpu.yield
    }) : () -> ()
    %add3A_903 = arith.constant 64 : i32
    %add3A_904 = arith.addi %add3A_902, %add3A_903 : i32
    "tpu.region"() ({
      %run_scoped3A = tpu.sem_alloc : memref<!tpu.dma_semaphore, #tpu.memory_space<semaphore_mem>>
      %dma_start3A_915 = arith.constant 0 : i32
      %dma_start3A_916 = tpu.memref_slice %arg22[%add3A_904, %dma_start3A_915] : memref<10240x128xf32, #tpu.memory_space<vmem_shared>> -> memref<64x128xf32, #tpu.memory_space<vmem_shared>>
      %dma_start3A_917 = arith.constant 0 : i32
      %dma_start3A_918 = tpu.memref_slice %arg22[%add3A_904, %dma_start3A_917] : memref<10240x128xf32, #tpu.memory_space<vmem_shared>> -> memref<64x128xf32, #tpu.memory_space<vmem_shared>>
      tpu.enqueue_dma source(%dma_start3A_918 : memref<64x128xf32, #tpu.memory_space<vmem_shared>>) target(%arg15 : memref<64x128xf32, #tpu.memory_space<vmem>>) target_semaphore(%run_scoped3A : memref<!tpu.dma_semaphore, #tpu.memory_space<semaphore_mem>>)
      %dma_wait3A_919 = arith.constant 0 : i32
      %dma_wait3A_920 = tpu.memref_slice %arg22[%add3A_904, %dma_wait3A_919] : memref<10240x128xf32, #tpu.memory_space<vmem_shared>> -> memref<64x128xf32, #tpu.memory_space<vmem_shared>>
      %dma_wait3A_921 = arith.constant 0 : i32
      %dma_wait3A_922 = tpu.memref_slice %arg22[%add3A_904, %dma_wait3A_921] : memref<10240x128xf32, #tpu.memory_space<vmem_shared>> -> memref<64x128xf32, #tpu.memory_space<vmem_shared>>
      tpu.wait_dma2 semaphore(%run_scoped3A : memref<!tpu.dma_semaphore, #tpu.memory_space<semaphore_mem>>) src(%dma_wait3A_922 : memref<64x128xf32, #tpu.memory_space<vmem_shared>>) dst(%arg15 : memref<64x128xf32, #tpu.memory_space<vmem>>)
      tpu.yield
    }) : () -> ()
    "tpu.region"() ({
      %run_scoped3A = tpu.sem_alloc : memref<!tpu.dma_semaphore, #tpu.memory_space<semaphore_mem>>
      %dma_start3A_915 = tpu.memref_slice %arg4[%add3A_902, %mul3A_874] : memref<10240x256xf32, #tpu.memory_space<hbm>> -> memref<64x128xf32, #tpu.memory_space<hbm>>
      %dma_start3A_916 = tpu.memref_slice %arg4[%add3A_902, %mul3A_874] : memref<10240x256xf32, #tpu.memory_space<hbm>> -> memref<64x128xf32, #tpu.memory_space<hbm>>
      tpu.enqueue_dma source(%arg14 : memref<64x128xf32, #tpu.memory_space<vmem>>) target(%dma_start3A_916 : memref<64x128xf32, #tpu.memory_space<hbm>>) target_semaphore(%run_scoped3A : memref<!tpu.dma_semaphore, #tpu.memory_space<semaphore_mem>>)
      %dma_wait3A_917 = tpu.memref_slice %arg4[%add3A_902, %mul3A_874] : memref<10240x256xf32, #tpu.memory_space<hbm>> -> memref<64x128xf32, #tpu.memory_space<hbm>>
      %dma_wait3A_918 = tpu.memref_slice %arg4[%add3A_902, %mul3A_874] : memref<10240x256xf32, #tpu.memory_space<hbm>> -> memref<64x128xf32, #tpu.memory_space<hbm>>
      tpu.wait_dma2 semaphore(%run_scoped3A : memref<!tpu.dma_semaphore, #tpu.memory_space<semaphore_mem>>) src(%arg14 : memref<64x128xf32, #tpu.memory_space<vmem>>) dst(%dma_wait3A_918 : memref<64x128xf32, #tpu.memory_space<hbm>>)
      tpu.yield
    }) : () -> ()
    %add3A_905 = arith.constant 64 : i32
    %add3A_906 = arith.addi %add3A_902, %add3A_905 : i32
    "tpu.region"() ({
      %run_scoped3A = tpu.sem_alloc : memref<!tpu.dma_semaphore, #tpu.memory_space<semaphore_mem>>
      %dma_start3A_915 = tpu.memref_slice %arg4[%add3A_906, %mul3A_874] : memref<10240x256xf32, #tpu.memory_space<hbm>> -> memref<64x128xf32, #tpu.memory_space<hbm>>
      %dma_start3A_916 = tpu.memref_slice %arg4[%add3A_906, %mul3A_874] : memref<10240x256xf32, #tpu.memory_space<hbm>> -> memref<64x128xf32, #tpu.memory_space<hbm>>
      tpu.enqueue_dma source(%arg15 : memref<64x128xf32, #tpu.memory_space<vmem>>) target(%dma_start3A_916 : memref<64x128xf32, #tpu.memory_space<hbm>>) target_semaphore(%run_scoped3A : memref<!tpu.dma_semaphore, #tpu.memory_space<semaphore_mem>>)
      %dma_wait3A_917 = tpu.memref_slice %arg4[%add3A_906, %mul3A_874] : memref<10240x256xf32, #tpu.memory_space<hbm>> -> memref<64x128xf32, #tpu.memory_space<hbm>>
      %dma_wait3A_918 = tpu.memref_slice %arg4[%add3A_906, %mul3A_874] : memref<10240x256xf32, #tpu.memory_space<hbm>> -> memref<64x128xf32, #tpu.memory_space<hbm>>
      tpu.wait_dma2 semaphore(%run_scoped3A : memref<!tpu.dma_semaphore, #tpu.memory_space<semaphore_mem>>) src(%arg15 : memref<64x128xf32, #tpu.memory_space<vmem>>) dst(%dma_wait3A_918 : memref<64x128xf32, #tpu.memory_space<hbm>>)
      tpu.yield
    }) : () -> ()
    %mul3A_907 = arith.constant 640 : i32
    %mul3A_908 = arith.muli %arg1, %mul3A_907 : i32
    %add3A_909 = arith.constant 512 : i32
    %add3A_910 = arith.addi %mul3A_908, %add3A_909 : i32
    "tpu.region"() ({
      %run_scoped3A = tpu.sem_alloc : memref<!tpu.dma_semaphore, #tpu.memory_space<semaphore_mem>>
      %dma_start3A_915 = arith.constant 0 : i32
      %dma_start3A_916 = tpu.memref_slice %arg22[%add3A_910, %dma_start3A_915] : memref<10240x128xf32, #tpu.memory_space<vmem_shared>> -> memref<64x128xf32, #tpu.memory_space<vmem_shared>>
      %dma_start3A_917 = arith.constant 0 : i32
      %dma_start3A_918 = tpu.memref_slice %arg22[%add3A_910, %dma_start3A_917] : memref<10240x128xf32, #tpu.memory_space<vmem_shared>> -> memref<64x128xf32, #tpu.memory_space<vmem_shared>>
      tpu.enqueue_dma source(%dma_start3A_918 : memref<64x128xf32, #tpu.memory_space<vmem_shared>>) target(%arg14 : memref<64x128xf32, #tpu.memory_space<vmem>>) target_semaphore(%run_scoped3A : memref<!tpu.dma_semaphore, #tpu.memory_space<semaphore_mem>>)
      %dma_wait3A_919 = arith.constant 0 : i32
      %dma_wait3A_920 = tpu.memref_slice %arg22[%add3A_910, %dma_wait3A_919] : memref<10240x128xf32, #tpu.memory_space<vmem_shared>> -> memref<64x128xf32, #tpu.memory_space<vmem_shared>>
      %dma_wait3A_921 = arith.constant 0 : i32
      %dma_wait3A_922 = tpu.memref_slice %arg22[%add3A_910, %dma_wait3A_921] : memref<10240x128xf32, #tpu.memory_space<vmem_shared>> -> memref<64x128xf32, #tpu.memory_space<vmem_shared>>
      tpu.wait_dma2 semaphore(%run_scoped3A : memref<!tpu.dma_semaphore, #tpu.memory_space<semaphore_mem>>) src(%dma_wait3A_922 : memref<64x128xf32, #tpu.memory_space<vmem_shared>>) dst(%arg14 : memref<64x128xf32, #tpu.memory_space<vmem>>)
      tpu.yield
    }) : () -> ()
    %add3A_911 = arith.constant 64 : i32
    %add3A_912 = arith.addi %add3A_910, %add3A_911 : i32
    "tpu.region"() ({
      %run_scoped3A = tpu.sem_alloc : memref<!tpu.dma_semaphore, #tpu.memory_space<semaphore_mem>>
      %dma_start3A_915 = arith.constant 0 : i32
      %dma_start3A_916 = tpu.memref_slice %arg22[%add3A_912, %dma_start3A_915] : memref<10240x128xf32, #tpu.memory_space<vmem_shared>> -> memref<64x128xf32, #tpu.memory_space<vmem_shared>>
      %dma_start3A_917 = arith.constant 0 : i32
      %dma_start3A_918 = tpu.memref_slice %arg22[%add3A_912, %dma_start3A_917] : memref<10240x128xf32, #tpu.memory_space<vmem_shared>> -> memref<64x128xf32, #tpu.memory_space<vmem_shared>>
      tpu.enqueue_dma source(%dma_start3A_918 : memref<64x128xf32, #tpu.memory_space<vmem_shared>>) target(%arg15 : memref<64x128xf32, #tpu.memory_space<vmem>>) target_semaphore(%run_scoped3A : memref<!tpu.dma_semaphore, #tpu.memory_space<semaphore_mem>>)
      %dma_wait3A_919 = arith.constant 0 : i32
      %dma_wait3A_920 = tpu.memref_slice %arg22[%add3A_912, %dma_wait3A_919] : memref<10240x128xf32, #tpu.memory_space<vmem_shared>> -> memref<64x128xf32, #tpu.memory_space<vmem_shared>>
      %dma_wait3A_921 = arith.constant 0 : i32
      %dma_wait3A_922 = tpu.memref_slice %arg22[%add3A_912, %dma_wait3A_921] : memref<10240x128xf32, #tpu.memory_space<vmem_shared>> -> memref<64x128xf32, #tpu.memory_space<vmem_shared>>
      tpu.wait_dma2 semaphore(%run_scoped3A : memref<!tpu.dma_semaphore, #tpu.memory_space<semaphore_mem>>) src(%dma_wait3A_922 : memref<64x128xf32, #tpu.memory_space<vmem_shared>>) dst(%arg15 : memref<64x128xf32, #tpu.memory_space<vmem>>)
      tpu.yield
    }) : () -> ()
    "tpu.region"() ({
      %run_scoped3A = tpu.sem_alloc : memref<!tpu.dma_semaphore, #tpu.memory_space<semaphore_mem>>
      %dma_start3A_915 = tpu.memref_slice %arg4[%add3A_910, %mul3A_874] : memref<10240x256xf32, #tpu.memory_space<hbm>> -> memref<64x128xf32, #tpu.memory_space<hbm>>
      %dma_start3A_916 = tpu.memref_slice %arg4[%add3A_910, %mul3A_874] : memref<10240x256xf32, #tpu.memory_space<hbm>> -> memref<64x128xf32, #tpu.memory_space<hbm>>
      tpu.enqueue_dma source(%arg14 : memref<64x128xf32, #tpu.memory_space<vmem>>) target(%dma_start3A_916 : memref<64x128xf32, #tpu.memory_space<hbm>>) target_semaphore(%run_scoped3A : memref<!tpu.dma_semaphore, #tpu.memory_space<semaphore_mem>>)
      %dma_wait3A_917 = tpu.memref_slice %arg4[%add3A_910, %mul3A_874] : memref<10240x256xf32, #tpu.memory_space<hbm>> -> memref<64x128xf32, #tpu.memory_space<hbm>>
      %dma_wait3A_918 = tpu.memref_slice %arg4[%add3A_910, %mul3A_874] : memref<10240x256xf32, #tpu.memory_space<hbm>> -> memref<64x128xf32, #tpu.memory_space<hbm>>
      tpu.wait_dma2 semaphore(%run_scoped3A : memref<!tpu.dma_semaphore, #tpu.memory_space<semaphore_mem>>) src(%arg14 : memref<64x128xf32, #tpu.memory_space<vmem>>) dst(%dma_wait3A_918 : memref<64x128xf32, #tpu.memory_space<hbm>>)
      tpu.yield
    }) : () -> ()
    %add3A_913 = arith.constant 64 : i32
    %add3A_914 = arith.addi %add3A_910, %add3A_913 : i32
    "tpu.region"() ({
      %run_scoped3A = tpu.sem_alloc : memref<!tpu.dma_semaphore, #tpu.memory_space<semaphore_mem>>
      %dma_start3A_915 = tpu.memref_slice %arg4[%add3A_914, %mul3A_874] : memref<10240x256xf32, #tpu.memory_space<hbm>> -> memref<64x128xf32, #tpu.memory_space<hbm>>
      %dma_start3A_916 = tpu.memref_slice %arg4[%add3A_914, %mul3A_874] : memref<10240x256xf32, #tpu.memory_space<hbm>> -> memref<64x128xf32, #tpu.memory_space<hbm>>
      tpu.enqueue_dma source(%arg15 : memref<64x128xf32, #tpu.memory_space<vmem>>) target(%dma_start3A_916 : memref<64x128xf32, #tpu.memory_space<hbm>>) target_semaphore(%run_scoped3A : memref<!tpu.dma_semaphore, #tpu.memory_space<semaphore_mem>>)
      %dma_wait3A_917 = tpu.memref_slice %arg4[%add3A_914, %mul3A_874] : memref<10240x256xf32, #tpu.memory_space<hbm>> -> memref<64x128xf32, #tpu.memory_space<hbm>>
      %dma_wait3A_918 = tpu.memref_slice %arg4[%add3A_914, %mul3A_874] : memref<10240x256xf32, #tpu.memory_space<hbm>> -> memref<64x128xf32, #tpu.memory_space<hbm>>
      tpu.wait_dma2 semaphore(%run_scoped3A : memref<!tpu.dma_semaphore, #tpu.memory_space<semaphore_mem>>) src(%arg15 : memref<64x128xf32, #tpu.memory_space<vmem>>) dst(%dma_wait3A_918 : memref<64x128xf32, #tpu.memory_space<hbm>>)
      tpu.yield
    }) : () -> ()
    return
  }
}

module attributes {stable_mosaic.version = 14 : i64} {
  func.func @_k2_body(%arg0: i32, %arg1: i32, %arg2: memref<512x256xf32, #tpu.memory_space<vmem>>, %arg3: memref<256x128xf32, #tpu.memory_space<vmem>>, %arg4: memref<2x512xf32, #tpu.memory_space<vmem>>, %arg5: memref<512x128xf32, #tpu.memory_space<vmem>>) attributes {dimension_semantics = [#tpu.dimension_semantics<arbitrary>, #tpu.dimension_semantics<arbitrary>], iteration_bounds = array<i64: 20, 2>, scalar_prefetch = 0 : i64, scratch_operands = 0 : i64, tpu.core_type = #tpu.core_type<tc>, window_params = [{transform_indices = @transform_0, window_bounds = array<i64: 512, 256>}, {transform_indices = @transform_1, window_bounds = array<i64: 256, 128>}, {transform_indices = @transform_2, window_bounds = array<i64: 2, 512>}, {transform_indices = @transform_3, window_bounds = array<i64: 512, 128>}]} {
    %get3A = arith.constant 0 : index
    %get3A_0 = arith.constant 0 : index
    %get3A_1 = vector.load %arg4[%get3A, %get3A_0] : memref<2x512xf32, #tpu.memory_space<vmem>>, vector<2x512xf32>
    %slice3A = vector.extract_strided_slice %get3A_1 {offsets = [0, 0], sizes = [1, 512], strides = [1, 1]} : vector<2x512xf32> to vector<1x512xf32>
    %squeeze3A = vector.shape_cast %slice3A : vector<1x512xf32> to vector<512xf32>
    %slice3A_2 = vector.extract_strided_slice %get3A_1 {offsets = [1, 0], sizes = [1, 512], strides = [1, 1]} : vector<2x512xf32> to vector<1x512xf32>
    %squeeze3A_3 = vector.shape_cast %slice3A_2 : vector<1x512xf32> to vector<512xf32>
    %add3A = arith.addf %squeeze3A, %squeeze3A_3 : vector<512xf32>
    %add3A_4 = arith.constant 1.000000e+00 : f32
    %add3A_5 = vector.broadcast %add3A_4 : f32 to vector<512xf32>
    %add3A_6 = arith.addf %add3A, %add3A_5 : vector<512xf32>
    %rsqrt3A = math.rsqrt %add3A_6 : vector<512xf32>
    %get3A_7 = arith.constant 0 : index
    %get3A_8 = arith.constant 0 : index
    %get3A_9 = vector.load %arg2[%get3A_7, %get3A_8] : memref<512x256xf32, #tpu.memory_space<vmem>>, vector<512x256xf32>
    %get3A_10 = arith.constant 0 : index
    %get3A_11 = arith.constant 0 : index
    %get3A_12 = vector.load %arg3[%get3A_10, %get3A_11] : memref<256x128xf32, #tpu.memory_space<vmem>>, vector<256x128xf32>
    %dot_general3A = arith.constant dense<0.000000e+00> : vector<512x128xf32>
    %dot_general3A_13 = tpu.matmul %get3A_9, %get3A_12, %dot_general3A {dimension_numbers = #tpu.dot_dimension_numbers<[1], [0], [0], [1], [0, 0, 1, 1], [], []>, transpose_lhs_hint = false} : vector<512x256xf32>, vector<256x128xf32>, vector<512x128xf32> -> vector<512x128xf32>
    %mul3A = arith.constant 512 : i32
    %mul3A_14 = arith.muli %arg0, %mul3A : i32
    %iota3A = tpu.iota {dimensions = array<i32: 0>} : vector<512x1xi32>
    %add3A_15 = vector.broadcast %mul3A_14 : i32 to vector<512x1xi32>
    %add3A_16 = arith.addi %add3A_15, %iota3A : vector<512x1xi32>
    %lt3A = arith.constant 10000 : i32
    %lt3A_17 = vector.broadcast %lt3A : i32 to vector<512x1xi32>
    %lt3A_18 = arith.cmpi slt, %add3A_16, %lt3A_17 : vector<512x1xi32>
    %broadcast_in_dim3A = vector.shape_cast %rsqrt3A : vector<512xf32> to vector<512x1xf32>
    %mul3A_19 = vector.broadcast %broadcast_in_dim3A : vector<512x1xf32> to vector<512x128xf32>
    %mul3A_20 = arith.mulf %dot_general3A_13, %mul3A_19 : vector<512x128xf32>
    %jit3A = arith.constant 0.000000e+00 : f32
    %broadcast_in_dim3A_21 = vector.shape_cast %lt3A_18 : vector<512x1xi1> to vector<512x1xi1>
    %broadcast_in_dim3A_22 = vector.broadcast %broadcast_in_dim3A_21 : vector<512x1xi1> to vector<512x128xi1>
    %broadcast_in_dim3A_23 = vector.broadcast %jit3A : f32 to vector<512x128xf32>
    %select_n3A = arith.select %broadcast_in_dim3A_22, %mul3A_20, %broadcast_in_dim3A_23 : vector<512x128xi1>, vector<512x128xf32>
    %swap3A = arith.constant 0 : index
    %swap3A_24 = arith.constant 0 : index
    %swap3A_25 = vector.load %arg5[%swap3A, %swap3A_24] : memref<512x128xf32, #tpu.memory_space<vmem>>, vector<512x128xf32>
    tpu.vector_store %arg5[%swap3A, %swap3A_24], %select_n3A {strides = array<i32>} : memref<512x128xf32, #tpu.memory_space<vmem>>, vector<512x128xf32>,
    return
  }
  func.func @transform_0(%arg0: i32, %arg1: i32) -> (i32, i32) {
    %c0_i32 = arith.constant 0 : i32
    %c0_i32_0 = arith.constant 0 : i32
    return %arg0, %c0_i32 : i32, i32
  }
  func.func @transform_1(%arg0: i32, %arg1: i32) -> (i32, i32) {
    %c0_i32 = arith.constant 0 : i32
    %c0_i32_0 = arith.constant 0 : i32
    return %c0_i32, %arg1 : i32, i32
  }
  func.func @transform_2(%arg0: i32, %arg1: i32) -> (i32, i32) {
    %c0_i32 = arith.constant 0 : i32
    %c0_i32_0 = arith.constant 0 : i32
    return %c0_i32, %arg0 : i32, i32
  }
  func.func @transform_3(%arg0: i32, %arg1: i32) -> (i32, i32) {
    %mul3A = arith.constant 20 : i32
    %mul3A_0 = arith.muli %arg1, %mul3A : i32
    %add3A = arith.addi %mul3A_0, %arg0 : i32
    %c0_i32 = arith.constant 0 : i32
    %c0_i32_1 = arith.constant 0 : i32
    return %add3A, %c0_i32 : i32, i32
  }
}

module attributes {stable_mosaic.version = 14 : i64} {
  func.func @_k4_body(%arg0: i32, %arg1: memref<1000x256xf32, #tpu.memory_space<vmem>>, %arg2: memref<1000x2xf32, #tpu.memory_space<vmem>>, %arg3: memref<1x256xf32, #tpu.memory_space<vmem>>, %arg4: memref<1000x256xf32, #tpu.memory_space<vmem>>) attributes {dimension_semantics = [#tpu.dimension_semantics<arbitrary>], iteration_bounds = array<i64: 10>, scalar_prefetch = 0 : i64, scratch_operands = 0 : i64, tpu.core_type = #tpu.core_type<tc>, window_params = [{transform_indices = @transform_0, window_bounds = array<i64: 1000, 256>}, {transform_indices = @transform_1, window_bounds = array<i64: 1000, 2>}, {pipeline_mode = #tpu.pipeline_mode<synchronous>, transform_indices = @transform_2, window_bounds = array<i64: 1, 256>}, {transform_indices = @transform_3, window_bounds = array<i64: 1000, 256>}]} {
    %get3A = arith.constant 0 : index
    %get3A_0 = arith.constant 0 : index
    %get3A_1 = vector.load %arg2[%get3A, %get3A_0] : memref<1000x2xf32, #tpu.memory_space<vmem>>, vector<1000x2xf32>
    %slice3A = vector.extract_strided_slice %get3A_1 {offsets = [0, 0], sizes = [1000, 1], strides = [1, 1]} : vector<1000x2xf32> to vector<1000x1xf32>
    %squeeze3A = vector.shape_cast %slice3A : vector<1000x1xf32> to vector<1000xf32>
    %slice3A_2 = vector.extract_strided_slice %get3A_1 {offsets = [0, 1], sizes = [1000, 1], strides = [1, 1]} : vector<1000x2xf32> to vector<1000x1xf32>
    %squeeze3A_3 = vector.shape_cast %slice3A_2 : vector<1000x1xf32> to vector<1000xf32>
    %add3A = arith.addf %squeeze3A, %squeeze3A_3 : vector<1000xf32>
    %add3A_4 = arith.constant 1.000000e+00 : f32
    %add3A_5 = vector.broadcast %add3A_4 : f32 to vector<1000xf32>
    %add3A_6 = arith.addf %add3A, %add3A_5 : vector<1000xf32>
    %rsqrt3A = math.rsqrt %add3A_6 : vector<1000xf32>
    %broadcast_in_dim3A = vector.shape_cast %rsqrt3A : vector<1000xf32> to vector<1000x1xf32>
    %get3A_7 = arith.constant 0 : index
    %get3A_8 = arith.constant 0 : index
    %get3A_9 = vector.load %arg1[%get3A_7, %get3A_8] : memref<1000x256xf32, #tpu.memory_space<vmem>>, vector<1000x256xf32>
    %mul3A = vector.broadcast %broadcast_in_dim3A : vector<1000x1xf32> to vector<1000x256xf32>
    %mul3A_10 = arith.mulf %get3A_9, %mul3A : vector<1000x256xf32>
    %get3A_11 = arith.constant 0 : index
    %get3A_12 = arith.constant 0 : index
    %get3A_13 = vector.load %arg3[%get3A_11, %get3A_12] : memref<1x256xf32, #tpu.memory_space<vmem>>, vector<1x256xf32>
    %add3A_14 = vector.broadcast %get3A_13 : vector<1x256xf32> to vector<1000x256xf32>
    %add3A_15 = arith.addf %mul3A_10, %add3A_14 : vector<1000x256xf32>
    %tanh3A = math.tanh %add3A_15 : vector<1000x256xf32>
    %swap3A = arith.constant 0 : index
    %swap3A_16 = arith.constant 0 : index
    %swap3A_17 = vector.load %arg4[%swap3A, %swap3A_16] : memref<1000x256xf32, #tpu.memory_space<vmem>>, vector<1000x256xf32>
    tpu.vector_store %arg4[%swap3A, %swap3A_16], %tanh3A {strides = array<i32>} : memref<1000x256xf32, #tpu.memory_space<vmem>>, vector<1000x256xf32>,
    return
  }
  func.func @transform_0(%arg0: i32) -> (i32, i32) {
    %c0_i32 = arith.constant 0 : i32
    %c0_i32_0 = arith.constant 0 : i32
    return %arg0, %c0_i32 : i32, i32
  }
  func.func @transform_1(%arg0: i32) -> (i32, i32) {
    %c0_i32 = arith.constant 0 : i32
    %c0_i32_0 = arith.constant 0 : i32
    return %arg0, %c0_i32 : i32, i32
  }
  func.func @transform_2(%arg0: i32) -> (i32, i32) {
    %c0_i32 = arith.constant 0 : i32
    %c0_i32_0 = arith.constant 0 : i32
    %c0_i32_1 = arith.constant 0 : i32
    return %c0_i32, %c0_i32_0 : i32, i32
  }
  func.func @transform_3(%arg0: i32) -> (i32, i32) {
    %c0_i32 = arith.constant 0 : i32
    %c0_i32_0 = arith.constant 0 : i32
    return %arg0, %c0_i32 : i32, i32
  }
}

</mosaic_0001>

<sc_bundles>
// kernel: kernel.6.cloned.1.call-start
scs
__scs_entry_jumppad:
0x0: {  	(pc) =	sbr.rel $0x88, $3  }
0x1: {  	(tag) =	ssettag $0x0;
	lr =	simm.s32 $0x1  }
0x2: {  	[smem:$0x3F9D] =	sst lr;
	_ =	strace $0xD0000000  }
0x3: {  	_ = 	snop  }
0x4: {  	_ = 	snop  }
0x5: {  	_ = 	snop  }
0x6: {  	_ = 	snop  }
0x7: {  	_ = 	snop  }
__scs_overlays_trampoline_lowered:
0x8: {  	[smem:$0x3FAC] =	sst s0  }
0x9: {  	[smem:$0x3FAD] =	sst s1  }
0xa: {  	[smem:$0x3FAE] =	sst s2  }
0xb: {  	[smem:$0x3FAF] =	sst s3  }
0xc: {  	[smem:$0x3FB0] =	sst s4  }
0xd: {  	[smem:$0x3FB1] =	sst s5  }
0xe: {  	[smem:$0x3FB2] =	sst s6  }
0xf: {  	[smem:$0x3FB3] =	sst s7  }
0x10: {  	[smem:$0x3FB4] =	sst s8  }
0x11: {  	[smem:$0x3FB5] =	sst s9;
	s0 =	simm.s32 @!p0 $0x0  }
0x12: {  	s1 =	sld [smem:$0x3F9B];
	s0 =	simm.s32 @p0 $0x1  }
0x13: {  	[smem:$0x3FB6] =	sst s0;
	s0 =	simm.s32 @!p1 $0x0  }
0x14: {  	s2 =	sld [smem:$0x3F9A];
	s0 =	simm.s32 @p1 $0x1  }
0x15: {  	[smem:$0x3FB7] =	sst s0;
	s0 =	simm.s32 @!p2 $0x0  }
0x16: {  	s3 =	sld [smem:$0x3FDB];
	s0 =	simm.s32 @p2 $0x1  }
0x17: {  	s4 =	simm.s32 $0x1BF5;
	[smem:$0x3FB9] =	sst s0  }
0x18: {  	s0 =	sld [smem:$0x3F9C];
	_ =	swait.ge [sflag:s4], $0x0  }
0x19: {  	s7 =	sld [smem:$0x3F9D]  }
0x1a: {  	s8 =	sadd.s32 $0xFFFFE003, lr  }
0x1b: {  	s9 =	sadd.s32 $0xFFFFFEF7, lr;
	s5 =	simm.s32 $0xFFFFFFFF;
	p2 =	slt.u32 s8, $0xFFFFF086  }
0x1c: {  	p1 =	slt.u32 s9, $0xF7A;
	s5 =	simm.s32 @!p2 $0x0  }
0x1d: {  	s5 =	simm.s32 @p1 $0x1;
	p0 =	seq.s32 s7, s2  }
0x1e: {  	s7 =	smul.u32 @!p0 $0xF7A, s2;
	p2 =	seq.s32 @!p0 s5, $0x0  }
0x1f: {  	s9 =	smul.u32 $0xF7A, s1;
	s8 =	simm.s32 @!p0 $0x1BF5;
	p2 =	por !p2, p0  }
0x20: {  	[sflag:s8] =	ssyncset.s32 @!p0 $0xFFFFF086;
	s6 =	sadd.s32 @!p0 s3, s7;
	s7 =	simm.s32 @!p0 $0x108  }
0x21: {  	s3 =	sadd.s32 s3, s9;
	s6 =	sadd.s32 @!p0 $0x88, s6;
	s7 =	simm.s32 @p2 $0x1082  }
0x22: {  	[simem:s7], [sflag:s8] =	dma.local @!p0 [hbm:s6], $0xF7A  }
0x23: {  	s9 =	sor.u32 $0xD0000000, s2;
	s6 =	simm.s32 $0x108;
	_ =	swait.ge @!p0 [sflag:s8], $0x0  }
0x24: {  	s3 =	sadd.s32 $0x88, s3;
	s6 =	simm.s32 @!p1 $0x1082;
	[sflag:s4] =	ssyncset.s32 $0xFFFFF086  }
0x25: {  	[simem:s6], [sflag:s4] =	dma.local [hbm:s3], $0xF7A  }
0x26: {  	[smem:$0x3F9D] =	sst s1;
	(tag) =	ssettag s2;
	_ =	strace s9  }
0x27: {  	s1 =	sld [smem:$0x3FAD]  }
0x28: {  	s2 =	sld [smem:$0x3FAE]  }
0x29: {  	s4 =	sld [smem:$0x3FB0]  }
0x2a: {  	p0 =	seq.s32 s5, $0x0;
	s5 =	sld [smem:$0x3FB1]  }
0x2b: {  	s6 =	sld [smem:$0x3FB2]  }
0x2c: {  	s7 =	sld [smem:$0x3FB3]  }
0x2d: {  	s3 =	simm.s32 $0x108;
	s8 =	sld [smem:$0x3FB4]  }
0x2e: {  	s3 =	simm.s32 @!p0 $0x1082;
	s9 =	sld [smem:$0x3FB5]  }
0x2f: {  	lr =	sadd.s32 s0, s3;
	s0 =	sld [smem:$0x3FAC]  }
0x30: {  	s3 =	sld [smem:$0x3FAF]  }
0x31: {  	[smem:$0x3FB8] =	sst s10  }
0x32: {  	s10 =	sld [smem:$0x3FB6];
	_ =	sdelay $0x3  }
0x33: {  	p0 =	seq.s32 s10, $0x1;
	s10 =	sld [smem:$0x3FB8];
	_ =	sdelay $0x3  }
0x34: {  	[smem:$0x3FB8] =	sst s10  }
0x35: {  	s10 =	sld [smem:$0x3FB7];
	_ =	sdelay $0x3  }
0x36: {  	p1 =	seq.s32 s10, $0x1;
	s10 =	sld [smem:$0x3FB8];
	_ =	sdelay $0x3  }
0x37: {  	[smem:$0x3FB8] =	sst s10  }
0x38: {  	s10 =	sld [smem:$0x3FB9]  }
0x39: {  	_ = 	snop;
	(pc) =	sbr.ind lr, $3  }
0x3a: {  	_ = 	snop  }
0x3b: {  	_ = 	snop  }
0x3c: {  	p2 =	seq.s32 s10, $0x1;
	s10 =	sld [smem:$0x3FB8]  }
0x3d: {  	_ =	shalt  }
0x3e: {  	_ =	shalt  }
0x3f: {  	_ =	shalt  }
0x40: {  	_ =	shalt  }
0x41: {  	_ =	shalt  }
0x42: {  	_ =	shalt  }
0x43: {  	_ =	shalt  }
0x44: {  	_ =	shalt  }
0x45: {  	_ =	shalt  }
0x46: {  	_ =	shalt  }
0x47: {  	_ =	shalt  }
0x48: {  	_ =	shalt  }
0x49: {  	_ =	shalt  }
0x4a: {  	_ =	shalt  }
0x4b: {  	_ =	shalt  }
0x4c: {  	_ =	shalt  }
0x4d: {  	_ =	shalt  }
0x4e: {  	_ =	shalt  }
0x4f: {  	_ =	shalt  }
0x50: {  	_ =	shalt  }
0x51: {  	_ =	shalt  }
0x52: {  	_ =	shalt  }
0x53: {  	_ =	shalt  }
0x54: {  	_ =	shalt  }
0x55: {  	_ =	shalt  }
0x56: {  	_ =	shalt  }
0x57: {  	_ =	shalt  }
0x58: {  	_ =	shalt  }
0x59: {  	_ =	shalt  }
0x5a: {  	_ =	shalt  }
0x5b: {  	_ =	shalt  }
0x5c: {  	_ =	shalt  }
0x5d: {  	_ =	shalt  }
0x5e: {  	_ =	shalt  }
0x5f: {  	_ =	shalt  }
0x60: {  	_ =	shalt  }
0x61: {  	_ =	shalt  }
0x62: {  	_ =	shalt  }
0x63: {  	_ =	shalt  }
0x64: {  	_ =	shalt  }
0x65: {  	_ =	shalt  }
0x66: {  	_ =	shalt  }
0x67: {  	_ =	shalt  }
0x68: {  	_ =	shalt  }
0x69: {  	_ =	shalt  }
0x6a: {  	_ =	shalt  }
0x6b: {  	_ =	shalt  }
0x6c: {  	_ =	shalt  }
0x6d: {  	_ =	shalt  }
0x6e: {  	_ =	shalt  }
0x6f: {  	_ =	shalt  }
0x70: {  	_ =	shalt  }
0x71: {  	_ =	shalt  }
0x72: {  	_ =	shalt  }
0x73: {  	_ =	shalt  }
0x74: {  	_ =	shalt  }
0x75: {  	_ =	shalt  }
0x76: {  	_ =	shalt  }
0x77: {  	_ =	shalt  }
0x78: {  	_ =	shalt  }
0x79: {  	_ =	shalt  }
0x7a: {  	_ =	shalt  }
0x7b: {  	_ =	shalt  }
0x7c: {  	_ =	shalt  }
0x7d: {  	_ =	shalt  }
0x7e: {  	_ =	shalt  }
0x7f: {  	_ =	shalt  }
0x80: {  	_ =	shalt  }
0x81: {  	_ =	shalt  }
0x82: {  	_ =	shalt  }
0x83: {  	_ =	shalt  }
0x84: {  	_ =	shalt  }
0x85: {  	_ =	shalt  }
0x86: {  	_ =	shalt  }
0x87: {  	_ =	shalt  }
.Lfunc_end0:
.L_simem_size_0:
called_computation_lowered:
.L_overlay_start_0:
0x88: {  	s2 =	sld [smem:$0x3FD9]  }
0x89: {  	s3 =	sld [smem:$0x3FFE];
	_ =	sdelay $0x1  }
0x8a: {  	s1 =	srdreg.scid  }
0x8b: {  	s0 =	sand.u32 $0x1, s1  }
0x8c: {  	s16 =	sshll.u32 s0, $0xA;
	s2 =	sadd.s32 s3, s2  }
0x8d: {  	s2 =	sadd.s32 s2, s16  }
0x8e: {  	[smem:$0x3FC4] =	sst s2  }
0x8f: {  	_ = 	snop  }
0x90: {  	(tm) =	ssettm $0x1  }
0x91: {  	s17 =	sld [smem:$0x3FFB];
	_ =	sdelay $0x3  }
0x92: {  	_ =	strace s17  }
0x93: {  	s2 =	sld [smem:$0x3FFC];
	_ =	sdelay $0x3  }
0x94: {  	_ =	strace s2  }
0x95: {  	s2 =	sld [smem:$0x3FFD];
	_ =	sdelay $0x3  }
0x96: {  	_ =	strace s2  }
0x97: {  	_ =	strace $0x8FFFFFFF  }
0x98: {  	s18 =	sld [smem:$0x3FDB];
	_ =	sdelay $0x1  }
0x99: {  	s19 =	simm.s32 $_scs_section_size  }
0x9a: {  	s4 =	simm.s32 $_size__tile_overlayer_lowered;
	s5 =	simm.s32 $_tile_overlayer_lowered  }
0x9b: {  	s22 =	simm.s32 $0x1BFF;
	s21 =	sshll.u32 s5, $0x1;
	s2 =	sadd.s32 s19, s18  }
0x9c: {  	s6 =	simm.s32 $0x0;
	s20 =	sshll.u32 s4, $0x1;
	s4 =	sadd.s32 s21, s2  }
0x9d: {  	[timem:s6], [sflag:s22] =	dma.local [hbm:s4], s20  }
0x9e: {  	_ =	swait.ge [sflag:s22], s20  }
0x9f: {  	s3 =	ssub.s32 $0x0, s20;
	[sflag:s22] =	ssyncset.done $0x0  }
0xa0: {  	[sflag:s22] =	ssyncadd.s32 s3;
	_ =	sdelay $0x1  }
0xa1: {  	s23 =	simm.s32 $0x1B8B  }
0xa2: {  	_ =	swait.ge [sflag:s23], $0x1  }
0xa3: {  	[sflag:s23] =	ssyncset.done $0x0  }
0xa4: {  	s25 =	simm.s32 $0x1B8E;
	s24 =	sld [smem:$0x3FFE];
	[sflag:s23] =	ssyncadd.s32 $0xFFFFFFFF  }
0xa5: {  	s26 =	simm.s32 $execute0_lowered;
	[smem:$0x3FD2] =	sst s25  }
0xa6: {  	s4 =	sshll.u32 s26, $0x1;
	_ =	strace $0x80000046;
	[dreg:$0x1] =	wrdreg $0xFFFFFFFF  }
0xa7: {  	s28 =	simm.s32 $_size_execute0_lowered;
	s2 =	sadd.s32 s2, s4;
	[dreg:$0x0] =	wrdreg $0x0  }
0xa8: {  	s4 =	sshll.u32 s28, $0x1;
	[dreg:$0x2] =	wrdreg s2  }
0xa9: {  	[dreg:$0x3] =	wrdreg s4  }
0xaa: {  	[dreg:$0x4] =	wrdreg $0xC0  }
0xab: {  	_ =	task [dreg:s6], $0x5FFFF  }
0xac: {  	[dreg:$0x1] =	wrdreg $0xFFFFFFFF  }
0xad: {  	[dreg:$0x0] =	wrdreg $0x60  }
0xae: {  	[dreg:$0x2] =	wrdreg s24  }
0xaf: {  	[dreg:$0x3] =	wrdreg $0x17000  }
0xb0: {  	[dreg:$0x4] =	wrdreg $0x9  }
0xb1: {  	_ =	task.clear_ibuf [dreg:s6], $0x5FFFF;
	_ =	strace $0x90000046  }
0xb2: {  	s29 =	simm.s32 $0x9;
	_ =	strace $0x80000048  }
0xb3: {  	_ =	swait.ge [sflag:s29], $0x1  }
0xb4: {  	[sflag:s29] =	ssyncadd.s32 $0xFFFFFFFF  }
0xb5: {  	_ =	strace $0x90000048  }
0xb6: {  	_ =	sfence  }
0xb7: {  	s30 =	sld [smem:$0x0];
	_ =	sdelay $0x2  }
0xb8: {  	s31 =	sshll.u32 s1, $0xD;
	s1 =	sshrl.u32 s1, $0x2  }
0xb9: {  	s3 =	sand.u32 $0x4000, s31;
	s1 =	sadd.s32 s1, s30  }
0xba: {  	s0 =	sor.u32 s3, s0;
	s1 =	sshll.u32 s1, $0x11  }
0xbb: {  	s0 =	sor.u32 s1, s0  }
0xbc: {  	s0 =	sadd.s32 $0x8F2B, s0  }
0xbd: {  	[sflag:s0] =	ssyncadd.remote.s32 $0x1  }
0xbe: {  	_ =	sfence.sel $0xFFFF  }
0xbf: {  	[dreg:$0x0] =	wrdreg $0xFFFFFFFF;
	(pc) =	sbr.abs _section_cstart, $3  }
0xc0: {  	[dreg:$0x1] =	wrdreg $0xFFFFFFFF  }
0xc1: {  	_ =	task.clear_ibuf [dreg:s6], $0x2FFFF;
	_ =	strace $0x9FFFFFFF  }
0xc2: {  	(tm) =	ssettm $0x7FFFFFFF  }
0xc3: {  	_ =	shalt  }
tec
execute0_lowered:
.L_overlay_start_1:
0x0: {  	(tag) =	ssettag $0x1  }
0x1: {  	s4 =	rddreg [dreg:$0x0]  }
0x2: {  	s2 =	rddreg [dreg:$0x1];
	s3 =	srdreg.scid  }
0x3: {  	s1 =	stileid.u32;
	s0 =	rddreg [dreg:$0x2];
	s10 =	simm.s32 $0x80  }
0x4: {  	s11 =	simm.s32 $0x1400;
	s5 =	sand.u32 $0x1, s3;
	s6 =	smul.u32 $0x280, s1  }
0x5: {  	s3 =	simm.s32 $0x0;
	s7 =	sshll.u32 s5, $0x4;
	s8 =	smul.u32 $0x2800, s5  }
0x6: {  	s12 =	simm.s32 $0x0;
	[smem:$0x7FF] =	sst s3;
	s7 =	sor.u32 s1, s7  }
0x7: {  	s5 =	ssub.s32 $0x2, s5;
	s7 =	smul.u32 $0x280, s7;
	s8 =	sadd.s32 s6, s8  }
0x8: {  	_ =	strace $0x80000047;
	s9 =	sshrl.u32 s5, $0x1;
	s8 =	sshrl.u32 s8, $0x3  }
0x9: {  	s9 =	ssub.s32 s5, s9;
	s7 =	sadd.s32 s7, s4;
	s8 =	sadd.s32 s8, s4  }
0xa: {  	s4 =	sadd.s32 s6, s2;
	s5 =	sadd.s32 $0xC00, s7;
	s6 =	sadd.s32 $0x5C00, s8  }
0xb: {  	v0 =	vimm.f32 $0.0e+00;
	v1 =	vimm.f32 $1.000000000e+00;
	s7 =	smax.u32 s9, $0x1;
	s8 =	simm.s32 $0x1480;
	s9 =	simm.s32 $0x1  }
.LBB2_1:
0xc: {  	[tilespmem:$0x1480] =	vst v0  }
0xd: {  	[tilespmem:$0x1490] =	vst v0  }
0xe: {  	[tilespmem:$0x14A0] =	vst v0  }
0xf: {  	[tilespmem:$0x14B0] =	vst v0  }
0x10: {  	[tilespmem:$0x14C0] =	vst v0  }
0x11: {  	[tilespmem:$0x14D0] =	vst v0  }
0x12: {  	[tilespmem:$0x14E0] =	vst v0  }
0x13: {  	[tilespmem:$0x14F0] =	vst v0  }
0x14: {  	[tilespmem:$0x1500] =	vst v0  }
0x15: {  	[tilespmem:$0x1510] =	vst v0  }
0x16: {  	[tilespmem:$0x1520] =	vst v0  }
0x17: {  	[tilespmem:$0x1530] =	vst v0  }
0x18: {  	[tilespmem:$0x1540] =	vst v0  }
0x19: {  	[tilespmem:$0x1550] =	vst v0  }
0x1a: {  	[tilespmem:$0x1560] =	vst v0  }
0x1b: {  	[tilespmem:$0x1570] =	vst v0  }
0x1c: {  	[tilespmem:$0x1580] =	vst v0  }
0x1d: {  	[tilespmem:$0x1590] =	vst v0  }
0x1e: {  	[tilespmem:$0x15A0] =	vst v0  }
0x1f: {  	[tilespmem:$0x15B0] =	vst v0  }
0x20: {  	[tilespmem:$0x15C0] =	vst v0  }
0x21: {  	[tilespmem:$0x15D0] =	vst v0  }
0x22: {  	[tilespmem:$0x15E0] =	vst v0  }
0x23: {  	[tilespmem:$0x15F0] =	vst v0  }
0x24: {  	[tilespmem:$0x1600] =	vst v0  }
0x25: {  	[tilespmem:$0x1610] =	vst v0  }
0x26: {  	[tilespmem:$0x1620] =	vst v0  }
0x27: {  	[tilespmem:$0x1630] =	vst v0  }
0x28: {  	[tilespmem:$0x1640] =	vst v0  }
0x29: {  	[tilespmem:$0x1650] =	vst v0  }
0x2a: {  	[tilespmem:$0x1660] =	vst v0  }
0x2b: {  	[tilespmem:$0x1670] =	vst v0  }
0x2c: {  	[tilespmem:$0x1680] =	vst v0  }
0x2d: {  	[tilespmem:$0x1690] =	vst v0  }
0x2e: {  	[tilespmem:$0x16A0] =	vst v0  }
0x2f: {  	[tilespmem:$0x16B0] =	vst v0  }
0x30: {  	[tilespmem:$0x16C0] =	vst v0  }
0x31: {  	[tilespmem:$0x16D0] =	vst v0  }
0x32: {  	[tilespmem:$0x16E0] =	vst v0  }
0x33: {  	[tilespmem:$0x16F0] =	vst v0  }
0x34: {  	[spmem:s4] =	stream.linear.scatter [tilespmem:s8], [sflag:$0x1], $0x280, $0x38;
	[tilespmem:$0x1980] =	vst v63  }
0x35: {  	_ =	swait.ge [sflag:s9], $0x280  }
0x36: {  	[sflag:s9] =	ssyncset.done $0x0  }
0x37: {  	[sflag:s9] =	ssyncadd.s32 $0xFFFFFD80  }
0x38: {  	[tilespmem:$0x1400] =	vst v1  }
0x39: {  	[tilespmem:$0x1410] =	vst v1  }
0x3a: {  	[tilespmem:$0x1420] =	vst v1  }
0x3b: {  	[tilespmem:$0x1430] =	vst v1  }
0x3c: {  	[tilespmem:$0x1440] =	vst v1  }
0x3d: {  	[tilespmem:$0x1450] =	vst v1  }
0x3e: {  	[tilespmem:$0x1460] =	vst v1  }
0x3f: {  	[tilespmem:$0x1470] =	vst v1  }
0x40: {  	[tilespmem:s3], [sflag:$0x1] =	stream.linear.gather [hbm4b:s5+s3], $0x1400, $0x38;
	[tilespmem:$0x1980] =	vst v63  }
0x41: {  	_ =	swait.ge [sflag:s9], $0x1400  }
0x42: {  	[sflag:s9] =	ssyncset.done $0x0  }
0x43: {  	[sflag:s9] =	ssyncadd.s32 $0xFFFFEC00  }
0x44: {  	s13 =	simm.s32 $0x0;
	[bflag:$0x0] =	sbarrier.arrive $0xFFFF  }
0x45: {  	[spmem:s2] =	stream.indirect.scatter.add.f32 [tilespmem:s11], [sflag:$0x1], $0x1, s13, s10, $0xb8;
	[tilespmem:$0x1980] =	vst v63  }
0x46: {  	_ =	swait.ge [sflag:s9], $0x80  }
0x47: {  	s13 =	simm.s32 $0x200;
	[sflag:s9] =	ssyncset.done $0x0  }
.LBB2_2:
0x48: {  	s14 =	sshra.s32 s13, $0x2;
	[sflag:s9] =	ssyncadd.s32 $0xFFFFFF80;
	p0 =	sne.s32 s13, $0x4E00  }
0x49: {  	[spmem:s2] =	stream.indirect.scatter.add.f32 [tilespmem:s11], [sflag:$0x1], $0x1, s14, s10, $0xb8;
	[tilespmem:$0x1980] =	vst v63  }
.Ltmp0:
0x4a: {  	_ = 	snop;
	(pc) =	sbr.rel @p0 .LBB2_2-.Ltmp0, $4  }
0x4b: {  	_ = 	snop  }
0x4c: {  	s13 =	sadd.s32 $0x200, s13  }
0x4d: {  	_ =	swait.ge [sflag:s9], $0x80  }
0x4e: {  	[sflag:s9] =	ssyncset.done $0x0  }
0x4f: {  	[sflag:s9] =	ssyncadd.s32 $0xFFFFFF80  }
0x50: {  	[bflag:$0x0] =	sbarrier.arrive $0xFFFF  }
0x51: {  	[tilespmem:s8], [sflag:$0x1] =	stream.linear.gather [spmem:s4], $0x280, $0x38;
	[tilespmem:$0x1980] =	vst v63  }
0x52: {  	s12 =	sadd.s32 $0x1, s12;
	_ =	swait.ge [sflag:s9], $0x280  }
0x53: {  	p0 =	sne.s32 s12, s7;
	[sflag:s9] =	ssyncset.done $0x0  }
.Ltmp1:
0x54: {  	[sflag:s9] =	ssyncadd.s32 $0xFFFFFD80;
	(pc) =	sbr.rel @p0 .LBB2_1-.Ltmp1, $4  }
0x55: {  	[hbm4b:s6+s3] =	stream.linear.scatter [tilespmem:s8], [sflag:$0x1], $0x280, $0x38;
	[tilespmem:$0x1980] =	vst v63  }
0x56: {  	_ =	swait.ge [sflag:s9], $0x280  }
0x57: {  	[sflag:s9] =	ssyncset.done $0x0  }
0x58: {  	[sflag:s9] =	ssyncadd.s32 $0xFFFFFD80  }
0x59: {  	_ =	sfence.sel $0x180000  }
0x5a: {  	[bflag:$0x0] =	sbarrier.arrive $0xFFFF  }
0x5b: {  	p0 =	sne.s32 s1, $0x0;
	_ =	strace $0x90000047  }
0x5c: {  	s0 =	sadd.s32 @!p0 $0x100000, s0;
	[bflag:$0x2] =	sbarrier.arrive $0xFFFF  }
0x5d: {  	[sflag:s0] =	ssyncadd.tile.s32 @!p0 $0x1;
	_ =	shalt  }
.Lfunc_end2:
_tile_overlayer_lowered:
.L_overlay_start_2:
0x5e: {  	(tag) =	ssettag $0x2  }
0x5f: {  	s0 =	rddreg [dreg:$0x0];
	s2 =	stileid.u32  }
0x60: {  	s1 =	rddreg [dreg:$0x1];
	p0 =	sne.s32 s2, $0x0  }
0x61: {  	s3 =	rddreg [dreg:$0x2];
	[bflag:$0x3] =	sbarrier.arrive $0xFFFF;
	s2 =	simm.s32 @!p0 $0x1C01  }
0x62: {  	[timem:s3], [sflag:s2] =	dma.local @!p0 [hbm:s0], s1  }
0x63: {  	s0 =	simm.s32 @!p0 $0x1  }
0x64: {  	_ =	swait.ge @!p0 [sflag:s0], s1  }
0x65: {  	s1 =	ssub.s32 @!p0 $0x0, s1;
	[sflag:s0] =	ssyncset.done @!p0 $0x0  }
0x66: {  	[sflag:s0] =	ssyncadd.s32 @!p0 s1  }
0x67: {  	[bflag:$0x3] =	sbarrier.arrive $0xFFFF  }
0x68: {  	_ =	shalt  }

// kernel: kernel.9.cloned.1.call-start
scs
__scs_entry_jumppad:
0x0: {  	(pc) =	sbr.rel $0x88, $3  }
0x1: {  	(tag) =	ssettag $0x0;
	lr =	simm.s32 $0x1  }
0x2: {  	[smem:$0x3F9D] =	sst lr;
	_ =	strace $0xD0000000  }
0x3: {  	_ = 	snop  }
0x4: {  	_ = 	snop  }
0x5: {  	_ = 	snop  }
0x6: {  	_ = 	snop  }
0x7: {  	_ = 	snop  }
__scs_overlays_trampoline_lowered:
0x8: {  	[smem:$0x3FAC] =	sst s0  }
0x9: {  	[smem:$0x3FAD] =	sst s1  }
0xa: {  	[smem:$0x3FAE] =	sst s2  }
0xb: {  	[smem:$0x3FAF] =	sst s3  }
0xc: {  	[smem:$0x3FB0] =	sst s4  }
0xd: {  	[smem:$0x3FB1] =	sst s5  }
0xe: {  	[smem:$0x3FB2] =	sst s6  }
0xf: {  	[smem:$0x3FB3] =	sst s7  }
0x10: {  	[smem:$0x3FB4] =	sst s8  }
0x11: {  	[smem:$0x3FB5] =	sst s9;
	s0 =	simm.s32 @!p0 $0x0  }
0x12: {  	s1 =	sld [smem:$0x3F9B];
	s0 =	simm.s32 @p0 $0x1  }
0x13: {  	[smem:$0x3FB6] =	sst s0;
	s0 =	simm.s32 @!p1 $0x0  }
0x14: {  	s2 =	sld [smem:$0x3F9A];
	s0 =	simm.s32 @p1 $0x1  }
0x15: {  	[smem:$0x3FB7] =	sst s0;
	s0 =	simm.s32 @!p2 $0x0  }
0x16: {  	s3 =	sld [smem:$0x3FDB];
	s0 =	simm.s32 @p2 $0x1  }
0x17: {  	s4 =	simm.s32 $0x1BF5;
	[smem:$0x3FB9] =	sst s0  }
0x18: {  	s0 =	sld [smem:$0x3F9C];
	_ =	swait.ge [sflag:s4], $0x0  }
0x19: {  	s7 =	sld [smem:$0x3F9D]  }
0x1a: {  	s8 =	sadd.s32 $0xFFFFE003, lr  }
0x1b: {  	s9 =	sadd.s32 $0xFFFFFEF7, lr;
	s5 =	simm.s32 $0xFFFFFFFF;
	p2 =	slt.u32 s8, $0xFFFFF086  }
0x1c: {  	p1 =	slt.u32 s9, $0xF7A;
	s5 =	simm.s32 @!p2 $0x0  }
0x1d: {  	s5 =	simm.s32 @p1 $0x1;
	p0 =	seq.s32 s7, s2  }
0x1e: {  	s7 =	smul.u32 @!p0 $0xF7A, s2;
	p2 =	seq.s32 @!p0 s5, $0x0  }
0x1f: {  	s9 =	smul.u32 $0xF7A, s1;
	s8 =	simm.s32 @!p0 $0x1BF5;
	p2 =	por !p2, p0  }
0x20: {  	[sflag:s8] =	ssyncset.s32 @!p0 $0xFFFFF086;
	s6 =	sadd.s32 @!p0 s3, s7;
	s7 =	simm.s32 @!p0 $0x108  }
0x21: {  	s3 =	sadd.s32 s3, s9;
	s6 =	sadd.s32 @!p0 $0x88, s6;
	s7 =	simm.s32 @p2 $0x1082  }
0x22: {  	[simem:s7], [sflag:s8] =	dma.local @!p0 [hbm:s6], $0xF7A  }
0x23: {  	s9 =	sor.u32 $0xD0000000, s2;
	s6 =	simm.s32 $0x108;
	_ =	swait.ge @!p0 [sflag:s8], $0x0  }
0x24: {  	s3 =	sadd.s32 $0x88, s3;
	s6 =	simm.s32 @!p1 $0x1082;
	[sflag:s4] =	ssyncset.s32 $0xFFFFF086  }
0x25: {  	[simem:s6], [sflag:s4] =	dma.local [hbm:s3], $0xF7A  }
0x26: {  	[smem:$0x3F9D] =	sst s1;
	(tag) =	ssettag s2;
	_ =	strace s9  }
0x27: {  	s1 =	sld [smem:$0x3FAD]  }
0x28: {  	s2 =	sld [smem:$0x3FAE]  }
0x29: {  	s4 =	sld [smem:$0x3FB0]  }
0x2a: {  	p0 =	seq.s32 s5, $0x0;
	s5 =	sld [smem:$0x3FB1]  }
0x2b: {  	s6 =	sld [smem:$0x3FB2]  }
0x2c: {  	s7 =	sld [smem:$0x3FB3]  }
0x2d: {  	s3 =	simm.s32 $0x108;
	s8 =	sld [smem:$0x3FB4]  }
0x2e: {  	s3 =	simm.s32 @!p0 $0x1082;
	s9 =	sld [smem:$0x3FB5]  }
0x2f: {  	lr =	sadd.s32 s0, s3;
	s0 =	sld [smem:$0x3FAC]  }
0x30: {  	s3 =	sld [smem:$0x3FAF]  }
0x31: {  	[smem:$0x3FB8] =	sst s10  }
0x32: {  	s10 =	sld [smem:$0x3FB6];
	_ =	sdelay $0x3  }
0x33: {  	p0 =	seq.s32 s10, $0x1;
	s10 =	sld [smem:$0x3FB8];
	_ =	sdelay $0x3  }
0x34: {  	[smem:$0x3FB8] =	sst s10  }
0x35: {  	s10 =	sld [smem:$0x3FB7];
	_ =	sdelay $0x3  }
0x36: {  	p1 =	seq.s32 s10, $0x1;
	s10 =	sld [smem:$0x3FB8];
	_ =	sdelay $0x3  }
0x37: {  	[smem:$0x3FB8] =	sst s10  }
0x38: {  	s10 =	sld [smem:$0x3FB9]  }
0x39: {  	_ = 	snop;
	(pc) =	sbr.ind lr, $3  }
0x3a: {  	_ = 	snop  }
0x3b: {  	_ = 	snop  }
0x3c: {  	p2 =	seq.s32 s10, $0x1;
	s10 =	sld [smem:$0x3FB8]  }
0x3d: {  	_ =	shalt  }
0x3e: {  	_ =	shalt  }
0x3f: {  	_ =	shalt  }
0x40: {  	_ =	shalt  }
0x41: {  	_ =	shalt  }
0x42: {  	_ =	shalt  }
0x43: {  	_ =	shalt  }
0x44: {  	_ =	shalt  }
0x45: {  	_ =	shalt  }
0x46: {  	_ =	shalt  }
0x47: {  	_ =	shalt  }
0x48: {  	_ =	shalt  }
0x49: {  	_ =	shalt  }
0x4a: {  	_ =	shalt  }
0x4b: {  	_ =	shalt  }
0x4c: {  	_ =	shalt  }
0x4d: {  	_ =	shalt  }
0x4e: {  	_ =	shalt  }
0x4f: {  	_ =	shalt  }
0x50: {  	_ =	shalt  }
0x51: {  	_ =	shalt  }
0x52: {  	_ =	shalt  }
0x53: {  	_ =	shalt  }
0x54: {  	_ =	shalt  }
0x55: {  	_ =	shalt  }
0x56: {  	_ =	shalt  }
0x57: {  	_ =	shalt  }
0x58: {  	_ =	shalt  }
0x59: {  	_ =	shalt  }
0x5a: {  	_ =	shalt  }
0x5b: {  	_ =	shalt  }
0x5c: {  	_ =	shalt  }
0x5d: {  	_ =	shalt  }
0x5e: {  	_ =	shalt  }
0x5f: {  	_ =	shalt  }
0x60: {  	_ =	shalt  }
0x61: {  	_ =	shalt  }
0x62: {  	_ =	shalt  }
0x63: {  	_ =	shalt  }
0x64: {  	_ =	shalt  }
0x65: {  	_ =	shalt  }
0x66: {  	_ =	shalt  }
0x67: {  	_ =	shalt  }
0x68: {  	_ =	shalt  }
0x69: {  	_ =	shalt  }
0x6a: {  	_ =	shalt  }
0x6b: {  	_ =	shalt  }
0x6c: {  	_ =	shalt  }
0x6d: {  	_ =	shalt  }
0x6e: {  	_ =	shalt  }
0x6f: {  	_ =	shalt  }
0x70: {  	_ =	shalt  }
0x71: {  	_ =	shalt  }
0x72: {  	_ =	shalt  }
0x73: {  	_ =	shalt  }
0x74: {  	_ =	shalt  }
0x75: {  	_ =	shalt  }
0x76: {  	_ =	shalt  }
0x77: {  	_ =	shalt  }
0x78: {  	_ =	shalt  }
0x79: {  	_ =	shalt  }
0x7a: {  	_ =	shalt  }
0x7b: {  	_ =	shalt  }
0x7c: {  	_ =	shalt  }
0x7d: {  	_ =	shalt  }
0x7e: {  	_ =	shalt  }
0x7f: {  	_ =	shalt  }
0x80: {  	_ =	shalt  }
0x81: {  	_ =	shalt  }
0x82: {  	_ =	shalt  }
0x83: {  	_ =	shalt  }
0x84: {  	_ =	shalt  }
0x85: {  	_ =	shalt  }
0x86: {  	_ =	shalt  }
0x87: {  	_ =	shalt  }
.Lfunc_end0:
.L_simem_size_0:
called_computation.1_lowered:
.L_overlay_start_0:
0x88: {  	s2 =	sld [smem:$0x3FD9]  }
0x89: {  	s3 =	sld [smem:$0x3FFE];
	_ =	sdelay $0x1  }
0x8a: {  	s1 =	srdreg.scid  }
0x8b: {  	s0 =	sand.u32 $0x1, s1  }
0x8c: {  	s17 =	sshll.u32 s0, $0xA;
	s2 =	sadd.s32 s3, s2  }
0x8d: {  	s2 =	sadd.s32 s2, s17  }
0x8e: {  	[smem:$0x3FC4] =	sst s2  }
0x8f: {  	_ = 	snop  }
0x90: {  	s2 =	sld [smem:$0x3FD0];
	(tm) =	ssettm $0x1  }
0x91: {  	s18 =	sld [smem:$0x3FFB];
	_ =	sdelay $0x3  }
0x92: {  	_ =	strace s18  }
0x93: {  	s3 =	sld [smem:$0x3FFC];
	_ =	sdelay $0x3  }
0x94: {  	_ =	strace s3  }
0x95: {  	s3 =	sld [smem:$0x3FFD];
	_ =	sdelay $0x3  }
0x96: {  	_ =	strace s3  }
0x97: {  	_ =	strace $0x8FFFFFFF  }
0x98: {  	s19 =	sld [smem:$0x3FDB];
	_ =	sdelay $0x1  }
0x99: {  	s4 =	simm.s32 $_scs_section_size  }
0x9a: {  	s5 =	simm.s32 $_size__tile_overlayer_lowered;
	s6 =	simm.s32 $_tile_overlayer_lowered  }
0x9b: {  	s22 =	simm.s32 $0x1BFF;
	s21 =	sshll.u32 s6, $0x1;
	s3 =	sadd.s32 s4, s19  }
0x9c: {  	s7 =	simm.s32 $0x0;
	s20 =	sshll.u32 s5, $0x1;
	s5 =	sadd.s32 s21, s3  }
0x9d: {  	[timem:s7], [sflag:s22] =	dma.local [hbm:s5], s20  }
0x9e: {  	_ =	swait.ge [sflag:s22], s20  }
0x9f: {  	s4 =	ssub.s32 $0x0, s20;
	[sflag:s22] =	ssyncset.done $0x0  }
0xa0: {  	[sflag:s22] =	ssyncadd.s32 s4;
	_ =	sdelay $0x1  }
0xa1: {  	s23 =	simm.s32 $0x1B8B  }
0xa2: {  	_ =	swait.ge [sflag:s23], $0x1  }
0xa3: {  	[sflag:s23] =	ssyncset.done $0x0  }
0xa4: {  	s25 =	simm.s32 $0x1B8E;
	s24 =	sld [smem:$0x3FFE];
	[sflag:s23] =	ssyncadd.s32 $0xFFFFFFFF  }
0xa5: {  	s26 =	simm.s32 $execute0_lowered;
	[smem:$0x3FD2] =	sst s25  }
0xa6: {  	s5 =	sshll.u32 s26, $0x1;
	_ =	strace $0x80000049;
	[dreg:$0x1] =	wrdreg $0xFFFFFFFF  }
0xa7: {  	s28 =	simm.s32 $_size_execute0_lowered;
	s3 =	sadd.s32 s3, s5;
	[dreg:$0x0] =	wrdreg $0x0  }
0xa8: {  	s5 =	sshll.u32 s28, $0x1;
	[dreg:$0x2] =	wrdreg s3  }
0xa9: {  	[dreg:$0x3] =	wrdreg s5  }
0xaa: {  	[dreg:$0x4] =	wrdreg $0xC0  }
0xab: {  	_ =	task [dreg:s7], $0x5FFFF  }
0xac: {  	[dreg:$0x1] =	wrdreg $0xFFFFFFFF  }
0xad: {  	[dreg:$0x0] =	wrdreg $0x60  }
0xae: {  	[dreg:$0x2] =	wrdreg s24  }
0xaf: {  	[dreg:$0x3] =	wrdreg s2  }
0xb0: {  	[dreg:$0x4] =	wrdreg $0xAC000  }
0xb1: {  	[dreg:$0x5] =	wrdreg $0x9  }
0xb2: {  	_ =	task.clear_ibuf [dreg:s7], $0x6FFFF;
	_ =	strace $0x90000049  }
0xb3: {  	s29 =	simm.s32 $0x9;
	_ =	strace $0x8000004B  }
0xb4: {  	_ =	swait.ge [sflag:s29], $0x1  }
0xb5: {  	[sflag:s29] =	ssyncadd.s32 $0xFFFFFFFF  }
0xb6: {  	_ =	strace $0x9000004B  }
0xb7: {  	_ =	sfence  }
0xb8: {  	s30 =	sld [smem:$0x0];
	_ =	sdelay $0x2  }
0xb9: {  	s31 =	sshll.u32 s1, $0xD;
	s1 =	sshrl.u32 s1, $0x2  }
0xba: {  	s3 =	sand.u32 $0x4000, s31;
	s1 =	sadd.s32 s1, s30  }
0xbb: {  	s0 =	sor.u32 s3, s0;
	s1 =	sshll.u32 s1, $0x11  }
0xbc: {  	s0 =	sor.u32 s1, s0  }
0xbd: {  	s0 =	sadd.s32 $0x8F2B, s0  }
0xbe: {  	[sflag:s0] =	ssyncadd.remote.s32 $0x1  }
0xbf: {  	_ =	sfence.sel $0xFFFF  }
0xc0: {  	[dreg:$0x0] =	wrdreg $0xFFFFFFFF;
	(pc) =	sbr.abs _section_cstart, $3  }
0xc1: {  	[dreg:$0x1] =	wrdreg $0xFFFFFFFF  }
0xc2: {  	_ =	task.clear_ibuf [dreg:s7], $0x2FFFF;
	_ =	strace $0x9FFFFFFF  }
0xc3: {  	(tm) =	ssettm $0x7FFFFFFF  }
tec
execute0_lowered:
.L_overlay_start_1:
0x0: {  	(tag) =	ssettag $0x1  }
0x1: {  	s0 =	srdreg.scid  }
0x2: {  	s25 =	stileid.u32;
	s11 =	rddreg [dreg:$0x0]  }
0x3: {  	s14 =	rddreg [dreg:$0x1];
	s12 =	smul.u32 $0x280, s25  }
0x4: {  	s1 =	simm.s32 $0x0;
	s29 =	simm.s32 $0x2A80;
	s15 =	smul.u32 $0x500, s25  }
0x5: {  	s31 =	simm.s32 $0x3;
	s13 =	sand.u32 $0x1, s0;
	s16 =	smul.u32 $0x28000, s25  }
0x6: {  	[smem:$0x7FF] =	sst s1;
	s0 =	ssub.s32 $0x2, s13;
	s17 =	sshll.u32 s13, $0xA  }
0x7: {  	s1 =	smul.u32 $0x2800, s13;
	s2 =	sshrl.u32 s0, $0x1;
	s10 =	sor.u32 $0x40, s12  }
0x8: {  	s9 =	sadd.s32 $0x80, s12;
	s8 =	sadd.s32 $0xC0, s12;
	s7 =	sadd.s32 $0x100, s12  }
0x9: {  	s6 =	sadd.s32 $0x140, s12;
	s5 =	sadd.s32 $0x180, s12;
	s4 =	sadd.s32 $0x1C0, s12  }
0xa: {  	s26 =	sadd.s32 $0x200, s12;
	s3 =	sadd.s32 $0x240, s12;
	s14 =	sadd.s32 s14, s15  }
0xb: {  	s0 =	ssub.s32 s0, s2;
	[dreg:$0x4] =	wrdreg s14;
	s14 =	sor.u32 s17, s16  }
0xc: {  	s19 =	sshll.u32 s10, $0x8;
	s20 =	sshll.u32 s9, $0x8;
	s18 =	sshll.u32 s8, $0x8  }
0xd: {  	s21 =	sshll.u32 s5, $0x8;
	s22 =	sshll.u32 s4, $0x8;
	s23 =	sshll.u32 s26, $0x8  }
0xe: {  	s24 =	sshll.u32 s3, $0x8;
	s12 =	sadd.s32 s12, s1;
	s15 =	sor.u32 s17, s19  }
0xf: {  	s16 =	sor.u32 s17, s20;
	s18 =	sor.u32 s17, s18;
	s19 =	sshll.u32 s7, $0x8  }
0x10: {  	s20 =	sshll.u32 s6, $0x8;
	s22 =	sor.u32 s17, s22;
	s23 =	sor.u32 s17, s23  }
0x11: {  	s24 =	sor.u32 s17, s24;
	s12 =	sshll.u32 s12, $0x4;
	s0 =	smax.u32 s0, $0x1  }
0x12: {  	s2 =	sor.u32 s17, s19;
	s20 =	sor.u32 s17, s20;
	s19 =	sor.u32 s17, s21  }
0x13: {  	s21 =	sshrl.u32 s14, $0x3;
	s14 =	sadd.s32 $0x50C00, s11;
	s15 =	sshrl.u32 s15, $0x3  }
0x14: {  	s17 =	sshrl.u32 s16, $0x3;
	s24 =	sshrl.u32 s24, $0x3;
	s13 =	sadd.s32 s14, s21  }
0x15: {  	s21 =	sadd.s32 s14, s17;
	s16 =	sshrl.u32 s2, $0x3;
	s17 =	sshrl.u32 s20, $0x3  }
0x16: {  	s20 =	sshrl.u32 s19, $0x3;
	s2 =	smul.u32 $0x50000, s25;
	[dreg:$0x5] =	wrdreg s13  }
0x17: {  	s13 =	sadd.s32 s14, s15;
	[dreg:$0x7] =	wrdreg s21;
	s15 =	sshrl.u32 s18, $0x3  }
0x18: {  	s18 =	sadd.s32 s14, s17;
	s21 =	sshrl.u32 s22, $0x3;
	[dreg:$0x6] =	wrdreg s13  }
0x19: {  	s22 =	sshrl.u32 s23, $0x3;
	s13 =	sadd.s32 s14, s15;
	[dreg:$0xa] =	wrdreg s18  }
0x1a: {  	s19 =	sadd.s32 s1, s9;
	s23 =	sadd.s32 s14, s22;
	[dreg:$0x8] =	wrdreg s13  }
0x1b: {  	s9 =	sshll.u32 s9, $0x7;
	s13 =	sadd.s32 s14, s16;
	[dreg:$0xd] =	wrdreg s23  }
0x1c: {  	s15 =	sadd.s32 $0xC00, s11;
	[dreg:$0x9] =	wrdreg s13;
	s13 =	sadd.s32 s14, s20  }
0x1d: {  	s17 =	sshrl.u32 s2, $0x2;
	[dreg:$0xb] =	wrdreg s13;
	s13 =	sadd.s32 s14, s21  }
0x1e: {  	s18 =	sadd.s32 s1, s10;
	s10 =	sshll.u32 s10, $0x7;
	[dreg:$0xc] =	wrdreg s13  }
0x1f: {  	s11 =	sadd.s32 s15, s12;
	s14 =	sadd.s32 s14, s24;
	s13 =	rddreg [dreg:$0x2]  }
0x20: {  	s21 =	sshll.u32 s19, $0x4;
	[dreg:$0xe] =	wrdreg s14;
	s14 =	smov.u32 s1  }
0x21: {  	_ =	strace $0x8000004A;
	[dreg:$0xf] =	wrdreg s11;
	s25 =	sadd.s32 s17, s13  }
0x22: {  	s11 =	sshll.u32 s18, $0x4;
	s20 =	sadd.s32 s10, s13;
	s10 =	sadd.s32 s15, s21  }
0x23: {  	s22 =	sadd.s32 s14, s8;
	s28 =	sadd.s32 s9, s13;
	s8 =	sshll.u32 s8, $0x7  }
0x24: {  	s24 =	sadd.s32 s14, s7;
	s7 =	sshll.u32 s7, $0x7;
	s1 =	sadd.s32 s14, s6  }
0x25: {  	s6 =	sshll.u32 s6, $0x7;
	s16 =	sadd.s32 s14, s4;
	s4 =	sshll.u32 s4, $0x7  }
0x26: {  	s18 =	sadd.s32 s14, s26;
	s21 =	sshll.u32 s26, $0x7;
	[smem:$0x7FB] =	sst s0  }
0x27: {  	s26 =	simm.s32 $0x2;
	s0 =	simm.s32 $0x2B00;
	[dreg:$0x1a] =	wrdreg s20  }
0x28: {  	s11 =	sadd.s32 s15, s11;
	[dreg:$0x11] =	wrdreg s10;
	s23 =	sshll.u32 s22, $0x4  }
0x29: {  	s30 =	sadd.s32 s8, s13;
	s8 =	sshll.u32 s24, $0x4;
	[dreg:$0x12] =	wrdreg s28  }
0x2a: {  	s2 =	sadd.s32 s7, s13;
	s10 =	sshll.u32 s1, $0x4;
	[dreg:$0x14] =	wrdreg s25  }
0x2b: {  	s1 =	sadd.s32 s6, s13;
	s19 =	sadd.s32 s4, s13;
	[dreg:$0x10] =	wrdreg s11  }
0x2c: {  	s20 =	sshll.u32 s18, $0x4;
	s22 =	sadd.s32 s14, s3;
	[dreg:$0x16] =	wrdreg s2  }
0x2d: {  	s21 =	sadd.s32 s21, s13;
	s3 =	sshll.u32 s3, $0x7;
	[dreg:$0x17] =	wrdreg s30  }
0x2e: {  	s18 =	simm.s32 $0x2980;
	s24 =	simm.s32 $0x2A00;
	[dreg:$0x19] =	wrdreg s1  }
0x2f: {  	s9 =	sadd.s32 s15, s23;
	s8 =	sadd.s32 s15, s8;
	[dreg:$0x1e] =	wrdreg s19  }
0x30: {  	s7 =	sadd.s32 s15, s10;
	s11 =	sadd.s32 s14, s5;
	[smem:$0x7FC] =	sst s21  }
0x31: {  	s5 =	sshll.u32 s5, $0x7;
	s4 =	sadd.s32 s15, s20;
	[dreg:$0x13] =	wrdreg s9  }
0x32: {  	s23 =	smov.u32 s14;
	s14 =	simm.s32 $0x2900;
	[dreg:$0x15] =	wrdreg s8  }
0x33: {  	s20 =	simm.s32 $0x8C00;
	[dreg:$0x18] =	wrdreg s7;
	s12 =	sshll.u32 s11, $0x4  }
0x34: {  	s17 =	sadd.s32 s5, s13;
	s5 =	sshll.u32 s16, $0x4;
	[dreg:$0x1f] =	wrdreg s4  }
0x35: {  	s4 =	sshll.u32 s22, $0x4;
	s7 =	simm.s32 $0x5;
	s8 =	simm.s32 $0x40  }
0x36: {  	s9 =	simm.s32 $0x2800;
	s11 =	simm.s32 $0x2880;
	s16 =	simm.s32 $0x6C00  }
0x37: {  	s22 =	simm.s32 $0x1;
	s6 =	sadd.s32 s15, s12;
	[dreg:$0x1c] =	wrdreg s17  }
0x38: {  	v0 =	vmov s23;
	s23 =	simm.s32 $0x0;
	s5 =	sadd.s32 s15, s5;
	[dreg:$0x1b] =	wrdreg s6  }
0x39: {  	s4 =	sadd.s32 s15, s4;
	s12 =	simm.s32 $0x4C00;
	[dreg:$0x1d] =	wrdreg s5  }
0x3a: {  	[smem:$0x7FA] =	sst s4;
	s4 =	sadd.s32 s3, s13;
	s6 =	simm.s32 $0x2C00  }
0x3b: {  	s3 =	simm.s32 $0x4;
	s5 =	simm.s32 $0x2B80;
	[smem:$0x7FD] =	sst s4  }
.LBB2_1:
0x3c: {  	[smem:$0x7F9] =	sst s23  }
0x3d: {  	s10 =	rddreg [dreg:$0xf];
	s23 =	smov.u32 s4;
	s4 =	simm.s32 $0x0  }
0x3e: {  	[tilespmem:s6], [sflag:$0x5] =	stream.linear.gather [hbm4b:s10+s4], $0x2000, $0x38;
	[tilespmem:$0x1EC00] =	vst v63  }
0x3f: {  	_ =	swait.ge [sflag:s7], $0x2000  }
0x40: {  	[sflag:s7] =	ssyncset.done $0x0  }
0x41: {  	[sflag:s7] =	ssyncadd.s32 $0xFFFFE000  }
0x42: {  	[spmem:s25] =	stream.linear.scatter [tilespmem:s6], [sflag:$0x5], $0x2000, $0x38;
	[tilespmem:$0x1EC00] =	vst v63  }
0x43: {  	_ =	swait.ge [sflag:s7], $0x2000  }
0x44: {  	[sflag:s7] =	ssyncset.done $0x0  }
0x45: {  	s25 =	rddreg [dreg:$0x10];
	[sflag:s7] =	ssyncadd.s32 $0xFFFFE000  }
0x46: {  	[tilespmem:s6], [sflag:$0x5] =	stream.linear.gather [hbm4b:s25+s4], $0x2000, $0x38;
	[tilespmem:$0x1EC00] =	vst v63  }
0x47: {  	_ =	swait.ge [sflag:s7], $0x2000  }
0x48: {  	[sflag:s7] =	ssyncset.done $0x0  }
0x49: {  	s25 =	rddreg [dreg:$0x1a];
	[sflag:s7] =	ssyncadd.s32 $0xFFFFE000  }
0x4a: {  	[spmem:s25] =	stream.linear.scatter [tilespmem:s6], [sflag:$0x5], $0x2000, $0x38;
	[tilespmem:$0x1EC00] =	vst v63  }
0x4b: {  	_ =	swait.ge [sflag:s7], $0x2000  }
0x4c: {  	[sflag:s7] =	ssyncset.done $0x0  }
0x4d: {  	s25 =	rddreg [dreg:$0x11];
	[sflag:s7] =	ssyncadd.s32 $0xFFFFE000  }
0x4e: {  	[tilespmem:s6], [sflag:$0x5] =	stream.linear.gather [hbm4b:s25+s4], $0x2000, $0x38;
	[tilespmem:$0x1EC00] =	vst v63  }
0x4f: {  	_ =	swait.ge [sflag:s7], $0x2000  }
0x50: {  	[sflag:s7] =	ssyncset.done $0x0  }
0x51: {  	[sflag:s7] =	ssyncadd.s32 $0xFFFFE000  }
0x52: {  	[spmem:s28] =	stream.linear.scatter [tilespmem:s6], [sflag:$0x5], $0x2000, $0x38;
	[tilespmem:$0x1EC00] =	vst v63  }
0x53: {  	_ =	swait.ge [sflag:s7], $0x2000  }
0x54: {  	[sflag:s7] =	ssyncset.done $0x0  }
0x55: {  	s25 =	rddreg [dreg:$0x13];
	[sflag:s7] =	ssyncadd.s32 $0xFFFFE000  }
0x56: {  	[tilespmem:s6], [sflag:$0x5] =	stream.linear.gather [hbm4b:s25+s4], $0x2000, $0x38;
	[tilespmem:$0x1EC00] =	vst v63  }
0x57: {  	_ =	swait.ge [sflag:s7], $0x2000  }
0x58: {  	[sflag:s7] =	ssyncset.done $0x0  }
0x59: {  	[sflag:s7] =	ssyncadd.s32 $0xFFFFE000  }
0x5a: {  	[spmem:s30] =	stream.linear.scatter [tilespmem:s6], [sflag:$0x5], $0x2000, $0x38;
	[tilespmem:$0x1EC00] =	vst v63  }
0x5b: {  	_ =	swait.ge [sflag:s7], $0x2000  }
0x5c: {  	[sflag:s7] =	ssyncset.done $0x0  }
0x5d: {  	s28 =	rddreg [dreg:$0x15];
	[sflag:s7] =	ssyncadd.s32 $0xFFFFE000  }
0x5e: {  	[tilespmem:s6], [sflag:$0x5] =	stream.linear.gather [hbm4b:s28+s4], $0x2000, $0x38;
	[tilespmem:$0x1EC00] =	vst v63  }
0x5f: {  	_ =	swait.ge [sflag:s7], $0x2000  }
0x60: {  	[sflag:s7] =	ssyncset.done $0x0  }
0x61: {  	[sflag:s7] =	ssyncadd.s32 $0xFFFFE000  }
0x62: {  	[spmem:s2] =	stream.linear.scatter [tilespmem:s6], [sflag:$0x5], $0x2000, $0x38;
	[tilespmem:$0x1EC00] =	vst v63  }
0x63: {  	_ =	swait.ge [sflag:s7], $0x2000  }
0x64: {  	[sflag:s7] =	ssyncset.done $0x0  }
0x65: {  	s30 =	rddreg [dreg:$0x18];
	[sflag:s7] =	ssyncadd.s32 $0xFFFFE000  }
0x66: {  	[tilespmem:s6], [sflag:$0x5] =	stream.linear.gather [hbm4b:s30+s4], $0x2000, $0x38;
	[tilespmem:$0x1EC00] =	vst v63  }
0x67: {  	_ =	swait.ge [sflag:s7], $0x2000  }
0x68: {  	[sflag:s7] =	ssyncset.done $0x0  }
0x69: {  	[sflag:s7] =	ssyncadd.s32 $0xFFFFE000  }
0x6a: {  	[spmem:s1] =	stream.linear.scatter [tilespmem:s6], [sflag:$0x5], $0x2000, $0x38;
	[tilespmem:$0x1EC00] =	vst v63  }
0x6b: {  	_ =	swait.ge [sflag:s7], $0x2000  }
0x6c: {  	[sflag:s7] =	ssyncset.done $0x0  }
0x6d: {  	s10 =	rddreg [dreg:$0x1b];
	[sflag:s7] =	ssyncadd.s32 $0xFFFFE000  }
0x6e: {  	[tilespmem:s6], [sflag:$0x5] =	stream.linear.gather [hbm4b:s10+s4], $0x2000, $0x38;
	[tilespmem:$0x1EC00] =	vst v63  }
0x6f: {  	_ =	swait.ge [sflag:s7], $0x2000  }
0x70: {  	[sflag:s7] =	ssyncset.done $0x0  }
0x71: {  	[sflag:s7] =	ssyncadd.s32 $0xFFFFE000  }
0x72: {  	[spmem:s17] =	stream.linear.scatter [tilespmem:s6], [sflag:$0x5], $0x2000, $0x38;
	[tilespmem:$0x1EC00] =	vst v63  }
0x73: {  	_ =	swait.ge [sflag:s7], $0x2000  }
0x74: {  	[sflag:s7] =	ssyncset.done $0x0  }
0x75: {  	s25 =	rddreg [dreg:$0x1d];
	[sflag:s7] =	ssyncadd.s32 $0xFFFFE000  }
0x76: {  	[tilespmem:s6], [sflag:$0x5] =	stream.linear.gather [hbm4b:s25+s4], $0x2000, $0x38;
	[tilespmem:$0x1EC00] =	vst v63  }
0x77: {  	_ =	swait.ge [sflag:s7], $0x2000  }
0x78: {  	[sflag:s7] =	ssyncset.done $0x0  }
0x79: {  	[sflag:s7] =	ssyncadd.s32 $0xFFFFE000  }
0x7a: {  	[spmem:s19] =	stream.linear.scatter [tilespmem:s6], [sflag:$0x5], $0x2000, $0x38;
	[tilespmem:$0x1EC00] =	vst v63  }
0x7b: {  	_ =	swait.ge [sflag:s7], $0x2000  }
0x7c: {  	[sflag:s7] =	ssyncset.done $0x0  }
0x7d: {  	s28 =	rddreg [dreg:$0x1f];
	[sflag:s7] =	ssyncadd.s32 $0xFFFFE000  }
0x7e: {  	[tilespmem:s6], [sflag:$0x5] =	stream.linear.gather [hbm4b:s28+s4], $0x2000, $0x38;
	[tilespmem:$0x1EC00] =	vst v63  }
0x7f: {  	_ =	swait.ge [sflag:s7], $0x2000  }
0x80: {  	[sflag:s7] =	ssyncset.done $0x0  }
0x81: {  	[sflag:s7] =	ssyncadd.s32 $0xFFFFE000  }
0x82: {  	[spmem:s21] =	stream.linear.scatter [tilespmem:s6], [sflag:$0x5], $0x2000, $0x38;
	[tilespmem:$0x1EC00] =	vst v63  }
0x83: {  	_ =	swait.ge [sflag:s7], $0x2000  }
0x84: {  	s30 =	sld [smem:$0x7FA]  }
0x85: {  	[sflag:s7] =	ssyncset.done $0x0  }
0x86: {  	[sflag:s7] =	ssyncadd.s32 $0xFFFFE000  }
0x87: {  	[tilespmem:s6], [sflag:$0x5] =	stream.linear.gather [hbm4b:s30+s4], $0x2000, $0x38;
	[tilespmem:$0x1EC00] =	vst v63  }
0x88: {  	_ =	swait.ge [sflag:s7], $0x2000  }
0x89: {  	[sflag:s7] =	ssyncset.done $0x0  }
0x8a: {  	[sflag:s7] =	ssyncadd.s32 $0xFFFFE000  }
0x8b: {  	[spmem:s23] =	stream.linear.scatter [tilespmem:s6], [sflag:$0x5], $0x2000, $0x38;
	[tilespmem:$0x1EC00] =	vst v63  }
0x8c: {  	_ =	swait.ge [sflag:s7], $0x2000  }
0x8d: {  	[sflag:s7] =	ssyncset.done $0x0  }
0x8e: {  	s2 =	rddreg [dreg:$0x4];
	[sflag:s7] =	ssyncadd.s32 $0xFFFFE000  }
0x8f: {  	[tilespmem:s4], [sflag:$0x5] =	stream.linear.gather [hbm4b:s2+s4], $0x2800, $0x38;
	[tilespmem:$0x1EC00] =	vst v63  }
0x90: {  	_ =	swait.ge [sflag:s7], $0x2800  }
0x91: {  	[sflag:s7] =	ssyncset.done $0x0  }
0x92: {  	[sflag:s7] =	ssyncadd.s32 $0xFFFFD800  }
0x93: {  	[bflag:$0x0] =	sbarrier.arrive $0xFFFF  }
0x94: {  	v1 =	vld [tilespmem:$0x0]  }
0x95: {  	v2 =	vld [tilespmem:$0x10];
	_ =	sdelay $0x1  }
0x96: {  	v3 =	vld [tilespmem:$0x20];
	_ =	sdelay $0x1  }
0x97: {  	v5 =	vld [tilespmem:$0x30];
	v4 =	vand.u32 $0x3FFF, v1;
	v1 =	vshrl.u32 v1, $0xE  }
0x98: {  	v54 =	vand.u32 $0x3FFF, v2;
	v4 =	vadd.s32 v0, v4;
	[tilespmem:$0x2A00] =	vst v1  }
0x99: {  	v1 =	vadd.s32 v0, v54;
	[tilespmem:$0x2800] =	vst v4  }
0x9a: {  	[tilespmem:$0x2810] =	vst v1;
	v1 =	vshrl.u32 v2, $0xE;
	v2 =	vand.u32 $0x3FFF, v3  }
0x9b: {  	[tilespmem:$0x2A10] =	vst v1;
	v1 =	vadd.s32 v0, v2  }
0x9c: {  	v2 =	vand.u32 $0x3FFF, v5;
	[tilespmem:$0x2820] =	vst v1;
	v1 =	vshrl.u32 v3, $0xE  }
0x9d: {  	[tilespmem:$0x2A20] =	vst v1;
	v1 =	vadd.s32 v0, v2  }
0x9e: {  	[tilespmem:$0x2830] =	vst v1;
	v1 =	vshrl.u32 v5, $0xE  }
0x9f: {  	[tilespmem:$0x2A30] =	vst v1  }
0xa0: {  	[tilespmem:s6], [sflag:$0x1] =	stream.indirect.gather [hbm4b:s15+s8], $0x80, s9, s8, $0xb8;
	[tilespmem:$0x1EC00] =	vst v63  }
0xa1: {  	v1 =	vld [tilespmem:$0x40]  }
0xa2: {  	v2 =	vld [tilespmem:$0x50];
	_ =	sdelay $0x1  }
0xa3: {  	v3 =	vld [tilespmem:$0x60];
	_ =	sdelay $0x1  }
0xa4: {  	v56 =	vld [tilespmem:$0x70];
	v55 =	vand.u32 $0x3FFF, v1;
	v1 =	vshrl.u32 v1, $0xE  }
0xa5: {  	v57 =	vand.u32 $0x3FFF, v2;
	v4 =	vadd.s32 v0, v55;
	[tilespmem:$0x2A80] =	vst v1  }
0xa6: {  	v1 =	vadd.s32 v0, v57;
	[tilespmem:$0x2880] =	vst v4  }
0xa7: {  	[tilespmem:$0x2890] =	vst v1;
	v1 =	vshrl.u32 v2, $0xE;
	v2 =	vand.u32 $0x3FFF, v3  }
0xa8: {  	[tilespmem:$0x2A90] =	vst v1;
	v1 =	vadd.s32 v0, v2  }
0xa9: {  	v2 =	vand.u32 $0x3FFF, v56;
	[tilespmem:$0x28A0] =	vst v1;
	v1 =	vshrl.u32 v3, $0xE  }
0xaa: {  	[tilespmem:$0x2AA0] =	vst v1;
	v1 =	vadd.s32 v0, v2  }
0xab: {  	[tilespmem:$0x28B0] =	vst v1;
	v1 =	vshrl.u32 v56, $0xE  }
0xac: {  	[tilespmem:$0x2AB0] =	vst v1  }
0xad: {  	[tilespmem:s12], [sflag:$0x2] =	stream.indirect.gather [hbm4b:s15+s8], $0x80, s11, s8, $0xb8;
	[tilespmem:$0x1EC00] =	vst v63  }
0xae: {  	v1 =	vld [tilespmem:$0x80]  }
0xaf: {  	v2 =	vld [tilespmem:$0x90];
	_ =	sdelay $0x1  }
0xb0: {  	v3 =	vld [tilespmem:$0xA0];
	_ =	sdelay $0x1  }
0xb1: {  	v59 =	vld [tilespmem:$0xB0];
	v58 =	vand.u32 $0x3FFF, v1;
	v1 =	vshrl.u32 v1, $0xE  }
0xb2: {  	v60 =	vand.u32 $0x3FFF, v2;
	v4 =	vadd.s32 v0, v58;
	[tilespmem:$0x2B00] =	vst v1  }
0xb3: {  	v1 =	vadd.s32 v0, v60;
	[tilespmem:$0x2900] =	vst v4  }
0xb4: {  	[tilespmem:$0x2910] =	vst v1;
	v1 =	vshrl.u32 v2, $0xE;
	v2 =	vand.u32 $0x3FFF, v3  }
0xb5: {  	[tilespmem:$0x2B10] =	vst v1;
	v1 =	vadd.s32 v0, v2  }
0xb6: {  	v2 =	vand.u32 $0x3FFF, v59;
	[tilespmem:$0x2920] =	vst v1;
	v1 =	vshrl.u32 v3, $0xE  }
0xb7: {  	[tilespmem:$0x2B20] =	vst v1;
	v1 =	vadd.s32 v0, v2  }
0xb8: {  	[tilespmem:$0x2930] =	vst v1;
	v1 =	vshrl.u32 v59, $0xE  }
0xb9: {  	[tilespmem:$0x2B30] =	vst v1  }
0xba: {  	[tilespmem:s16], [sflag:$0x3] =	stream.indirect.gather [hbm4b:s15+s8], $0x80, s14, s8, $0xb8;
	[tilespmem:$0x1EC00] =	vst v63  }
0xbb: {  	v1 =	vld [tilespmem:$0xC0]  }
0xbc: {  	v2 =	vld [tilespmem:$0xD0];
	_ =	sdelay $0x1  }
0xbd: {  	v3 =	vld [tilespmem:$0xE0];
	_ =	sdelay $0x1  }
0xbe: {  	v62 =	vld [tilespmem:$0xF0];
	v61 =	vand.u32 $0x3FFF, v1;
	v1 =	vshrl.u32 v1, $0xE  }
0xbf: {  	v63 =	vand.u32 $0x3FFF, v2;
	v4 =	vadd.s32 v0, v61;
	[tilespmem:$0x2B80] =	vst v1  }
0xc0: {  	v1 =	vadd.s32 v0, v63;
	[tilespmem:$0x2980] =	vst v4  }
0xc1: {  	[tilespmem:$0x2990] =	vst v1;
	v1 =	vshrl.u32 v2, $0xE;
	v2 =	vand.u32 $0x3FFF, v3  }
0xc2: {  	[tilespmem:$0x2B90] =	vst v1;
	v1 =	vadd.s32 v0, v2  }
0xc3: {  	v2 =	vand.u32 $0x3FFF, v62;
	[tilespmem:$0x29A0] =	vst v1;
	v1 =	vshrl.u32 v3, $0xE  }
0xc4: {  	[tilespmem:$0x2BA0] =	vst v1;
	v1 =	vadd.s32 v0, v2  }
0xc5: {  	[tilespmem:$0x29B0] =	vst v1;
	v1 =	vshrl.u32 v62, $0xE  }
0xc6: {  	[tilespmem:$0x2BB0] =	vst v1  }
0xc7: {  	[tilespmem:s20], [sflag:$0x4] =	stream.indirect.gather [hbm4b:s15+s8], $0x80, s18, s8, $0xb8;
	[tilespmem:$0x1EC00] =	vst v63  }
0xc8: {  	_ =	swait.ge [sflag:s22], $0x2000  }
0xc9: {  	[sflag:s22] =	ssyncset.done $0x0  }
0xca: {  	[sflag:s22] =	ssyncadd.s32 $0xFFFFE000  }
0xcb: {  	[spmem:s13] =	stream.indirect.scatter.add.f32 [tilespmem:s6], [sflag:$0x5], $0x80, s24, s8, $0xb8;
	[tilespmem:$0x1EC00] =	vst v63  }
0xcc: {  	_ =	swait.ge [sflag:s7], $0x2000  }
0xcd: {  	[sflag:s7] =	ssyncset.done $0x0  }
0xce: {  	s10 =	simm.s32 $0x1C0;
	[sflag:s7] =	ssyncadd.s32 $0xFFFFE000  }
0xcf: {  	v1 =	vld [tilespmem:s10+$0xFFFFFF40];
	_ =	sdelay $0x4  }
0xd0: {  	v2 =	vand.u32 $0x3FFF, v1;
	v1 =	vshrl.u32 v1, $0xE  }
0xd1: {  	v2 =	vadd.s32 v0, v2;
	[tilespmem:$0x2A00] =	vst v1  }
0xd2: {  	[tilespmem:$0x2800] =	vst v2  }
0xd3: {  	v1 =	vld [tilespmem:s10+$0xFFFFFF50];
	_ =	sdelay $0x4  }
0xd4: {  	v2 =	vand.u32 $0x3FFF, v1;
	v1 =	vshrl.u32 v1, $0xE  }
0xd5: {  	v2 =	vadd.s32 v0, v2;
	[tilespmem:$0x2A10] =	vst v1  }
0xd6: {  	[tilespmem:$0x2810] =	vst v2  }
0xd7: {  	v1 =	vld [tilespmem:s10+$0xFFFFFF60];
	_ =	sdelay $0x4  }
0xd8: {  	v2 =	vand.u32 $0x3FFF, v1;
	v1 =	vshrl.u32 v1, $0xE  }
0xd9: {  	v2 =	vadd.s32 v0, v2;
	[tilespmem:$0x2A20] =	vst v1  }
0xda: {  	[tilespmem:$0x2820] =	vst v2  }
0xdb: {  	v1 =	vld [tilespmem:s10+$0xFFFFFF70];
	_ =	sdelay $0x4  }
0xdc: {  	v2 =	vand.u32 $0x3FFF, v1;
	v1 =	vshrl.u32 v1, $0xE  }
0xdd: {  	v2 =	vadd.s32 v0, v2;
	[tilespmem:$0x2A30] =	vst v1  }
0xde: {  	[tilespmem:$0x2830] =	vst v2  }
0xdf: {  	[tilespmem:s6], [sflag:$0x1] =	stream.indirect.gather [hbm4b:s15+s8], $0x80, s9, s8, $0xb8;
	[tilespmem:$0x1EC00] =	vst v63  }
0xe0: {  	_ =	swait.ge [sflag:s26], $0x2000  }
0xe1: {  	[sflag:s26] =	ssyncset.done $0x0  }
0xe2: {  	[sflag:s26] =	ssyncadd.s32 $0xFFFFE000  }
0xe3: {  	[spmem:s13] =	stream.indirect.scatter.add.f32 [tilespmem:s12], [sflag:$0x5], $0x80, s29, s8, $0xb8;
	[tilespmem:$0x1EC00] =	vst v63  }
0xe4: {  	_ =	swait.ge [sflag:s7], $0x2000  }
0xe5: {  	[sflag:s7] =	ssyncset.done $0x0  }
0xe6: {  	[sflag:s7] =	ssyncadd.s32 $0xFFFFE000  }
0xe7: {  	v1 =	vld [tilespmem:s10+$0xFFFFFF80];
	_ =	sdelay $0x4  }
0xe8: {  	v2 =	vand.u32 $0x3FFF, v1;
	v1 =	vshrl.u32 v1, $0xE  }
0xe9: {  	s17 =	simm.s32 $0x140;
	v2 =	vadd.s32 v0, v2;
	[tilespmem:$0x2A80] =	vst v1  }
0xea: {  	s19 =	sor.u32 $0x50, s17;
	[tilespmem:$0x2880] =	vst v2  }
0xeb: {  	v1 =	vld [tilespmem:s19+$0x0];
	_ =	sdelay $0x4  }
0xec: {  	v2 =	vand.u32 $0x3FFF, v1;
	v1 =	vshrl.u32 v1, $0xE  }
0xed: {  	v2 =	vadd.s32 v0, v2;
	[tilespmem:$0x2A90] =	vst v1  }
0xee: {  	s21 =	sor.u32 $0x60, s17;
	[tilespmem:$0x2890] =	vst v2  }
0xef: {  	v1 =	vld [tilespmem:s21+$0x0];
	_ =	sdelay $0x4  }
0xf0: {  	v2 =	vand.u32 $0x3FFF, v1;
	v1 =	vshrl.u32 v1, $0xE  }
0xf1: {  	v2 =	vadd.s32 v0, v2;
	[tilespmem:$0x2AA0] =	vst v1  }
0xf2: {  	s25 =	sor.u32 $0x70, s17;
	[tilespmem:$0x28A0] =	vst v2  }
0xf3: {  	v1 =	vld [tilespmem:s25+$0x0];
	_ =	sdelay $0x4  }
0xf4: {  	v2 =	vand.u32 $0x3FFF, v1;
	v1 =	vshrl.u32 v1, $0xE  }
0xf5: {  	v2 =	vadd.s32 v0, v2;
	[tilespmem:$0x2AB0] =	vst v1  }
0xf6: {  	[tilespmem:$0x28B0] =	vst v2  }
0xf7: {  	[tilespmem:s12], [sflag:$0x2] =	stream.indirect.gather [hbm4b:s15+s8], $0x80, s11, s8, $0xb8;
	[tilespmem:$0x1EC00] =	vst v63  }
0xf8: {  	_ =	swait.ge [sflag:s31], $0x2000  }
0xf9: {  	[sflag:s31] =	ssyncset.done $0x0  }
0xfa: {  	[sflag:s31] =	ssyncadd.s32 $0xFFFFE000  }
0xfb: {  	[spmem:s13] =	stream.indirect.scatter.add.f32 [tilespmem:s16], [sflag:$0x5], $0x80, s0, s8, $0xb8;
	[tilespmem:$0x1EC00] =	vst v63  }
0xfc: {  	_ =	swait.ge [sflag:s7], $0x2000  }
0xfd: {  	[sflag:s7] =	ssyncset.done $0x0  }
0xfe: {  	[sflag:s7] =	ssyncadd.s32 $0xFFFFE000  }
0xff: {  	v1 =	vld [tilespmem:s10+$0xFFFFFFC0];
	_ =	sdelay $0x4  }
0x100: {  	v2 =	vand.u32 $0x3FFF, v1;
	v1 =	vshrl.u32 v1, $0xE  }
0x101: {  	v2 =	vadd.s32 v0, v2;
	[tilespmem:$0x2B00] =	vst v1  }
0x102: {  	[tilespmem:$0x2900] =	vst v2  }
0x103: {  	v1 =	vld [tilespmem:s10+$0xFFFFFFD0];
	_ =	sdelay $0x4  }
0x104: {  	v2 =	vand.u32 $0x3FFF, v1;
	v1 =	vshrl.u32 v1, $0xE  }
0x105: {  	v2 =	vadd.s32 v0, v2;
	[tilespmem:$0x2B10] =	vst v1  }
0x106: {  	[tilespmem:$0x2910] =	vst v2  }
0x107: {  	v1 =	vld [tilespmem:s10+$0xFFFFFFE0];
	_ =	sdelay $0x4  }
0x108: {  	v2 =	vand.u32 $0x3FFF, v1;
	v1 =	vshrl.u32 v1, $0xE  }
0x109: {  	v2 =	vadd.s32 v0, v2;
	[tilespmem:$0x2B20] =	vst v1  }
0x10a: {  	[tilespmem:$0x2920] =	vst v2  }
0x10b: {  	v1 =	vld [tilespmem:s10+$0xFFFFFFF0];
	_ =	sdelay $0x4  }
0x10c: {  	v2 =	vand.u32 $0x3FFF, v1;
	v1 =	vshrl.u32 v1, $0xE  }
0x10d: {  	v2 =	vadd.s32 v0, v2;
	[tilespmem:$0x2B30] =	vst v1  }
0x10e: {  	[tilespmem:$0x2930] =	vst v2  }
0x10f: {  	[tilespmem:s16], [sflag:$0x3] =	stream.indirect.gather [hbm4b:s15+s8], $0x80, s14, s8, $0xb8;
	[tilespmem:$0x1EC00] =	vst v63  }
0x110: {  	_ =	swait.ge [sflag:s3], $0x2000  }
0x111: {  	[sflag:s3] =	ssyncset.done $0x0  }
0x112: {  	[sflag:s3] =	ssyncadd.s32 $0xFFFFE000  }
0x113: {  	[spmem:s13] =	stream.indirect.scatter.add.f32 [tilespmem:s20], [sflag:$0x5], $0x80, s5, s8, $0xb8;
	[tilespmem:$0x1EC00] =	vst v63  }
0x114: {  	_ =	swait.ge [sflag:s7], $0x2000  }
0x115: {  	[sflag:s7] =	ssyncset.done $0x0  }
0x116: {  	[sflag:s7] =	ssyncadd.s32 $0xFFFFE000  }
0x117: {  	v1 =	vld [tilespmem:s10+$0x0];
	_ =	sdelay $0x4  }
0x118: {  	v2 =	vand.u32 $0x3FFF, v1;
	v1 =	vshrl.u32 v1, $0xE  }
0x119: {  	v2 =	vadd.s32 v0, v2;
	[tilespmem:$0x2B80] =	vst v1  }
0x11a: {  	s28 =	sor.u32 $0x50, s10;
	[tilespmem:$0x2980] =	vst v2  }
0x11b: {  	v1 =	vld [tilespmem:s28+$0x0];
	_ =	sdelay $0x4  }
0x11c: {  	v2 =	vand.u32 $0x3FFF, v1;
	v1 =	vshrl.u32 v1, $0xE  }
0x11d: {  	v2 =	vadd.s32 v0, v2;
	[tilespmem:$0x2B90] =	vst v1  }
0x11e: {  	s30 =	sor.u32 $0x60, s10;
	[tilespmem:$0x2990] =	vst v2  }
0x11f: {  	v1 =	vld [tilespmem:s30+$0x0];
	_ =	sdelay $0x4  }
0x120: {  	v2 =	vand.u32 $0x3FFF, v1;
	v1 =	vshrl.u32 v1, $0xE  }
0x121: {  	v2 =	vadd.s32 v0, v2;
	[tilespmem:$0x2BA0] =	vst v1  }
0x122: {  	s23 =	sor.u32 $0x70, s10;
	[tilespmem:$0x29A0] =	vst v2  }
0x123: {  	v1 =	vld [tilespmem:s23+$0x0];
	_ =	sdelay $0x4  }
0x124: {  	v2 =	vand.u32 $0x3FFF, v1;
	v1 =	vshrl.u32 v1, $0xE  }
0x125: {  	v2 =	vadd.s32 v0, v2;
	[tilespmem:$0x2BB0] =	vst v1  }
0x126: {  	s25 =	simm.s32 $0x2C0;
	s23 =	simm.s32 $0x2C0;
	[tilespmem:$0x29B0] =	vst v2  }
.LBB2_2:
0x127: {  	[tilespmem:s20], [sflag:$0x4] =	stream.indirect.gather [hbm4b:s15+s8], $0x80, s18, s8, $0xb8;
	[tilespmem:$0x1EC00] =	vst v63  }
0x128: {  	s28 =	smov.u32 s23  }
0x129: {  	p0 =	sne.s32 s23, $0x27C0;
	s23 =	sadd.s32 $0x100, s23;
	_ =	swait.ge [sflag:s22], $0x2000  }
0x12a: {  	[sflag:s22] =	ssyncset.done $0x0  }
0x12b: {  	[sflag:s22] =	ssyncadd.s32 $0xFFFFE000  }
0x12c: {  	[spmem:s13] =	stream.indirect.scatter.add.f32 [tilespmem:s6], [sflag:$0x5], $0x80, s24, s8, $0xb8;
	[tilespmem:$0x1EC00] =	vst v63  }
0x12d: {  	_ =	swait.ge [sflag:s7], $0x2000  }
0x12e: {  	[sflag:s7] =	ssyncset.done $0x0  }
0x12f: {  	[sflag:s7] =	ssyncadd.s32 $0xFFFFE000  }
0x130: {  	v1 =	vld [tilespmem:s25+$0xFFFFFF40];
	_ =	sdelay $0x4  }
0x131: {  	v2 =	vand.u32 $0x3FFF, v1;
	v1 =	vshrl.u32 v1, $0xE  }
0x132: {  	v2 =	vadd.s32 v0, v2;
	[tilespmem:$0x2A00] =	vst v1  }
0x133: {  	[tilespmem:$0x2800] =	vst v2  }
0x134: {  	v1 =	vld [tilespmem:s25+$0xFFFFFF50];
	_ =	sdelay $0x4  }
0x135: {  	v2 =	vand.u32 $0x3FFF, v1;
	v1 =	vshrl.u32 v1, $0xE  }
0x136: {  	v2 =	vadd.s32 v0, v2;
	[tilespmem:$0x2A10] =	vst v1  }
0x137: {  	[tilespmem:$0x2810] =	vst v2  }
0x138: {  	v1 =	vld [tilespmem:s25+$0xFFFFFF60];
	_ =	sdelay $0x4  }
0x139: {  	v2 =	vand.u32 $0x3FFF, v1;
	v1 =	vshrl.u32 v1, $0xE  }
0x13a: {  	v2 =	vadd.s32 v0, v2;
	[tilespmem:$0x2A20] =	vst v1  }
0x13b: {  	[tilespmem:$0x2820] =	vst v2  }
0x13c: {  	v1 =	vld [tilespmem:s25+$0xFFFFFF70];
	_ =	sdelay $0x4  }
0x13d: {  	v2 =	vand.u32 $0x3FFF, v1;
	v1 =	vshrl.u32 v1, $0xE  }
0x13e: {  	v2 =	vadd.s32 v0, v2;
	[tilespmem:$0x2A30] =	vst v1  }
0x13f: {  	[tilespmem:$0x2830] =	vst v2  }
0x140: {  	[tilespmem:s6], [sflag:$0x1] =	stream.indirect.gather [hbm4b:s15+s8], $0x80, s9, s8, $0xb8;
	[tilespmem:$0x1EC00] =	vst v63  }
0x141: {  	_ =	swait.ge [sflag:s26], $0x2000  }
0x142: {  	[sflag:s26] =	ssyncset.done $0x0  }
0x143: {  	[sflag:s26] =	ssyncadd.s32 $0xFFFFE000  }
0x144: {  	[spmem:s13] =	stream.indirect.scatter.add.f32 [tilespmem:s12], [sflag:$0x5], $0x80, s29, s8, $0xb8;
	[tilespmem:$0x1EC00] =	vst v63  }
0x145: {  	_ =	swait.ge [sflag:s7], $0x2000  }
0x146: {  	[sflag:s7] =	ssyncset.done $0x0  }
0x147: {  	[sflag:s7] =	ssyncadd.s32 $0xFFFFE000  }
0x148: {  	v1 =	vld [tilespmem:s25+$0xFFFFFF80];
	_ =	sdelay $0x4  }
0x149: {  	v2 =	vand.u32 $0x3FFF, v1;
	v1 =	vshrl.u32 v1, $0xE  }
0x14a: {  	s30 =	sadd.s32 $0xFFFFFF80, s28;
	v2 =	vadd.s32 v0, v2;
	[tilespmem:$0x2A80] =	vst v1  }
0x14b: {  	s10 =	sor.u32 $0x50, s30;
	[tilespmem:$0x2880] =	vst v2  }
0x14c: {  	v1 =	vld [tilespmem:s10+$0x0];
	_ =	sdelay $0x4  }
0x14d: {  	v2 =	vand.u32 $0x3FFF, v1;
	v1 =	vshrl.u32 v1, $0xE  }
0x14e: {  	v2 =	vadd.s32 v0, v2;
	[tilespmem:$0x2A90] =	vst v1  }
0x14f: {  	s10 =	sor.u32 $0x60, s30;
	[tilespmem:$0x2890] =	vst v2  }
0x150: {  	v1 =	vld [tilespmem:s10+$0x0];
	_ =	sdelay $0x4  }
0x151: {  	v2 =	vand.u32 $0x3FFF, v1;
	v1 =	vshrl.u32 v1, $0xE  }
0x152: {  	v2 =	vadd.s32 v0, v2;
	[tilespmem:$0x2AA0] =	vst v1  }
0x153: {  	s10 =	sor.u32 $0x70, s30;
	[tilespmem:$0x28A0] =	vst v2  }
0x154: {  	v1 =	vld [tilespmem:s10+$0x0];
	_ =	sdelay $0x4  }
0x155: {  	v2 =	vand.u32 $0x3FFF, v1;
	v1 =	vshrl.u32 v1, $0xE  }
0x156: {  	v2 =	vadd.s32 v0, v2;
	[tilespmem:$0x2AB0] =	vst v1  }
0x157: {  	[tilespmem:$0x28B0] =	vst v2  }
0x158: {  	[tilespmem:s12], [sflag:$0x2] =	stream.indirect.gather [hbm4b:s15+s8], $0x80, s11, s8, $0xb8;
	[tilespmem:$0x1EC00] =	vst v63  }
0x159: {  	_ =	swait.ge [sflag:s31], $0x2000  }
0x15a: {  	[sflag:s31] =	ssyncset.done $0x0  }
0x15b: {  	[sflag:s31] =	ssyncadd.s32 $0xFFFFE000  }
0x15c: {  	[spmem:s13] =	stream.indirect.scatter.add.f32 [tilespmem:s16], [sflag:$0x5], $0x80, s0, s8, $0xb8;
	[tilespmem:$0x1EC00] =	vst v63  }
0x15d: {  	_ =	swait.ge [sflag:s7], $0x2000  }
0x15e: {  	[sflag:s7] =	ssyncset.done $0x0  }
0x15f: {  	[sflag:s7] =	ssyncadd.s32 $0xFFFFE000  }
0x160: {  	v1 =	vld [tilespmem:s25+$0xFFFFFFC0];
	_ =	sdelay $0x4  }
0x161: {  	v2 =	vand.u32 $0x3FFF, v1;
	v1 =	vshrl.u32 v1, $0xE  }
0x162: {  	v2 =	vadd.s32 v0, v2;
	[tilespmem:$0x2B00] =	vst v1  }
0x163: {  	[tilespmem:$0x2900] =	vst v2  }
0x164: {  	v1 =	vld [tilespmem:s25+$0xFFFFFFD0];
	_ =	sdelay $0x4  }
0x165: {  	v2 =	vand.u32 $0x3FFF, v1;
	v1 =	vshrl.u32 v1, $0xE  }
0x166: {  	v2 =	vadd.s32 v0, v2;
	[tilespmem:$0x2B10] =	vst v1  }
0x167: {  	[tilespmem:$0x2910] =	vst v2  }
0x168: {  	v1 =	vld [tilespmem:s25+$0xFFFFFFE0];
	_ =	sdelay $0x4  }
0x169: {  	v2 =	vand.u32 $0x3FFF, v1;
	v1 =	vshrl.u32 v1, $0xE  }
0x16a: {  	v2 =	vadd.s32 v0, v2;
	[tilespmem:$0x2B20] =	vst v1  }
0x16b: {  	[tilespmem:$0x2920] =	vst v2  }
0x16c: {  	v1 =	vld [tilespmem:s25+$0xFFFFFFF0];
	_ =	sdelay $0x4  }
0x16d: {  	v2 =	vand.u32 $0x3FFF, v1;
	v1 =	vshrl.u32 v1, $0xE  }
0x16e: {  	v2 =	vadd.s32 v0, v2;
	[tilespmem:$0x2B30] =	vst v1  }
0x16f: {  	[tilespmem:$0x2930] =	vst v2  }
0x170: {  	[tilespmem:s16], [sflag:$0x3] =	stream.indirect.gather [hbm4b:s15+s8], $0x80, s14, s8, $0xb8;
	[tilespmem:$0x1EC00] =	vst v63  }
0x171: {  	_ =	swait.ge [sflag:s3], $0x2000  }
0x172: {  	[sflag:s3] =	ssyncset.done $0x0  }
0x173: {  	[sflag:s3] =	ssyncadd.s32 $0xFFFFE000  }
0x174: {  	[spmem:s13] =	stream.indirect.scatter.add.f32 [tilespmem:s20], [sflag:$0x5], $0x80, s5, s8, $0xb8;
	[tilespmem:$0x1EC00] =	vst v63  }
0x175: {  	_ =	swait.ge [sflag:s7], $0x2000  }
0x176: {  	[sflag:s7] =	ssyncset.done $0x0  }
0x177: {  	[sflag:s7] =	ssyncadd.s32 $0xFFFFE000  }
0x178: {  	v1 =	vld [tilespmem:s25+$0x0];
	_ =	sdelay $0x4  }
0x179: {  	v2 =	vand.u32 $0x3FFF, v1;
	v1 =	vshrl.u32 v1, $0xE  }
0x17a: {  	v2 =	vadd.s32 v0, v2;
	[tilespmem:$0x2B80] =	vst v1  }
0x17b: {  	s10 =	sor.u32 $0x50, s28;
	[tilespmem:$0x2980] =	vst v2  }
0x17c: {  	v1 =	vld [tilespmem:s10+$0x0];
	_ =	sdelay $0x4  }
0x17d: {  	v2 =	vand.u32 $0x3FFF, v1;
	v1 =	vshrl.u32 v1, $0xE  }
0x17e: {  	v2 =	vadd.s32 v0, v2;
	[tilespmem:$0x2B90] =	vst v1  }
0x17f: {  	s10 =	sor.u32 $0x60, s28;
	[tilespmem:$0x2990] =	vst v2  }
0x180: {  	v1 =	vld [tilespmem:s10+$0x0];
	_ =	sdelay $0x4  }
0x181: {  	v2 =	vand.u32 $0x3FFF, v1;
	v1 =	vshrl.u32 v1, $0xE  }
0x182: {  	v2 =	vadd.s32 v0, v2;
	[tilespmem:$0x2BA0] =	vst v1  }
0x183: {  	s10 =	sor.u32 $0x70, s28;
	[tilespmem:$0x29A0] =	vst v2  }
0x184: {  	v1 =	vld [tilespmem:s10+$0x0];
	_ =	sdelay $0x2  }
.Ltmp0:
0x185: {  	(pc) =	sbr.rel @p0 .LBB2_2-.Ltmp0, $4  }
0x186: {  	_ = 	snop  }
0x187: {  	v2 =	vand.u32 $0x3FFF, v1;
	v1 =	vshrl.u32 v1, $0xE  }
0x188: {  	v2 =	vadd.s32 v0, v2;
	[tilespmem:$0x2BB0] =	vst v1  }
0x189: {  	s25 =	sadd.s32 $0x100, s25;
	[tilespmem:$0x29B0] =	vst v2  }
0x18a: {  	[tilespmem:s20], [sflag:$0x4] =	stream.indirect.gather [hbm4b:s15+s8], $0x80, s18, s8, $0xb8;
	[tilespmem:$0x1EC00] =	vst v63  }
0x18b: {  	_ =	swait.ge [sflag:s22], $0x2000  }
0x18c: {  	[sflag:s22] =	ssyncset.done $0x0  }
0x18d: {  	[sflag:s22] =	ssyncadd.s32 $0xFFFFE000  }
0x18e: {  	[spmem:s13] =	stream.indirect.scatter.add.f32 [tilespmem:s6], [sflag:$0x5], $0x80, s24, s8, $0xb8;
	[tilespmem:$0x1EC00] =	vst v63  }
0x18f: {  	_ =	swait.ge [sflag:s7], $0x2000  }
0x190: {  	[sflag:s7] =	ssyncset.done $0x0  }
0x191: {  	[sflag:s7] =	ssyncadd.s32 $0xFFFFE000  }
0x192: {  	v1 =	vld [tilespmem:$0x27C0]  }
0x193: {  	v2 =	vld [tilespmem:$0x27D0];
	_ =	sdelay $0x1  }
0x194: {  	v3 =	vld [tilespmem:$0x27E0];
	_ =	sdelay $0x1  }
0x195: {  	v5 =	vld [tilespmem:$0x27F0];
	v4 =	vand.u32 $0x3FFF, v1;
	v1 =	vshrl.u32 v1, $0xE  }
0x196: {  	v54 =	vand.u32 $0x3FFF, v2;
	v4 =	vadd.s32 v0, v4;
	[tilespmem:$0x2A00] =	vst v1  }
0x197: {  	v1 =	vadd.s32 v0, v54;
	[tilespmem:$0x2800] =	vst v4  }
0x198: {  	[tilespmem:$0x2810] =	vst v1;
	v1 =	vshrl.u32 v2, $0xE;
	v2 =	vand.u32 $0x3FFF, v3  }
0x199: {  	[tilespmem:$0x2A10] =	vst v1;
	v1 =	vadd.s32 v0, v2  }
0x19a: {  	v2 =	vand.u32 $0x3FFF, v5;
	[tilespmem:$0x2820] =	vst v1;
	v1 =	vshrl.u32 v3, $0xE  }
0x19b: {  	[tilespmem:$0x2A20] =	vst v1;
	v1 =	vadd.s32 v0, v2  }
0x19c: {  	[tilespmem:$0x2830] =	vst v1;
	v1 =	vshrl.u32 v5, $0xE  }
0x19d: {  	[tilespmem:$0x2A30] =	vst v1  }
0x19e: {  	[tilespmem:s6], [sflag:$0x1] =	stream.indirect.gather [hbm4b:s15+s8], $0x80, s9, s8, $0xb8;
	[tilespmem:$0x1EC00] =	vst v63  }
0x19f: {  	_ =	swait.ge [sflag:s26], $0x2000  }
0x1a0: {  	[sflag:s26] =	ssyncset.done $0x0  }
0x1a1: {  	[sflag:s26] =	ssyncadd.s32 $0xFFFFE000  }
0x1a2: {  	[spmem:s13] =	stream.indirect.scatter.add.f32 [tilespmem:s12], [sflag:$0x5], $0x80, s29, s8, $0xb8;
	[tilespmem:$0x1EC00] =	vst v63  }
0x1a3: {  	_ =	swait.ge [sflag:s7], $0x2000  }
0x1a4: {  	[sflag:s7] =	ssyncset.done $0x0  }
0x1a5: {  	[sflag:s7] =	ssyncadd.s32 $0xFFFFE000  }
0x1a6: {  	v1 =	vld [tilespmem:$0x27C0]  }
0x1a7: {  	v2 =	vld [tilespmem:$0x27D0];
	_ =	sdelay $0x1  }
0x1a8: {  	v3 =	vld [tilespmem:$0x27E0];
	_ =	sdelay $0x1  }
0x1a9: {  	v56 =	vld [tilespmem:$0x27F0];
	v55 =	vand.u32 $0x3FFF, v1;
	v1 =	vshrl.u32 v1, $0xE  }
0x1aa: {  	v57 =	vand.u32 $0x3FFF, v2;
	v4 =	vadd.s32 v0, v55;
	[tilespmem:$0x2A80] =	vst v1  }
0x1ab: {  	v1 =	vadd.s32 v0, v57;
	[tilespmem:$0x2880] =	vst v4  }
0x1ac: {  	[tilespmem:$0x2890] =	vst v1;
	v1 =	vshrl.u32 v2, $0xE;
	v2 =	vand.u32 $0x3FFF, v3  }
0x1ad: {  	[tilespmem:$0x2A90] =	vst v1;
	v1 =	vadd.s32 v0, v2  }
0x1ae: {  	v2 =	vand.u32 $0x3FFF, v56;
	[tilespmem:$0x28A0] =	vst v1;
	v1 =	vshrl.u32 v3, $0xE  }
0x1af: {  	[tilespmem:$0x2AA0] =	vst v1;
	v1 =	vadd.s32 v0, v2  }
0x1b0: {  	[tilespmem:$0x28B0] =	vst v1;
	v1 =	vshrl.u32 v56, $0xE  }
0x1b1: {  	[tilespmem:$0x2AB0] =	vst v1  }
0x1b2: {  	[tilespmem:s12], [sflag:$0x2] =	stream.indirect.gather [hbm4b:s15+s8], $0x80, s11, s8, $0xb8;
	[tilespmem:$0x1EC00] =	vst v63  }
0x1b3: {  	_ =	swait.ge [sflag:s31], $0x2000  }
0x1b4: {  	[sflag:s31] =	ssyncset.done $0x0  }
0x1b5: {  	[sflag:s31] =	ssyncadd.s32 $0xFFFFE000  }
0x1b6: {  	[spmem:s13] =	stream.indirect.scatter.add.f32 [tilespmem:s16], [sflag:$0x5], $0x80, s0, s8, $0xb8;
	[tilespmem:$0x1EC00] =	vst v63  }
0x1b7: {  	_ =	swait.ge [sflag:s7], $0x2000  }
0x1b8: {  	[sflag:s7] =	ssyncset.done $0x0  }
0x1b9: {  	[sflag:s7] =	ssyncadd.s32 $0xFFFFE000  }
0x1ba: {  	v1 =	vld [tilespmem:$0x27C0]  }
0x1bb: {  	v2 =	vld [tilespmem:$0x27D0];
	_ =	sdelay $0x1  }
0x1bc: {  	v3 =	vld [tilespmem:$0x27E0];
	_ =	sdelay $0x1  }
0x1bd: {  	v59 =	vld [tilespmem:$0x27F0];
	v58 =	vand.u32 $0x3FFF, v1;
	v1 =	vshrl.u32 v1, $0xE  }
0x1be: {  	v60 =	vand.u32 $0x3FFF, v2;
	v4 =	vadd.s32 v0, v58;
	[tilespmem:$0x2B00] =	vst v1  }
0x1bf: {  	v1 =	vadd.s32 v0, v60;
	[tilespmem:$0x2900] =	vst v4  }
0x1c0: {  	[tilespmem:$0x2910] =	vst v1;
	v1 =	vshrl.u32 v2, $0xE;
	v2 =	vand.u32 $0x3FFF, v3  }
0x1c1: {  	[tilespmem:$0x2B10] =	vst v1;
	v1 =	vadd.s32 v0, v2  }
0x1c2: {  	v2 =	vand.u32 $0x3FFF, v59;
	[tilespmem:$0x2920] =	vst v1;
	v1 =	vshrl.u32 v3, $0xE  }
0x1c3: {  	[tilespmem:$0x2B20] =	vst v1;
	v1 =	vadd.s32 v0, v2  }
0x1c4: {  	[tilespmem:$0x2930] =	vst v1;
	v1 =	vshrl.u32 v59, $0xE  }
0x1c5: {  	[tilespmem:$0x2B30] =	vst v1  }
0x1c6: {  	[tilespmem:s16], [sflag:$0x3] =	stream.indirect.gather [hbm4b:s15+s8], $0x80, s14, s8, $0xb8;
	[tilespmem:$0x1EC00] =	vst v63  }
0x1c7: {  	_ =	swait.ge [sflag:s3], $0x2000  }
0x1c8: {  	[sflag:s3] =	ssyncset.done $0x0  }
0x1c9: {  	[sflag:s3] =	ssyncadd.s32 $0xFFFFE000  }
0x1ca: {  	[spmem:s13] =	stream.indirect.scatter.add.f32 [tilespmem:s20], [sflag:$0x5], $0x80, s5, s8, $0xb8;
	[tilespmem:$0x1EC00] =	vst v63  }
0x1cb: {  	_ =	swait.ge [sflag:s7], $0x2000  }
0x1cc: {  	[sflag:s7] =	ssyncset.done $0x0  }
0x1cd: {  	[sflag:s7] =	ssyncadd.s32 $0xFFFFE000  }
0x1ce: {  	v1 =	vld [tilespmem:$0x27C0]  }
0x1cf: {  	v2 =	vld [tilespmem:$0x27D0];
	_ =	sdelay $0x1  }
0x1d0: {  	v3 =	vld [tilespmem:$0x27E0];
	_ =	sdelay $0x1  }
0x1d1: {  	v62 =	vld [tilespmem:$0x27F0];
	v61 =	vand.u32 $0x3FFF, v1;
	v1 =	vshrl.u32 v1, $0xE  }
0x1d2: {  	v63 =	vand.u32 $0x3FFF, v2;
	v4 =	vadd.s32 v0, v61;
	[tilespmem:$0x2B80] =	vst v1  }
0x1d3: {  	v1 =	vadd.s32 v0, v63;
	[tilespmem:$0x2980] =	vst v4  }
0x1d4: {  	[tilespmem:$0x2990] =	vst v1;
	v1 =	vshrl.u32 v2, $0xE;
	v2 =	vand.u32 $0x3FFF, v3  }
0x1d5: {  	[tilespmem:$0x2B90] =	vst v1;
	v1 =	vadd.s32 v0, v2  }
0x1d6: {  	v2 =	vand.u32 $0x3FFF, v62;
	[tilespmem:$0x29A0] =	vst v1;
	v1 =	vshrl.u32 v3, $0xE  }
0x1d7: {  	[tilespmem:$0x2BA0] =	vst v1;
	v1 =	vadd.s32 v0, v2  }
0x1d8: {  	[tilespmem:$0x29B0] =	vst v1;
	v1 =	vshrl.u32 v62, $0xE  }
0x1d9: {  	[tilespmem:$0x2BB0] =	vst v1  }
0x1da: {  	[tilespmem:s20], [sflag:$0x4] =	stream.indirect.gather [hbm4b:s15+s8], $0x80, s18, s8, $0xb8;
	[tilespmem:$0x1EC00] =	vst v63  }
0x1db: {  	_ =	swait.ge [sflag:s22], $0x2000  }
0x1dc: {  	[sflag:s22] =	ssyncset.done $0x0  }
0x1dd: {  	[sflag:s22] =	ssyncadd.s32 $0xFFFFE000  }
0x1de: {  	_ =	swait.ge [sflag:s26], $0x2000  }
0x1df: {  	[sflag:s26] =	ssyncset.done $0x0  }
0x1e0: {  	[sflag:s26] =	ssyncadd.s32 $0xFFFFE000  }
0x1e1: {  	_ =	swait.ge [sflag:s31], $0x2000  }
0x1e2: {  	[sflag:s31] =	ssyncset.done $0x0  }
0x1e3: {  	[sflag:s31] =	ssyncadd.s32 $0xFFFFE000  }
0x1e4: {  	_ =	swait.ge [sflag:s3], $0x2000  }
0x1e5: {  	[sflag:s3] =	ssyncset.done $0x0  }
0x1e6: {  	[sflag:s3] =	ssyncadd.s32 $0xFFFFE000  }
0x1e7: {  	[bflag:$0x0] =	sbarrier.arrive $0xFFFF  }
0x1e8: {  	[bflag:$0x0] =	sbarrier.arrive $0xFFFF  }
0x1e9: {  	[bflag:$0x0] =	sbarrier.arrive $0xFFFF  }
0x1ea: {  	[bflag:$0x0] =	sbarrier.arrive $0xFFFF  }
0x1eb: {  	[bflag:$0x0] =	sbarrier.arrive $0xFFFF  }
0x1ec: {  	[bflag:$0x0] =	sbarrier.arrive $0xFFFF  }
0x1ed: {  	s1 =	rddreg [dreg:$0x14]  }
0x1ee: {  	[tilespmem:s6], [sflag:$0x5] =	stream.linear.gather [spmem:s1], $0x2000, $0x38;
	[tilespmem:$0x1EC00] =	vst v63  }
0x1ef: {  	_ =	swait.ge [sflag:s7], $0x2000  }
0x1f0: {  	[sflag:s7] =	ssyncset.done $0x0  }
0x1f1: {  	s25 =	rddreg [dreg:$0x1a];
	[sflag:s7] =	ssyncadd.s32 $0xFFFFE000  }
0x1f2: {  	[tilespmem:s12], [sflag:$0x5] =	stream.linear.gather [spmem:s25], $0x2000, $0x38;
	[tilespmem:$0x1EC00] =	vst v63  }
0x1f3: {  	_ =	swait.ge [sflag:s7], $0x2000  }
0x1f4: {  	s23 =	simm.s32 $0x400;
	[sflag:s7] =	ssyncset.done $0x0  }
0x1f5: {  	s25 =	simm.s32 $0x800;
	s10 =	rddreg [dreg:$0x5];
	[sflag:s7] =	ssyncadd.s32 $0xFFFFE000  }
0x1f6: {  	[hbm4b:s10+s23] =	stream.strided.scatter [tilespmem:s6], [sflag:$0x5], $0x2000, s25, s23, $0x38;
	[tilespmem:$0x1EC00] =	vst v63  }
0x1f7: {  	_ =	swait.ge [sflag:s7], $0x2000  }
0x1f8: {  	[sflag:s7] =	ssyncset.done $0x0  }
0x1f9: {  	s1 =	rddreg [dreg:$0x6];
	[sflag:s7] =	ssyncadd.s32 $0xFFFFE000  }
0x1fa: {  	[hbm4b:s1+s23] =	stream.strided.scatter [tilespmem:s12], [sflag:$0x5], $0x2000, s25, s23, $0x38;
	[tilespmem:$0x1EC00] =	vst v63  }
0x1fb: {  	_ =	swait.ge [sflag:s7], $0x2000  }
0x1fc: {  	[sflag:s7] =	ssyncset.done $0x0  }
0x1fd: {  	s28 =	rddreg [dreg:$0x12];
	[sflag:s7] =	ssyncadd.s32 $0xFFFFE000  }
0x1fe: {  	[tilespmem:s6], [sflag:$0x5] =	stream.linear.gather [spmem:s28], $0x2000, $0x38;
	[tilespmem:$0x1EC00] =	vst v63  }
0x1ff: {  	_ =	swait.ge [sflag:s7], $0x2000  }
0x200: {  	[sflag:s7] =	ssyncset.done $0x0  }
0x201: {  	s30 =	rddreg [dreg:$0x17];
	[sflag:s7] =	ssyncadd.s32 $0xFFFFE000  }
0x202: {  	[tilespmem:s12], [sflag:$0x5] =	stream.linear.gather [spmem:s30], $0x2000, $0x38;
	[tilespmem:$0x1EC00] =	vst v63  }
0x203: {  	_ =	swait.ge [sflag:s7], $0x2000  }
0x204: {  	[sflag:s7] =	ssyncset.done $0x0  }
0x205: {  	s2 =	rddreg [dreg:$0x7];
	[sflag:s7] =	ssyncadd.s32 $0xFFFFE000  }
0x206: {  	[hbm4b:s2+s23] =	stream.strided.scatter [tilespmem:s6], [sflag:$0x5], $0x2000, s25, s23, $0x38;
	[tilespmem:$0x1EC00] =	vst v63  }
0x207: {  	_ =	swait.ge [sflag:s7], $0x2000  }
0x208: {  	[sflag:s7] =	ssyncset.done $0x0  }
0x209: {  	s4 =	rddreg [dreg:$0x8];
	[sflag:s7] =	ssyncadd.s32 $0xFFFFE000  }
0x20a: {  	[hbm4b:s4+s23] =	stream.strided.scatter [tilespmem:s12], [sflag:$0x5], $0x2000, s25, s23, $0x38;
	[tilespmem:$0x1EC00] =	vst v63  }
0x20b: {  	_ =	swait.ge [sflag:s7], $0x2000  }
0x20c: {  	[sflag:s7] =	ssyncset.done $0x0  }
0x20d: {  	s2 =	rddreg [dreg:$0x16];
	[sflag:s7] =	ssyncadd.s32 $0xFFFFE000  }
0x20e: {  	[tilespmem:s6], [sflag:$0x5] =	stream.linear.gather [spmem:s2], $0x2000, $0x38;
	[tilespmem:$0x1EC00] =	vst v63  }
0x20f: {  	_ =	swait.ge [sflag:s7], $0x2000  }
0x210: {  	[sflag:s7] =	ssyncset.done $0x0  }
0x211: {  	s1 =	rddreg [dreg:$0x19];
	[sflag:s7] =	ssyncadd.s32 $0xFFFFE000  }
0x212: {  	[tilespmem:s12], [sflag:$0x5] =	stream.linear.gather [spmem:s1], $0x2000, $0x38;
	[tilespmem:$0x1EC00] =	vst v63  }
0x213: {  	_ =	swait.ge [sflag:s7], $0x2000  }
0x214: {  	[sflag:s7] =	ssyncset.done $0x0  }
0x215: {  	s17 =	rddreg [dreg:$0x9];
	[sflag:s7] =	ssyncadd.s32 $0xFFFFE000  }
0x216: {  	[hbm4b:s17+s23] =	stream.strided.scatter [tilespmem:s6], [sflag:$0x5], $0x2000, s25, s23, $0x38;
	[tilespmem:$0x1EC00] =	vst v63  }
0x217: {  	_ =	swait.ge [sflag:s7], $0x2000  }
0x218: {  	[sflag:s7] =	ssyncset.done $0x0  }
0x219: {  	s19 =	rddreg [dreg:$0xa];
	[sflag:s7] =	ssyncadd.s32 $0xFFFFE000  }
0x21a: {  	[hbm4b:s19+s23] =	stream.strided.scatter [tilespmem:s12], [sflag:$0x5], $0x2000, s25, s23, $0x38;
	[tilespmem:$0x1EC00] =	vst v63  }
0x21b: {  	_ =	swait.ge [sflag:s7], $0x2000  }
0x21c: {  	[sflag:s7] =	ssyncset.done $0x0  }
0x21d: {  	s17 =	rddreg [dreg:$0x1c];
	[sflag:s7] =	ssyncadd.s32 $0xFFFFE000  }
0x21e: {  	[tilespmem:s6], [sflag:$0x5] =	stream.linear.gather [spmem:s17], $0x2000, $0x38;
	[tilespmem:$0x1EC00] =	vst v63  }
0x21f: {  	_ =	swait.ge [sflag:s7], $0x2000  }
0x220: {  	[sflag:s7] =	ssyncset.done $0x0  }
0x221: {  	s19 =	rddreg [dreg:$0x1e];
	[sflag:s7] =	ssyncadd.s32 $0xFFFFE000  }
0x222: {  	[tilespmem:s12], [sflag:$0x5] =	stream.linear.gather [spmem:s19], $0x2000, $0x38;
	[tilespmem:$0x1EC00] =	vst v63  }
0x223: {  	_ =	swait.ge [sflag:s7], $0x2000  }
0x224: {  	[sflag:s7] =	ssyncset.done $0x0  }
0x225: {  	s21 =	rddreg [dreg:$0xb];
	[sflag:s7] =	ssyncadd.s32 $0xFFFFE000  }
0x226: {  	[hbm4b:s21+s23] =	stream.strided.scatter [tilespmem:s6], [sflag:$0x5], $0x2000, s25, s23, $0x38;
	[tilespmem:$0x1EC00] =	vst v63  }
0x227: {  	_ =	swait.ge [sflag:s7], $0x2000  }
0x228: {  	[sflag:s7] =	ssyncset.done $0x0  }
0x229: {  	s4 =	rddreg [dreg:$0xc];
	[sflag:s7] =	ssyncadd.s32 $0xFFFFE000  }
0x22a: {  	[hbm4b:s4+s23] =	stream.strided.scatter [tilespmem:s12], [sflag:$0x5], $0x2000, s25, s23, $0x38;
	[tilespmem:$0x1EC00] =	vst v63  }
0x22b: {  	_ =	swait.ge [sflag:s7], $0x2000  }
0x22c: {  	s21 =	sld [smem:$0x7FC]  }
0x22d: {  	[sflag:s7] =	ssyncset.done $0x0  }
0x22e: {  	[sflag:s7] =	ssyncadd.s32 $0xFFFFE000  }
0x22f: {  	[tilespmem:s6], [sflag:$0x5] =	stream.linear.gather [spmem:s21], $0x2000, $0x38;
	[tilespmem:$0x1EC00] =	vst v63  }
0x230: {  	_ =	swait.ge [sflag:s7], $0x2000  }
0x231: {  	s4 =	sld [smem:$0x7FD]  }
0x232: {  	[sflag:s7] =	ssyncset.done $0x0  }
0x233: {  	[sflag:s7] =	ssyncadd.s32 $0xFFFFE000  }
0x234: {  	[tilespmem:s12], [sflag:$0x5] =	stream.linear.gather [spmem:s4], $0x2000, $0x38;
	[tilespmem:$0x1EC00] =	vst v63  }
0x235: {  	_ =	swait.ge [sflag:s7], $0x2000  }
0x236: {  	[sflag:s7] =	ssyncset.done $0x0  }
0x237: {  	s10 =	rddreg [dreg:$0xd];
	[sflag:s7] =	ssyncadd.s32 $0xFFFFE000  }
0x238: {  	[hbm4b:s10+s23] =	stream.strided.scatter [tilespmem:s6], [sflag:$0x5], $0x2000, s25, s23, $0x38;
	[tilespmem:$0x1EC00] =	vst v63  }
0x239: {  	_ =	swait.ge [sflag:s7], $0x2000  }
0x23a: {  	[sflag:s7] =	ssyncset.done $0x0  }
0x23b: {  	s10 =	rddreg [dreg:$0xe];
	[sflag:s7] =	ssyncadd.s32 $0xFFFFE000  }
0x23c: {  	[hbm4b:s10+s23] =	stream.strided.scatter [tilespmem:s12], [sflag:$0x5], $0x2000, s25, s23, $0x38;
	[tilespmem:$0x1EC00] =	vst v63  }
0x23d: {  	s25 =	rddreg [dreg:$0x14];
	_ =	swait.ge [sflag:s7], $0x2000  }
0x23e: {  	s10 =	sld [smem:$0x7F9];
	_ =	sdelay $0x2  }
0x23f: {  	s23 =	sadd.s32 $0x1, s10;
	s10 =	sld [smem:$0x7FB];
	_ =	sdelay $0x2  }
0x240: {  	p0 =	sne.s32 s23, s10  }
.Ltmp1:
0x241: {  	_ = 	snop;
	(pc) =	sbr.rel @p0 .LBB2_1-.Ltmp1, $3  }
0x242: {  	_ =	sdelay $0x1  }
0x243: {  	[sflag:s7] =	ssyncset.done $0x0  }
0x244: {  	[sflag:s7] =	ssyncadd.s32 $0xFFFFE000  }
0x245: {  	_ =	sfence.sel $0x180000  }
0x246: {  	[bflag:$0x0] =	sbarrier.arrive $0xFFFF  }
0x247: {  	_ =	strace $0x9000004A  }
0x248: {  	s0 =	stileid.u32;
	[bflag:$0x2] =	sbarrier.arrive $0xFFFF  }
0x249: {  	p0 =	sne.s32 s0, $0x0;
	s0 =	rddreg [dreg:$0x3]  }
0x24a: {  	s0 =	sadd.s32 @!p0 $0x100000, s0  }
0x24b: {  	[sflag:s0] =	ssyncadd.tile.s32 @!p0 $0x1;
	_ =	shalt  }
.Lfunc_end2:
_tile_overlayer_lowered:
.L_overlay_start_2:
0x24c: {  	(tag) =	ssettag $0x2  }
0x24d: {  	s0 =	rddreg [dreg:$0x0];
	s2 =	stileid.u32  }
0x24e: {  	s1 =	rddreg [dreg:$0x1];
	p0 =	sne.s32 s2, $0x0  }
0x24f: {  	s3 =	rddreg [dreg:$0x2];
	[bflag:$0x3] =	sbarrier.arrive $0xFFFF;
	s2 =	simm.s32 @!p0 $0x1C05  }
0x250: {  	[timem:s3], [sflag:s2] =	dma.local @!p0 [hbm:s0], s1  }
0x251: {  	s0 =	simm.s32 @!p0 $0x5  }
0x252: {  	_ =	swait.ge @!p0 [sflag:s0], s1  }
0x253: {  	s1 =	ssub.s32 @!p0 $0x0, s1;
	[sflag:s0] =	ssyncset.done @!p0 $0x0  }
0x254: {  	[sflag:s0] =	ssyncadd.s32 @!p0 s1  }
0x255: {  	[bflag:$0x3] =	sbarrier.arrive $0xFFFF  }
0x256: {  	_ =	shalt  }

</sc_bundles>
